<compile_context>
chip_gen: v7x
topology: tpu7x:2x2x1
jax: 0.10.2.dev20260603
libtpu: 0.0.44.dev20260713+nightly
codegen_flags: <defaults>
</compile_context>

<pallas_src>
import jax
import jax.numpy as jnp
from jax import lax
from jax.experimental import pallas as pl
from jax.experimental.pallas import tpu as pltpu
from jax.experimental.pallas import tpu_sc as plsc

N = 10000
E = 160000
D = 256
HALF = 128
NT = 16
EPT = E // NT
CH = 80
NCH = EPT // CH
N2 = 10240
SP = N2 // NT

R = 1000
NB = N // R



def _deg_body(idx_ref, deg_ref, sidx_v, didx_v, ones_v, hs, hd, zbuf, sem):
    c = lax.axis_index("c")
    s = lax.axis_index("s")

    def fill(j, carry):
        zbuf[pl.ds(j * 16, 16)] = jnp.zeros((16,), jnp.float32)
        return carry
    lax.fori_loop(0, SP // 16, fill, 0)
    for j in range(CH // 16):
        ones_v[pl.ds(j * 16, 16)] = jnp.ones((16,), jnp.float32)
    pltpu.sync_copy(zbuf, hs.at[pl.ds(s * SP, SP)])
    pltpu.sync_copy(zbuf, hd.at[pl.ds(s * SP, SP)])
    pltpu.sync_copy(idx_ref.at[2 * c, s], sidx_v)
    pltpu.sync_copy(idx_ref.at[2 * c + 1, s], didx_v)
    plsc.subcore_barrier()

    def issue(j, carry):
        pltpu.async_copy(ones_v, hs.at[sidx_v.at[j]], sem, add=True)
        pltpu.async_copy(ones_v, hd.at[didx_v.at[j]], sem, add=True)
        return carry
    lax.fori_loop(0, NCH, issue, 0)

    def drain(j, carry):
        pltpu.make_async_copy(ones_v, hs.at[sidx_v.at[0]], sem).wait()
        pltpu.make_async_copy(ones_v, hd.at[didx_v.at[0]], sem).wait()
        return carry
    lax.fori_loop(0, NCH, drain, 0)
    plsc.subcore_barrier()

    @pl.when(s == 0)
    def _():
        pltpu.sync_copy(hs, deg_ref.at[pl.ds(c * 2 * N2, N2)])
        pltpu.sync_copy(hd, deg_ref.at[pl.ds((c * 2 + 1) * N2, N2)])


def _degrees(idx_all):
    return pl.kernel(
        _deg_body,
        out_type=jax.ShapeDtypeStruct((4 * N2,), jnp.float32),
        mesh=plsc.VectorSubcoreMesh(core_axis_name="c", subcore_axis_name="s"),
        scratch_types=[
            pltpu.VMEM((NCH, CH), jnp.int32),
            pltpu.VMEM((NCH, CH), jnp.int32),
            pltpu.VMEM((CH,), jnp.float32),
            pltpu.VMEM_SHARED((N2,), jnp.float32),
            pltpu.VMEM_SHARED((N2,), jnp.float32),
            pltpu.VMEM((SP,), jnp.float32),
            pltpu.SemaphoreType.DMA,
        ],
    )(idx_all)



def _scale_body(xk_ref, xl_ref, dok_ref, dik_ref, dol_ref, dil_ref,
                xsk_ref, xsl_ref, ndk_ref, ndl_ref):
    def nrm(d):
        return jnp.where(d > 0, lax.rsqrt(jnp.maximum(d, 1e-12)), 0.0)

    xsk_ref[0] = xk_ref[:, :] * nrm(dok_ref[:, :])
    xsl_ref[0] = xl_ref[:, :] * nrm(dol_ref[:, :])
    ndk_ref[:, :] = nrm(dik_ref[:, :])
    ndl_ref[:, :] = nrm(dil_ref[:, :])


def _scale(x_knows, x_likes, dok, dik, dol, dil):
    return pl.pallas_call(
        _scale_body,
        grid=(NB, 2),
        in_specs=[
            pl.BlockSpec((R, HALF), lambda i, h: (i, h)),
            pl.BlockSpec((R, HALF), lambda i, h: (i, h)),
            pl.BlockSpec((R, 1), lambda i, h: (i, 0)),
            pl.BlockSpec((R, 1), lambda i, h: (i, 0)),
            pl.BlockSpec((R, 1), lambda i, h: (i, 0)),
            pl.BlockSpec((R, 1), lambda i, h: (i, 0)),
        ],
        out_specs=[
            pl.BlockSpec((1, R, HALF), lambda i, h: (h, i, 0)),
            pl.BlockSpec((1, R, HALF), lambda i, h: (h, i, 0)),
            pl.BlockSpec((R, 1), lambda i, h: (i, 0)),
            pl.BlockSpec((R, 1), lambda i, h: (i, 0)),
        ],
        out_shape=[
            jax.ShapeDtypeStruct((2, N, HALF), jnp.float32),
            jax.ShapeDtypeStruct((2, N, HALF), jnp.float32),
            jax.ShapeDtypeStruct((N, 1), jnp.float32),
            jax.ShapeDtypeStruct((N, 1), jnp.float32),
        ],
    )(x_knows, x_likes, dok, dik, dol, dil)



def _agg_body(xs_k_ref, src_k_ref, dst_k_ref, xs_l_ref, src_l_ref, dst_l_ref,
              out_k_ref, out_l_ref, s0, s1, s2, didx_v, b0, b1, b2, agg,
              i0, i1, i2, g0, g1, g2, t0, t1, t2):
    c = lax.axis_index("c")
    s = lax.axis_index("s")
    sbufs = (s0, s1, s2)
    isems = (i0, i1, i2)
    bufs = (b0, b1, b2)
    gs = (g0, g1, g2)
    ts = (t0, t1, t2)

    def run_rel(xs_ref, src_ref, dst_ref, out_ref):
        pltpu.sync_copy(dst_ref.at[s], didx_v)
        def fill(j, carry):
            b0[0, pl.ds(j * 16, 16)] = jnp.zeros((16,), jnp.float32)
            return carry
        lax.fori_loop(0, (CH * HALF) // 16, fill, 0)
        for q in range(SP // CH):
            pltpu.sync_copy(b0, agg.at[pl.ds(s * SP + q * CH, CH)])
        plsc.subcore_barrier()

        def iload(j, k):
            pltpu.async_copy(src_ref.at[pl.ds(c * E + s * EPT + j * CH, CH)],
                             sbufs[k], isems[k])

        def iwait(j, k):
            pltpu.make_async_copy(
                src_ref.at[pl.ds(c * E + s * EPT + j * CH, CH)],
                sbufs[k], isems[k]).wait()

        def gather(j, k):
            pltpu.async_copy(xs_ref.at[sbufs[k]], bufs[k], gs[k])

        def gwait(j, k):
            pltpu.make_async_copy(xs_ref.at[sbufs[k]], bufs[k], gs[k]).wait()

        def ascat(j, k):
            pltpu.async_copy(bufs[k], agg.at[didx_v.at[j]], ts[k], add=True)

        def twait(j, k):
            pltpu.make_async_copy(bufs[k], agg.at[didx_v.at[j]],
                                  ts[k]).wait()

        iload(0, 0)
        iload(1, 1)
        iload(2, 2)
        iwait(0, 0)
        gather(0, 0)
        iwait(1, 1)
        gather(1, 1)
        gwait(0, 0)
        ascat(0, 0)
        iload(3, 0)
        iwait(2, 2)
        gather(2, 2)
        gwait(1, 1)
        ascat(1, 1)

        def step(i, carry):
            for kk in range(3):
                j = 3 * i + 2 + kk
                k = (2 + kk) % 3
                kn = (k + 1) % 3
                iload(j + 2, (k + 2) % 3)
                twait(j - 2, kn)
                iwait(j + 1, kn)
                gather(j + 1, kn)
                gwait(j, k)
                ascat(j, k)
            return carry
        lax.fori_loop(0, (NCH - 4) // 3, step, 0)
        iload(NCH - 1, (NCH - 1) % 3)
        twait(NCH - 5, (NCH - 2) % 3)
        iwait(NCH - 2, (NCH - 2) % 3)
        gather(NCH - 2, (NCH - 2) % 3)
        gwait(NCH - 3, (NCH - 3) % 3)
        ascat(NCH - 3, (NCH - 3) % 3)
        twait(NCH - 4, (NCH - 1) % 3)
        iwait(NCH - 1, (NCH - 1) % 3)
        gather(NCH - 1, (NCH - 1) % 3)
        gwait(NCH - 2, (NCH - 2) % 3)
        ascat(NCH - 2, (NCH - 2) % 3)
        gwait(NCH - 1, (NCH - 1) % 3)
        ascat(NCH - 1, (NCH - 1) % 3)
        twait(NCH - 3, (NCH - 3) % 3)
        twait(NCH - 2, (NCH - 2) % 3)
        twait(NCH - 1, (NCH - 1) % 3)

        plsc.subcore_barrier()
        pltpu.sync_copy(agg.at[pl.ds(s * SP, SP)],
                        out_ref.at[c, pl.ds(s * SP, SP)])
        plsc.subcore_barrier()

    run_rel(xs_k_ref, src_k_ref, dst_k_ref, out_k_ref)
    run_rel(xs_l_ref, src_l_ref, dst_l_ref, out_l_ref)


def _aggregate(xs_k2, src2_k, dst_k, xs_l2, src2_l, dst_l):
    return pl.kernel(
        _agg_body,
        out_type=[
            jax.ShapeDtypeStruct((2, N2, HALF), jnp.float32),
            jax.ShapeDtypeStruct((2, N2, HALF), jnp.float32),
        ],
        mesh=plsc.VectorSubcoreMesh(core_axis_name="c", subcore_axis_name="s"),
        scratch_types=[
            pltpu.VMEM((CH,), jnp.int32),
            pltpu.VMEM((CH,), jnp.int32),
            pltpu.VMEM((CH,), jnp.int32),
            pltpu.VMEM((NCH, CH), jnp.int32),
            pltpu.VMEM((CH, HALF), jnp.float32),
            pltpu.VMEM((CH, HALF), jnp.float32),
            pltpu.VMEM((CH, HALF), jnp.float32),
            pltpu.VMEM_SHARED((N2, HALF), jnp.float32),
            pltpu.SemaphoreType.DMA,
            pltpu.SemaphoreType.DMA,
            pltpu.SemaphoreType.DMA,
            pltpu.SemaphoreType.DMA,
            pltpu.SemaphoreType.DMA,
            pltpu.SemaphoreType.DMA,
            pltpu.SemaphoreType.DMA,
            pltpu.SemaphoreType.DMA,
            pltpu.SemaphoreType.DMA,
        ],
    )(xs_k2, src2_k, dst_k, xs_l2, src2_l, dst_l)



def _out_body(ak_ref, al_ref, ndk_ref, ndl_ref, wk_ref, bk_ref, wl_ref,
              bl_ref, g_ref, be_ref, o_ref):
    ndk = ndk_ref[:, :]
    ndl = ndl_ref[:, :]
    hk = (jnp.dot(ak_ref[0] * ndk, wk_ref[0:HALF, :],
                  preferred_element_type=jnp.float32)
          + jnp.dot(ak_ref[1] * ndk, wk_ref[HALF:, :],
                    preferred_element_type=jnp.float32)
          + bk_ref[:, :])
    hl = (jnp.dot(al_ref[0] * ndl, wl_ref[0:HALF, :],
                  preferred_element_type=jnp.float32)
          + jnp.dot(al_ref[1] * ndl, wl_ref[HALF:, :],
                    preferred_element_type=jnp.float32)
          + bl_ref[:, :])
    hk = jnp.maximum(hk, 0.0)
    hl = jnp.maximum(hl, 0.0)
    m = jnp.maximum(hk, hl)
    lse = m + jnp.log(jnp.exp(hk - m) + jnp.exp(hl - m))
    mu = jnp.mean(lse, axis=1, keepdims=True)
    dv = lse - mu
    var = jnp.mean(dv * dv, axis=1, keepdims=True)
    o_ref[:, :] = dv * lax.rsqrt(var + 1e-6) * g_ref[:, :] + be_ref[:, :]


def _epilogue(agg_k, agg_l, nd_k, nd_l, wk, bk, wl, bl, gamma, beta):
    return pl.pallas_call(
        _out_body,
        grid=(NB,),
        in_specs=[
            pl.BlockSpec((2, R, HALF), lambda i: (0, i, 0)),
            pl.BlockSpec((2, R, HALF), lambda i: (0, i, 0)),
            pl.BlockSpec((R, 1), lambda i: (i, 0)),
            pl.BlockSpec((R, 1), lambda i: (i, 0)),
            pl.BlockSpec((D, D), lambda i: (0, 0)),
            pl.BlockSpec((1, D), lambda i: (0, 0)),
            pl.BlockSpec((D, D), lambda i: (0, 0)),
            pl.BlockSpec((1, D), lambda i: (0, 0)),
            pl.BlockSpec((1, D), lambda i: (0, 0)),
            pl.BlockSpec((1, D), lambda i: (0, 0)),
        ],
        out_specs=pl.BlockSpec((R, D), lambda i: (i, 0)),
        out_shape=jax.ShapeDtypeStruct((N, D), jnp.float32),
    )(agg_k, agg_l, nd_k, nd_l, wk, bk, wl, bl, gamma, beta)



def kernel(x_knows, x_likes, edge_index_knows, edge_index_likes, W_knows,
           b_knows, W_likes, b_likes, gamma, beta):
    ei_k = edge_index_knows.astype(jnp.int32)
    ei_l = edge_index_likes.astype(jnp.int32)
    idx_all = jnp.stack([ei_k[0], ei_k[1], ei_l[0], ei_l[1]]
                        ).reshape(4, NT, NCH, CH)

    deg = _degrees(idx_all).reshape(4, N2)[:, :N]
    dego_k = deg[0].reshape(N, 1)
    degi_k = deg[1].reshape(N, 1)
    dego_l = deg[2].reshape(N, 1)
    degi_l = deg[3].reshape(N, 1)

    xs_k, xs_l, nd_k, nd_l = _scale(x_knows, x_likes,
                                    dego_k, degi_k, dego_l, degi_l)

    src2_k = jnp.concatenate([ei_k[0], ei_k[0] + N])
    src2_l = jnp.concatenate([ei_l[0], ei_l[0] + N])
    agg_k, agg_l = _aggregate(xs_k.reshape(2 * N, HALF), src2_k,
                              ei_k[1].reshape(NT, NCH, CH),
                              xs_l.reshape(2 * N, HALF), src2_l,
                              ei_l[1].reshape(NT, NCH, CH))

    bk = b_knows.reshape(1, D)
    bl = b_likes.reshape(1, D)
    return _epilogue(agg_k, agg_l, nd_k, nd_l, W_knows, bk, W_likes, bl,
                     gamma.reshape(1, D), beta.reshape(1, D))

# --- scband reference (transcript-rebuilt; emitter-appended) ---
"""Pipeline reference for scband-attributes-conv-5102421148353 (READ-ONLY COPY).

The authoritative reference and input builder live on the scoring server;
editing this copy changes nothing except your own understanding.
"""

import jax, jax.numpy as jnp
import numpy as np

N = 10000
E = 160000
D = 256


def setup_inputs(seed: int = 0) -> dict:
    key = jax.random.key(seed)
    ks = jax.random.split(key, 10)
    return {
        "x_knows": jax.random.normal(ks[0], (N, D), dtype=jnp.float32),
        "x_likes": jax.random.normal(ks[1], (N, D), dtype=jnp.float32),
        "edge_index_knows": jax.random.randint(ks[2], (2, E), 0, N).astype(jnp.int64),
        "edge_index_likes": jax.random.randint(ks[3], (2, E), 0, N).astype(jnp.int64),
        "W_knows": jax.random.normal(ks[4], (D, D), dtype=jnp.float32) * (1.0 / np.sqrt(D)),
        "b_knows": jnp.zeros((D,), dtype=jnp.float32),
        "W_likes": jax.random.normal(ks[5], (D, D), dtype=jnp.float32) * (1.0 / np.sqrt(D)),
        "b_likes": jnp.zeros((D,), dtype=jnp.float32),
        "gamma": jnp.ones((D,), dtype=jnp.float32),
        "beta": jnp.zeros((D,), dtype=jnp.float32),
    }


def _graph_conv(x, edge_index, W, b):
    # DGL GraphConv with norm='both', weight=True, bias=True, activation=relu
    src = edge_index[0]
    dst = edge_index[1]
    n = x.shape[0]
    ones = jnp.ones(src.shape[0], dtype=x.dtype)
    deg_out = jnp.zeros((n,), dtype=x.dtype).at[src].add(ones)
    deg_in = jnp.zeros((n,), dtype=x.dtype).at[dst].add(ones)
    norm_src = jnp.where(deg_out > 0, jax.lax.rsqrt(jnp.maximum(deg_out, 1e-12)), 0.0)
    norm_dst = jnp.where(deg_in > 0, jax.lax.rsqrt(jnp.maximum(deg_in, 1e-12)), 0.0)
    h = x * norm_src[:, None]
    agg = jnp.zeros((n, x.shape[1]), dtype=x.dtype).at[dst].add(h[src])
    agg = agg * norm_dst[:, None]
    out = agg @ W + b
    return jax.nn.relu(out)


def _layer_norm(x, gamma, beta, eps=1e-6):
    mu = jnp.mean(x, axis=-1, keepdims=True)
    var = jnp.var(x, axis=-1, keepdims=True)
    return (x - mu) * jax.lax.rsqrt(var + eps) * gamma + beta


def reference(x_knows, x_likes, edge_index_knows, edge_index_likes, W_knows, b_knows, W_likes, b_likes, gamma, beta):
    # dropout = 0.0 -> identity
    h_knows = _graph_conv(x_knows, edge_index_knows, W_knows, b_knows)
    h_likes = _graph_conv(x_likes, edge_index_likes, W_likes, b_likes)
    # HeteroGraphConv aggregate='lse' (log-sum-exp across relation outputs for the shared dst node type)
    stacked = jnp.stack([h_knows, h_likes], axis=0)
    h = jax.scipy.special.logsumexp(stacked, axis=0)
    # layer normalization (eps=1e-6, elementwise affine)
    return _layer_norm(h, gamma, beta)

if __name__ == "__main__":
    import jax
    _d = setup_inputs()
    print(jax.jit(kernel)(*tuple(_d.values())))

</pallas_src>

<mosaic_0001>
#map = affine_map<(d0, d1) -> (0, 0, 0, 0)>
#map1 = affine_map<(d0, d1) -> (0)>
module attributes {stable_mosaic.version = 14 : i64} {
  func.func @_deg_body(%arg0: i32, %arg1: i32, %arg2: memref<4x16x125x80xi32, #tpu.memory_space<hbm>>, %arg3: memref<40960xf32, #tpu.memory_space<hbm>>, %arg4: memref<125x80xi32, #tpu.memory_space<vmem>>, %arg5: memref<125x80xi32, #tpu.memory_space<vmem>>, %arg6: memref<80xf32, #tpu.memory_space<vmem>>, %arg7: memref<10240xf32, #tpu.memory_space<vmem_shared>>, %arg8: memref<10240xf32, #tpu.memory_space<vmem_shared>>, %arg9: memref<640xf32, #tpu.memory_space<vmem>>, %arg10: memref<!tpu.dma_semaphore, #tpu.memory_space<semaphore_mem>>) attributes {dimension_semantics = [#tpu.dimension_semantics<core_parallel>, #tpu.dimension_semantics<subcore_parallel>], iteration_bounds = array<i64: 2, 16>, scalar_prefetch = 0 : i64, scratch_operands = 7 : i64, tpu.core_type = #tpu.core_type<sc_vector_subcore>, window_params = [{transform_indices = #map}, {transform_indices = #map1}]} {
    %scan3A = arith.constant 0 : i32
    %scan3A_0 = arith.constant 0 : i32
    %scan3A_1 = arith.constant 40 : i32
    %scan3A_2 = arith.addi %scan3A_0, %scan3A_1 : i32
    %scan3A_3 = arith.constant 1 : i32
    scf.for %scan3A_56 = %scan3A_0 to %scan3A_2 step %scan3A_3  : i32 {
      %broadcast_in_dim3A_57 = arith.constant 0.000000e+00 : f32
      %broadcast_in_dim3A_58 = vector.broadcast %broadcast_in_dim3A_57 : f32 to vector<16xf32>
      %mul3A_59 = arith.constant 16 : i32
      %mul3A_60 = arith.muli %scan3A_56, %mul3A_59 : i32
      %swap3A_61 = arith.index_cast %mul3A_60 : i32 to index
      %swap3A_62 = tpu.vector_load %arg9[%swap3A_61] {strides = array<i32>} : memref<640xf32, #tpu.memory_space<vmem>>, vector<16xf32>,
      %swap3A_63 = vector.shape_cast %swap3A_62 : vector<16xf32> to vector<16xf32>
      %swap3A_64 = vector.shape_cast %broadcast_in_dim3A_58 : vector<16xf32> to vector<16xf32>
      tpu.vector_store %arg9[%swap3A_61], %swap3A_64 {strides = array<i32>} : memref<640xf32, #tpu.memory_space<vmem>>, vector<16xf32>,
    }
    %scan3A_4 = arith.constant 40 : i32
    %broadcast_in_dim3A = arith.constant 1.000000e+00 : f32
    %broadcast_in_dim3A_5 = vector.broadcast %broadcast_in_dim3A : f32 to vector<16xf32>
    %swap3A = arith.constant 0 : index
    %swap3A_6 = tpu.vector_load %arg6[%swap3A] {strides = array<i32>} : memref<80xf32, #tpu.memory_space<vmem>>, vector<16xf32>,
    %swap3A_7 = vector.shape_cast %swap3A_6 : vector<16xf32> to vector<16xf32>
    %swap3A_8 = vector.shape_cast %broadcast_in_dim3A_5 : vector<16xf32> to vector<16xf32>
    tpu.vector_store %arg6[%swap3A], %swap3A_8 {strides = array<i32>} : memref<80xf32, #tpu.memory_space<vmem>>, vector<16xf32>,
    %broadcast_in_dim3A_9 = arith.constant 1.000000e+00 : f32
    %broadcast_in_dim3A_10 = vector.broadcast %broadcast_in_dim3A_9 : f32 to vector<16xf32>
    %swap3A_11 = arith.constant 16 : index
    %swap3A_12 = tpu.vector_load %arg6[%swap3A_11] {strides = array<i32>} : memref<80xf32, #tpu.memory_space<vmem>>, vector<16xf32>,
    %swap3A_13 = vector.shape_cast %swap3A_12 : vector<16xf32> to vector<16xf32>
    %swap3A_14 = vector.shape_cast %broadcast_in_dim3A_10 : vector<16xf32> to vector<16xf32>
    tpu.vector_store %arg6[%swap3A_11], %swap3A_14 {strides = array<i32>} : memref<80xf32, #tpu.memory_space<vmem>>, vector<16xf32>,
    %broadcast_in_dim3A_15 = arith.constant 1.000000e+00 : f32
    %broadcast_in_dim3A_16 = vector.broadcast %broadcast_in_dim3A_15 : f32 to vector<16xf32>
    %swap3A_17 = arith.constant 32 : index
    %swap3A_18 = tpu.vector_load %arg6[%swap3A_17] {strides = array<i32>} : memref<80xf32, #tpu.memory_space<vmem>>, vector<16xf32>,
    %swap3A_19 = vector.shape_cast %swap3A_18 : vector<16xf32> to vector<16xf32>
    %swap3A_20 = vector.shape_cast %broadcast_in_dim3A_16 : vector<16xf32> to vector<16xf32>
    tpu.vector_store %arg6[%swap3A_17], %swap3A_20 {strides = array<i32>} : memref<80xf32, #tpu.memory_space<vmem>>, vector<16xf32>,
    %broadcast_in_dim3A_21 = arith.constant 1.000000e+00 : f32
    %broadcast_in_dim3A_22 = vector.broadcast %broadcast_in_dim3A_21 : f32 to vector<16xf32>
    %swap3A_23 = arith.constant 48 : index
    %swap3A_24 = tpu.vector_load %arg6[%swap3A_23] {strides = array<i32>} : memref<80xf32, #tpu.memory_space<vmem>>, vector<16xf32>,
    %swap3A_25 = vector.shape_cast %swap3A_24 : vector<16xf32> to vector<16xf32>
    %swap3A_26 = vector.shape_cast %broadcast_in_dim3A_22 : vector<16xf32> to vector<16xf32>
    tpu.vector_store %arg6[%swap3A_23], %swap3A_26 {strides = array<i32>} : memref<80xf32, #tpu.memory_space<vmem>>, vector<16xf32>,
    %broadcast_in_dim3A_27 = arith.constant 1.000000e+00 : f32
    %broadcast_in_dim3A_28 = vector.broadcast %broadcast_in_dim3A_27 : f32 to vector<16xf32>
    %swap3A_29 = arith.constant 64 : index
    %swap3A_30 = tpu.vector_load %arg6[%swap3A_29] {strides = array<i32>} : memref<80xf32, #tpu.memory_space<vmem>>, vector<16xf32>,
    %swap3A_31 = vector.shape_cast %swap3A_30 : vector<16xf32> to vector<16xf32>
    %swap3A_32 = vector.shape_cast %broadcast_in_dim3A_28 : vector<16xf32> to vector<16xf32>
    tpu.vector_store %arg6[%swap3A_29], %swap3A_32 {strides = array<i32>} : memref<80xf32, #tpu.memory_space<vmem>>, vector<16xf32>,
    %mul3A = arith.constant 640 : i32
    %mul3A_33 = arith.muli %arg1, %mul3A : i32
    "tpu.region"() ({
      %run_scoped3A = tpu.sem_alloc : memref<!tpu.dma_semaphore, #tpu.memory_space<semaphore_mem>>
      %dma_start3A = tpu.memref_slice %arg7[%mul3A_33] : memref<10240xf32, #tpu.memory_space<vmem_shared>> -> memref<640xf32, #tpu.memory_space<vmem_shared>>
      %dma_start3A_56 = tpu.memref_slice %arg7[%mul3A_33] : memref<10240xf32, #tpu.memory_space<vmem_shared>> -> memref<640xf32, #tpu.memory_space<vmem_shared>>
      tpu.enqueue_dma source(%arg9 : memref<640xf32, #tpu.memory_space<vmem>>) target(%dma_start3A_56 : memref<640xf32, #tpu.memory_space<vmem_shared>>) target_semaphore(%run_scoped3A : memref<!tpu.dma_semaphore, #tpu.memory_space<semaphore_mem>>)
      %dma_wait3A = tpu.memref_slice %arg7[%mul3A_33] : memref<10240xf32, #tpu.memory_space<vmem_shared>> -> memref<640xf32, #tpu.memory_space<vmem_shared>>
      %dma_wait3A_57 = tpu.memref_slice %arg7[%mul3A_33] : memref<10240xf32, #tpu.memory_space<vmem_shared>> -> memref<640xf32, #tpu.memory_space<vmem_shared>>
      tpu.wait_dma2 semaphore(%run_scoped3A : memref<!tpu.dma_semaphore, #tpu.memory_space<semaphore_mem>>) src(%arg9 : memref<640xf32, #tpu.memory_space<vmem>>) dst(%dma_wait3A_57 : memref<640xf32, #tpu.memory_space<vmem_shared>>)
      tpu.yield
    }) : () -> ()
    %mul3A_34 = arith.constant 640 : i32
    %mul3A_35 = arith.muli %arg1, %mul3A_34 : i32
    "tpu.region"() ({
      %run_scoped3A = tpu.sem_alloc : memref<!tpu.dma_semaphore, #tpu.memory_space<semaphore_mem>>
      %dma_start3A = tpu.memref_slice %arg8[%mul3A_35] : memref<10240xf32, #tpu.memory_space<vmem_shared>> -> memref<640xf32, #tpu.memory_space<vmem_shared>>
      %dma_start3A_56 = tpu.memref_slice %arg8[%mul3A_35] : memref<10240xf32, #tpu.memory_space<vmem_shared>> -> memref<640xf32, #tpu.memory_space<vmem_shared>>
      tpu.enqueue_dma source(%arg9 : memref<640xf32, #tpu.memory_space<vmem>>) target(%dma_start3A_56 : memref<640xf32, #tpu.memory_space<vmem_shared>>) target_semaphore(%run_scoped3A : memref<!tpu.dma_semaphore, #tpu.memory_space<semaphore_mem>>)
      %dma_wait3A = tpu.memref_slice %arg8[%mul3A_35] : memref<10240xf32, #tpu.memory_space<vmem_shared>> -> memref<640xf32, #tpu.memory_space<vmem_shared>>
      %dma_wait3A_57 = tpu.memref_slice %arg8[%mul3A_35] : memref<10240xf32, #tpu.memory_space<vmem_shared>> -> memref<640xf32, #tpu.memory_space<vmem_shared>>
      tpu.wait_dma2 semaphore(%run_scoped3A : memref<!tpu.dma_semaphore, #tpu.memory_space<semaphore_mem>>) src(%arg9 : memref<640xf32, #tpu.memory_space<vmem>>) dst(%dma_wait3A_57 : memref<640xf32, #tpu.memory_space<vmem_shared>>)
      tpu.yield
    }) : () -> ()
    %mul3A_36 = arith.constant 2 : i32
    %mul3A_37 = arith.muli %mul3A_36, %arg0 : i32
    "tpu.region"() ({
      %run_scoped3A = tpu.sem_alloc : memref<!tpu.dma_semaphore, #tpu.memory_space<semaphore_mem>>
      %dma_start3A = arith.constant 0 : i32
      %dma_start3A_56 = arith.constant 0 : i32
      %dma_start3A_57 = tpu.memref_slice %arg2[%mul3A_37, %arg1, %dma_start3A, %dma_start3A_56] : memref<4x16x125x80xi32, #tpu.memory_space<hbm>> -> memref<1x1x125x80xi32, #tpu.memory_space<hbm>>
      %dma_start3A_58 = tpu.memref_squeeze %dma_start3A_57 : memref<1x1x125x80xi32, #tpu.memory_space<hbm>> -> memref<125x80xi32, #tpu.memory_space<hbm>>
      %dma_start3A_59 = arith.constant 0 : i32
      %dma_start3A_60 = arith.constant 0 : i32
      %dma_start3A_61 = tpu.memref_slice %arg2[%mul3A_37, %arg1, %dma_start3A_59, %dma_start3A_60] : memref<4x16x125x80xi32, #tpu.memory_space<hbm>> -> memref<1x1x125x80xi32, #tpu.memory_space<hbm>>
      %dma_start3A_62 = tpu.memref_squeeze %dma_start3A_61 : memref<1x1x125x80xi32, #tpu.memory_space<hbm>> -> memref<125x80xi32, #tpu.memory_space<hbm>>
      tpu.enqueue_dma source(%dma_start3A_62 : memref<125x80xi32, #tpu.memory_space<hbm>>) target(%arg4 : memref<125x80xi32, #tpu.memory_space<vmem>>) target_semaphore(%run_scoped3A : memref<!tpu.dma_semaphore, #tpu.memory_space<semaphore_mem>>)
      %dma_wait3A = arith.constant 0 : i32
      %dma_wait3A_63 = arith.constant 0 : i32
      %dma_wait3A_64 = tpu.memref_slice %arg2[%mul3A_37, %arg1, %dma_wait3A, %dma_wait3A_63] : memref<4x16x125x80xi32, #tpu.memory_space<hbm>> -> memref<1x1x125x80xi32, #tpu.memory_space<hbm>>
      %dma_wait3A_65 = tpu.memref_squeeze %dma_wait3A_64 : memref<1x1x125x80xi32, #tpu.memory_space<hbm>> -> memref<125x80xi32, #tpu.memory_space<hbm>>
      %dma_wait3A_66 = arith.constant 0 : i32
      %dma_wait3A_67 = arith.constant 0 : i32
      %dma_wait3A_68 = tpu.memref_slice %arg2[%mul3A_37, %arg1, %dma_wait3A_66, %dma_wait3A_67] : memref<4x16x125x80xi32, #tpu.memory_space<hbm>> -> memref<1x1x125x80xi32, #tpu.memory_space<hbm>>
      %dma_wait3A_69 = tpu.memref_squeeze %dma_wait3A_68 : memref<1x1x125x80xi32, #tpu.memory_space<hbm>> -> memref<125x80xi32, #tpu.memory_space<hbm>>
      tpu.wait_dma2 semaphore(%run_scoped3A : memref<!tpu.dma_semaphore, #tpu.memory_space<semaphore_mem>>) src(%dma_wait3A_69 : memref<125x80xi32, #tpu.memory_space<hbm>>) dst(%arg4 : memref<125x80xi32, #tpu.memory_space<vmem>>)
      tpu.yield
    }) : () -> ()
    %mul3A_38 = arith.constant 2 : i32
    %mul3A_39 = arith.muli %mul3A_38, %arg0 : i32
    %add3A = arith.constant 1 : i32
    %add3A_40 = arith.addi %mul3A_39, %add3A : i32
    "tpu.region"() ({
      %run_scoped3A = tpu.sem_alloc : memref<!tpu.dma_semaphore, #tpu.memory_space<semaphore_mem>>
      %dma_start3A = arith.constant 0 : i32
      %dma_start3A_56 = arith.constant 0 : i32
      %dma_start3A_57 = tpu.memref_slice %arg2[%add3A_40, %arg1, %dma_start3A, %dma_start3A_56] : memref<4x16x125x80xi32, #tpu.memory_space<hbm>> -> memref<1x1x125x80xi32, #tpu.memory_space<hbm>>
      %dma_start3A_58 = tpu.memref_squeeze %dma_start3A_57 : memref<1x1x125x80xi32, #tpu.memory_space<hbm>> -> memref<125x80xi32, #tpu.memory_space<hbm>>
      %dma_start3A_59 = arith.constant 0 : i32
      %dma_start3A_60 = arith.constant 0 : i32
      %dma_start3A_61 = tpu.memref_slice %arg2[%add3A_40, %arg1, %dma_start3A_59, %dma_start3A_60] : memref<4x16x125x80xi32, #tpu.memory_space<hbm>> -> memref<1x1x125x80xi32, #tpu.memory_space<hbm>>
      %dma_start3A_62 = tpu.memref_squeeze %dma_start3A_61 : memref<1x1x125x80xi32, #tpu.memory_space<hbm>> -> memref<125x80xi32, #tpu.memory_space<hbm>>
      tpu.enqueue_dma source(%dma_start3A_62 : memref<125x80xi32, #tpu.memory_space<hbm>>) target(%arg5 : memref<125x80xi32, #tpu.memory_space<vmem>>) target_semaphore(%run_scoped3A : memref<!tpu.dma_semaphore, #tpu.memory_space<semaphore_mem>>)
      %dma_wait3A = arith.constant 0 : i32
      %dma_wait3A_63 = arith.constant 0 : i32
      %dma_wait3A_64 = tpu.memref_slice %arg2[%add3A_40, %arg1, %dma_wait3A, %dma_wait3A_63] : memref<4x16x125x80xi32, #tpu.memory_space<hbm>> -> memref<1x1x125x80xi32, #tpu.memory_space<hbm>>
      %dma_wait3A_65 = tpu.memref_squeeze %dma_wait3A_64 : memref<1x1x125x80xi32, #tpu.memory_space<hbm>> -> memref<125x80xi32, #tpu.memory_space<hbm>>
      %dma_wait3A_66 = arith.constant 0 : i32
      %dma_wait3A_67 = arith.constant 0 : i32
      %dma_wait3A_68 = tpu.memref_slice %arg2[%add3A_40, %arg1, %dma_wait3A_66, %dma_wait3A_67] : memref<4x16x125x80xi32, #tpu.memory_space<hbm>> -> memref<1x1x125x80xi32, #tpu.memory_space<hbm>>
      %dma_wait3A_69 = tpu.memref_squeeze %dma_wait3A_68 : memref<1x1x125x80xi32, #tpu.memory_space<hbm>> -> memref<125x80xi32, #tpu.memory_space<hbm>>
      tpu.wait_dma2 semaphore(%run_scoped3A : memref<!tpu.dma_semaphore, #tpu.memory_space<semaphore_mem>>) src(%dma_wait3A_69 : memref<125x80xi32, #tpu.memory_space<hbm>>) dst(%arg5 : memref<125x80xi32, #tpu.memory_space<vmem>>)
      tpu.yield
    }) : () -> ()
    %barrier3A = arith.constant 0 : index
    tpu.barrier barrier_id(%barrier3A)
    %scan3A_41 = arith.constant 0 : i32
    %scan3A_42 = arith.constant 0 : i32
    %scan3A_43 = arith.constant 125 : i32
    %scan3A_44 = arith.addi %scan3A_42, %scan3A_43 : i32
    %scan3A_45 = arith.constant 1 : i32
    scf.for %scan3A_56 = %scan3A_42 to %scan3A_44 step %scan3A_45  : i32 {
      %dma_start3A = arith.constant 0 : i32
      %dma_start3A_57 = tpu.memref_slice %arg4[%scan3A_56, %dma_start3A] : memref<125x80xi32, #tpu.memory_space<vmem>> -> memref<1x80xi32, #tpu.memory_space<vmem>>
      %dma_start3A_58 = tpu.memref_squeeze %dma_start3A_57 : memref<1x80xi32, #tpu.memory_space<vmem>> -> memref<80xi32, #tpu.memory_space<vmem>>
      %dma_start3A_59 = arith.constant 0 : i32
      %dma_start3A_60 = tpu.memref_slice %arg7[%dma_start3A_59] : memref<10240xf32, #tpu.memory_space<vmem_shared>> -> memref<10240xf32, #tpu.memory_space<vmem_shared>>
      tpu.enqueue_indirect_dma source(%arg6 : memref<80xf32, #tpu.memory_space<vmem>>) target(%dma_start3A_60 : memref<10240xf32, #tpu.memory_space<vmem_shared>>) offsets(%dma_start3A_58 : memref<80xi32, #tpu.memory_space<vmem>>) semaphore(%arg10 : memref<!tpu.dma_semaphore, #tpu.memory_space<semaphore_mem>>) {add = true}
      %dma_start3A_61 = arith.constant 0 : i32
      %dma_start3A_62 = tpu.memref_slice %arg5[%scan3A_56, %dma_start3A_61] : memref<125x80xi32, #tpu.memory_space<vmem>> -> memref<1x80xi32, #tpu.memory_space<vmem>>
      %dma_start3A_63 = tpu.memref_squeeze %dma_start3A_62 : memref<1x80xi32, #tpu.memory_space<vmem>> -> memref<80xi32, #tpu.memory_space<vmem>>
      %dma_start3A_64 = arith.constant 0 : i32
      %dma_start3A_65 = tpu.memref_slice %arg8[%dma_start3A_64] : memref<10240xf32, #tpu.memory_space<vmem_shared>> -> memref<10240xf32, #tpu.memory_space<vmem_shared>>
      tpu.enqueue_indirect_dma source(%arg6 : memref<80xf32, #tpu.memory_space<vmem>>) target(%dma_start3A_65 : memref<10240xf32, #tpu.memory_space<vmem_shared>>) offsets(%dma_start3A_63 : memref<80xi32, #tpu.memory_space<vmem>>) semaphore(%arg10 : memref<!tpu.dma_semaphore, #tpu.memory_space<semaphore_mem>>) {add = true}
    }
    %scan3A_46 = arith.constant 125 : i32
    %scan3A_47 = arith.constant 0 : i32
    %scan3A_48 = arith.constant 0 : i32
    %scan3A_49 = arith.constant 125 : i32
    %scan3A_50 = arith.addi %scan3A_48, %scan3A_49 : i32
    %scan3A_51 = arith.constant 1 : i32
    scf.for %scan3A_56 = %scan3A_48 to %scan3A_50 step %scan3A_51  : i32 {
      %dma_wait3A = arith.constant 0 : i32
      %dma_wait3A_57 = arith.constant 0 : i32
      %dma_wait3A_58 = tpu.memref_slice %arg4[%dma_wait3A, %dma_wait3A_57] : memref<125x80xi32, #tpu.memory_space<vmem>> -> memref<1x80xi32, #tpu.memory_space<vmem>>
      %dma_wait3A_59 = tpu.memref_squeeze %dma_wait3A_58 : memref<1x80xi32, #tpu.memory_space<vmem>> -> memref<80xi32, #tpu.memory_space<vmem>>
      %dma_wait3A_60 = arith.constant 0 : i32
      %dma_wait3A_61 = tpu.memref_slice %arg7[%dma_wait3A_60] : memref<10240xf32, #tpu.memory_space<vmem_shared>> -> memref<10240xf32, #tpu.memory_space<vmem_shared>>
      tpu.wait_indirect_dma semaphore(%arg10 : memref<!tpu.dma_semaphore, #tpu.memory_space<semaphore_mem>>) src(%arg6 : memref<80xf32, #tpu.memory_space<vmem>>) dst(%dma_wait3A_61 : memref<10240xf32, #tpu.memory_space<vmem_shared>>)
      %dma_wait3A_62 = arith.constant 0 : i32
      %dma_wait3A_63 = arith.constant 0 : i32
      %dma_wait3A_64 = tpu.memref_slice %arg5[%dma_wait3A_62, %dma_wait3A_63] : memref<125x80xi32, #tpu.memory_space<vmem>> -> memref<1x80xi32, #tpu.memory_space<vmem>>
      %dma_wait3A_65 = tpu.memref_squeeze %dma_wait3A_64 : memref<1x80xi32, #tpu.memory_space<vmem>> -> memref<80xi32, #tpu.memory_space<vmem>>
      %dma_wait3A_66 = arith.constant 0 : i32
      %dma_wait3A_67 = tpu.memref_slice %arg8[%dma_wait3A_66] : memref<10240xf32, #tpu.memory_space<vmem_shared>> -> memref<10240xf32, #tpu.memory_space<vmem_shared>>
      tpu.wait_indirect_dma semaphore(%arg10 : memref<!tpu.dma_semaphore, #tpu.memory_space<semaphore_mem>>) src(%arg6 : memref<80xf32, #tpu.memory_space<vmem>>) dst(%dma_wait3A_67 : memref<10240xf32, #tpu.memory_space<vmem_shared>>)
    }
    %scan3A_52 = arith.constant 125 : i32
    %barrier3A_53 = arith.constant 0 : index
    tpu.barrier barrier_id(%barrier3A_53)
    %eq3A = arith.constant 0 : i32
    %eq3A_54 = arith.cmpi eq, %arg1, %eq3A : i32
    %convert_element_type3A = arith.extui %eq3A_54 : i1 to i32
    %cond3A = arith.constant 0 : i32
    %cond3A_55 = arith.cmpi ne, %convert_element_type3A, %cond3A : i32
    scf.if %cond3A_55 {
      %mul3A_56 = arith.constant 2 : i32
      %mul3A_57 = arith.muli %arg0, %mul3A_56 : i32
      %mul3A_58 = arith.constant 10240 : i32
      %mul3A_59 = arith.muli %mul3A_57, %mul3A_58 : i32
      "tpu.region"() ({
        %run_scoped3A = tpu.sem_alloc : memref<!tpu.dma_semaphore, #tpu.memory_space<semaphore_mem>>
        %dma_start3A = tpu.memref_slice %arg3[%mul3A_59] : memref<40960xf32, #tpu.memory_space<hbm>> -> memref<10240xf32, #tpu.memory_space<hbm>>
        tpu.enqueue_dma source(%arg7 : memref<10240xf32, #tpu.memory_space<vmem_shared>>) target(%dma_start3A : memref<10240xf32, #tpu.memory_space<hbm>>) target_semaphore(%run_scoped3A : memref<!tpu.dma_semaphore, #tpu.memory_space<semaphore_mem>>)
        %dma_wait3A = tpu.memref_slice %arg3[%mul3A_59] : memref<40960xf32, #tpu.memory_space<hbm>> -> memref<10240xf32, #tpu.memory_space<hbm>>
        tpu.wait_dma2 semaphore(%run_scoped3A : memref<!tpu.dma_semaphore, #tpu.memory_space<semaphore_mem>>) src(%arg7 : memref<10240xf32, #tpu.memory_space<vmem_shared>>) dst(%dma_wait3A : memref<10240xf32, #tpu.memory_space<hbm>>)
        tpu.yield
      }) : () -> ()
      %mul3A_60 = arith.constant 2 : i32
      %mul3A_61 = arith.muli %arg0, %mul3A_60 : i32
      %add3A_62 = arith.constant 1 : i32
      %add3A_63 = arith.addi %mul3A_61, %add3A_62 : i32
      %mul3A_64 = arith.constant 10240 : i32
      %mul3A_65 = arith.muli %add3A_63, %mul3A_64 : i32
      "tpu.region"() ({
        %run_scoped3A = tpu.sem_alloc : memref<!tpu.dma_semaphore, #tpu.memory_space<semaphore_mem>>
        %dma_start3A = tpu.memref_slice %arg3[%mul3A_65] : memref<40960xf32, #tpu.memory_space<hbm>> -> memref<10240xf32, #tpu.memory_space<hbm>>
        tpu.enqueue_dma source(%arg8 : memref<10240xf32, #tpu.memory_space<vmem_shared>>) target(%dma_start3A : memref<10240xf32, #tpu.memory_space<hbm>>) target_semaphore(%run_scoped3A : memref<!tpu.dma_semaphore, #tpu.memory_space<semaphore_mem>>)
        %dma_wait3A = tpu.memref_slice %arg3[%mul3A_65] : memref<40960xf32, #tpu.memory_space<hbm>> -> memref<10240xf32, #tpu.memory_space<hbm>>
        tpu.wait_dma2 semaphore(%run_scoped3A : memref<!tpu.dma_semaphore, #tpu.memory_space<semaphore_mem>>) src(%arg8 : memref<10240xf32, #tpu.memory_space<vmem_shared>>) dst(%dma_wait3A : memref<10240xf32, #tpu.memory_space<hbm>>)
        tpu.yield
      }) : () -> ()
    } else {
    }
    return
  }
}

#map = affine_map<(d0, d1) -> (0, 0)>
#map1 = affine_map<(d0, d1) -> (0)>
#map2 = affine_map<(d0, d1) -> (0, 0, 0)>
module attributes {stable_mosaic.version = 14 : i64} {
  func.func @_agg_body(%arg0: i32, %arg1: i32, %arg2: memref<20000x128xf32, #tpu.memory_space<hbm>>, %arg3: memref<320000xi32, #tpu.memory_space<hbm>>, %arg4: memref<16x125x80xi32, #tpu.memory_space<hbm>>, %arg5: memref<20000x128xf32, #tpu.memory_space<hbm>>, %arg6: memref<320000xi32, #tpu.memory_space<hbm>>, %arg7: memref<16x125x80xi32, #tpu.memory_space<hbm>>, %arg8: memref<2x10240x128xf32, #tpu.memory_space<hbm>>, %arg9: memref<2x10240x128xf32, #tpu.memory_space<hbm>>, %arg10: memref<80xi32, #tpu.memory_space<vmem>>, %arg11: memref<80xi32, #tpu.memory_space<vmem>>, %arg12: memref<80xi32, #tpu.memory_space<vmem>>, %arg13: memref<125x80xi32, #tpu.memory_space<vmem>>, %arg14: memref<80x128xf32, #tpu.memory_space<vmem>>, %arg15: memref<80x128xf32, #tpu.memory_space<vmem>>, %arg16: memref<80x128xf32, #tpu.memory_space<vmem>>, %arg17: memref<10240x128xf32, #tpu.memory_space<vmem_shared>>, %arg18: memref<!tpu.dma_semaphore, #tpu.memory_space<semaphore_mem>>, %arg19: memref<!tpu.dma_semaphore, #tpu.memory_space<semaphore_mem>>, %arg20: memref<!tpu.dma_semaphore, #tpu.memory_space<semaphore_mem>>, %arg21: memref<!tpu.dma_semaphore, #tpu.memory_space<semaphore_mem>>, %arg22: memref<!tpu.dma_semaphore, #tpu.memory_space<semaphore_mem>>, %arg23: memref<!tpu.dma_semaphore, #tpu.memory_space<semaphore_mem>>, %arg24: memref<!tpu.dma_semaphore, #tpu.memory_space<semaphore_mem>>, %arg25: memref<!tpu.dma_semaphore, #tpu.memory_space<semaphore_mem>>, %arg26: memref<!tpu.dma_semaphore, #tpu.memory_space<semaphore_mem>>) attributes {dimension_semantics = [#tpu.dimension_semantics<core_parallel>, #tpu.dimension_semantics<subcore_parallel>], iteration_bounds = array<i64: 2, 16>, scalar_prefetch = 0 : i64, scratch_operands = 17 : i64, tpu.core_type = #tpu.core_type<sc_vector_subcore>, window_params = [{transform_indices = #map}, {transform_indices = #map1}, {transform_indices = #map2}, {transform_indices = #map}, {transform_indices = #map1}, {transform_indices = #map2}, {transform_indices = #map2}, {transform_indices = #map2}]} {
    "tpu.region"() ({
      %run_scoped3A = tpu.sem_alloc : memref<!tpu.dma_semaphore, #tpu.memory_space<semaphore_mem>>
      %dma_start3A_476 = arith.constant 0 : i32
      %dma_start3A_477 = arith.constant 0 : i32
      %dma_start3A_478 = tpu.memref_slice %arg4[%arg1, %dma_start3A_476, %dma_start3A_477] : memref<16x125x80xi32, #tpu.memory_space<hbm>> -> memref<1x125x80xi32, #tpu.memory_space<hbm>>
      %dma_start3A_479 = tpu.memref_squeeze %dma_start3A_478 : memref<1x125x80xi32, #tpu.memory_space<hbm>> -> memref<125x80xi32, #tpu.memory_space<hbm>>
      %dma_start3A_480 = arith.constant 0 : i32
      %dma_start3A_481 = arith.constant 0 : i32
      %dma_start3A_482 = tpu.memref_slice %arg4[%arg1, %dma_start3A_480, %dma_start3A_481] : memref<16x125x80xi32, #tpu.memory_space<hbm>> -> memref<1x125x80xi32, #tpu.memory_space<hbm>>
      %dma_start3A_483 = tpu.memref_squeeze %dma_start3A_482 : memref<1x125x80xi32, #tpu.memory_space<hbm>> -> memref<125x80xi32, #tpu.memory_space<hbm>>
      tpu.enqueue_dma source(%dma_start3A_483 : memref<125x80xi32, #tpu.memory_space<hbm>>) target(%arg13 : memref<125x80xi32, #tpu.memory_space<vmem>>) target_semaphore(%run_scoped3A : memref<!tpu.dma_semaphore, #tpu.memory_space<semaphore_mem>>)
      %dma_wait3A_484 = arith.constant 0 : i32
      %dma_wait3A_485 = arith.constant 0 : i32
      %dma_wait3A_486 = tpu.memref_slice %arg4[%arg1, %dma_wait3A_484, %dma_wait3A_485] : memref<16x125x80xi32, #tpu.memory_space<hbm>> -> memref<1x125x80xi32, #tpu.memory_space<hbm>>
      %dma_wait3A_487 = tpu.memref_squeeze %dma_wait3A_486 : memref<1x125x80xi32, #tpu.memory_space<hbm>> -> memref<125x80xi32, #tpu.memory_space<hbm>>
      %dma_wait3A_488 = arith.constant 0 : i32
      %dma_wait3A_489 = arith.constant 0 : i32
      %dma_wait3A_490 = tpu.memref_slice %arg4[%arg1, %dma_wait3A_488, %dma_wait3A_489] : memref<16x125x80xi32, #tpu.memory_space<hbm>> -> memref<1x125x80xi32, #tpu.memory_space<hbm>>
      %dma_wait3A_491 = tpu.memref_squeeze %dma_wait3A_490 : memref<1x125x80xi32, #tpu.memory_space<hbm>> -> memref<125x80xi32, #tpu.memory_space<hbm>>
      tpu.wait_dma2 semaphore(%run_scoped3A : memref<!tpu.dma_semaphore, #tpu.memory_space<semaphore_mem>>) src(%dma_wait3A_491 : memref<125x80xi32, #tpu.memory_space<hbm>>) dst(%arg13 : memref<125x80xi32, #tpu.memory_space<vmem>>)
      tpu.yield
    }) : () -> ()
    %scan3A = arith.constant 0 : i32
    %scan3A_0 = arith.constant 0 : i32
    %scan3A_1 = arith.constant 640 : i32
    %scan3A_2 = arith.addi %scan3A_0, %scan3A_1 : i32
    %scan3A_3 = arith.constant 1 : i32
    scf.for %scan3A_476 = %scan3A_0 to %scan3A_2 step %scan3A_3  : i32 {
      %broadcast_in_dim3A = arith.constant 0.000000e+00 : f32
      %broadcast_in_dim3A_477 = vector.broadcast %broadcast_in_dim3A : f32 to vector<16xf32>
      %mul3A_478 = arith.constant 16 : i32
      %mul3A_479 = arith.muli %scan3A_476, %mul3A_478 : i32
      %swap3A = arith.constant 0 : i32
      %swap3A_480 = arith.index_cast %swap3A : i32 to index
      %swap3A_481 = arith.index_cast %mul3A_479 : i32 to index
      %swap3A_482 = tpu.vector_load %arg14[%swap3A_480, %swap3A_481] {strides = array<i32>} : memref<80x128xf32, #tpu.memory_space<vmem>>, vector<1x16xf32>,
      %swap3A_483 = vector.shape_cast %swap3A_482 : vector<1x16xf32> to vector<16xf32>
      %swap3A_484 = vector.shape_cast %broadcast_in_dim3A_477 : vector<16xf32> to vector<1x16xf32>
      tpu.vector_store %arg14[%swap3A_480, %swap3A_481], %swap3A_484 {strides = array<i32>} : memref<80x128xf32, #tpu.memory_space<vmem>>, vector<1x16xf32>,
    }
    %scan3A_4 = arith.constant 640 : i32
    %mul3A = arith.constant 640 : i32
    %mul3A_5 = arith.muli %arg1, %mul3A : i32
    %add3A = arith.constant 0 : i32
    %add3A_6 = arith.addi %mul3A_5, %add3A : i32
    "tpu.region"() ({
      %run_scoped3A = tpu.sem_alloc : memref<!tpu.dma_semaphore, #tpu.memory_space<semaphore_mem>>
      %dma_start3A_476 = arith.constant 0 : i32
      %dma_start3A_477 = tpu.memref_slice %arg17[%add3A_6, %dma_start3A_476] : memref<10240x128xf32, #tpu.memory_space<vmem_shared>> -> memref<80x128xf32, #tpu.memory_space<vmem_shared>>
      %dma_start3A_478 = arith.constant 0 : i32
      %dma_start3A_479 = tpu.memref_slice %arg17[%add3A_6, %dma_start3A_478] : memref<10240x128xf32, #tpu.memory_space<vmem_shared>> -> memref<80x128xf32, #tpu.memory_space<vmem_shared>>
      tpu.enqueue_dma source(%arg14 : memref<80x128xf32, #tpu.memory_space<vmem>>) target(%dma_start3A_479 : memref<80x128xf32, #tpu.memory_space<vmem_shared>>) target_semaphore(%run_scoped3A : memref<!tpu.dma_semaphore, #tpu.memory_space<semaphore_mem>>)
      %dma_wait3A_480 = arith.constant 0 : i32
      %dma_wait3A_481 = tpu.memref_slice %arg17[%add3A_6, %dma_wait3A_480] : memref<10240x128xf32, #tpu.memory_space<vmem_shared>> -> memref<80x128xf32, #tpu.memory_space<vmem_shared>>
      %dma_wait3A_482 = arith.constant 0 : i32
      %dma_wait3A_483 = tpu.memref_slice %arg17[%add3A_6, %dma_wait3A_482] : memref<10240x128xf32, #tpu.memory_space<vmem_shared>> -> memref<80x128xf32, #tpu.memory_space<vmem_shared>>
      tpu.wait_dma2 semaphore(%run_scoped3A : memref<!tpu.dma_semaphore, #tpu.memory_space<semaphore_mem>>) src(%arg14 : memref<80x128xf32, #tpu.memory_space<vmem>>) dst(%dma_wait3A_483 : memref<80x128xf32, #tpu.memory_space<vmem_shared>>)
      tpu.yield
    }) : () -> ()
    %mul3A_7 = arith.constant 640 : i32
    %mul3A_8 = arith.muli %arg1, %mul3A_7 : i32
    %add3A_9 = arith.constant 80 : i32
    %add3A_10 = arith.addi %mul3A_8, %add3A_9 : i32
    "tpu.region"() ({
      %run_scoped3A = tpu.sem_alloc : memref<!tpu.dma_semaphore, #tpu.memory_space<semaphore_mem>>
      %dma_start3A_476 = arith.constant 0 : i32
      %dma_start3A_477 = tpu.memref_slice %arg17[%add3A_10, %dma_start3A_476] : memref<10240x128xf32, #tpu.memory_space<vmem_shared>> -> memref<80x128xf32, #tpu.memory_space<vmem_shared>>
      %dma_start3A_478 = arith.constant 0 : i32
      %dma_start3A_479 = tpu.memref_slice %arg17[%add3A_10, %dma_start3A_478] : memref<10240x128xf32, #tpu.memory_space<vmem_shared>> -> memref<80x128xf32, #tpu.memory_space<vmem_shared>>
      tpu.enqueue_dma source(%arg14 : memref<80x128xf32, #tpu.memory_space<vmem>>) target(%dma_start3A_479 : memref<80x128xf32, #tpu.memory_space<vmem_shared>>) target_semaphore(%run_scoped3A : memref<!tpu.dma_semaphore, #tpu.memory_space<semaphore_mem>>)
      %dma_wait3A_480 = arith.constant 0 : i32
      %dma_wait3A_481 = tpu.memref_slice %arg17[%add3A_10, %dma_wait3A_480] : memref<10240x128xf32, #tpu.memory_space<vmem_shared>> -> memref<80x128xf32, #tpu.memory_space<vmem_shared>>
      %dma_wait3A_482 = arith.constant 0 : i32
      %dma_wait3A_483 = tpu.memref_slice %arg17[%add3A_10, %dma_wait3A_482] : memref<10240x128xf32, #tpu.memory_space<vmem_shared>> -> memref<80x128xf32, #tpu.memory_space<vmem_shared>>
      tpu.wait_dma2 semaphore(%run_scoped3A : memref<!tpu.dma_semaphore, #tpu.memory_space<semaphore_mem>>) src(%arg14 : memref<80x128xf32, #tpu.memory_space<vmem>>) dst(%dma_wait3A_483 : memref<80x128xf32, #tpu.memory_space<vmem_shared>>)
      tpu.yield
    }) : () -> ()
    %mul3A_11 = arith.constant 640 : i32
    %mul3A_12 = arith.muli %arg1, %mul3A_11 : i32
    %add3A_13 = arith.constant 160 : i32
    %add3A_14 = arith.addi %mul3A_12, %add3A_13 : i32
    "tpu.region"() ({
      %run_scoped3A = tpu.sem_alloc : memref<!tpu.dma_semaphore, #tpu.memory_space<semaphore_mem>>
      %dma_start3A_476 = arith.constant 0 : i32
      %dma_start3A_477 = tpu.memref_slice %arg17[%add3A_14, %dma_start3A_476] : memref<10240x128xf32, #tpu.memory_space<vmem_shared>> -> memref<80x128xf32, #tpu.memory_space<vmem_shared>>
      %dma_start3A_478 = arith.constant 0 : i32
      %dma_start3A_479 = tpu.memref_slice %arg17[%add3A_14, %dma_start3A_478] : memref<10240x128xf32, #tpu.memory_space<vmem_shared>> -> memref<80x128xf32, #tpu.memory_space<vmem_shared>>
      tpu.enqueue_dma source(%arg14 : memref<80x128xf32, #tpu.memory_space<vmem>>) target(%dma_start3A_479 : memref<80x128xf32, #tpu.memory_space<vmem_shared>>) target_semaphore(%run_scoped3A : memref<!tpu.dma_semaphore, #tpu.memory_space<semaphore_mem>>)
      %dma_wait3A_480 = arith.constant 0 : i32
      %dma_wait3A_481 = tpu.memref_slice %arg17[%add3A_14, %dma_wait3A_480] : memref<10240x128xf32, #tpu.memory_space<vmem_shared>> -> memref<80x128xf32, #tpu.memory_space<vmem_shared>>
      %dma_wait3A_482 = arith.constant 0 : i32
      %dma_wait3A_483 = tpu.memref_slice %arg17[%add3A_14, %dma_wait3A_482] : memref<10240x128xf32, #tpu.memory_space<vmem_shared>> -> memref<80x128xf32, #tpu.memory_space<vmem_shared>>
      tpu.wait_dma2 semaphore(%run_scoped3A : memref<!tpu.dma_semaphore, #tpu.memory_space<semaphore_mem>>) src(%arg14 : memref<80x128xf32, #tpu.memory_space<vmem>>) dst(%dma_wait3A_483 : memref<80x128xf32, #tpu.memory_space<vmem_shared>>)
      tpu.yield
    }) : () -> ()
    %mul3A_15 = arith.constant 640 : i32
    %mul3A_16 = arith.muli %arg1, %mul3A_15 : i32
    %add3A_17 = arith.constant 240 : i32
    %add3A_18 = arith.addi %mul3A_16, %add3A_17 : i32
    "tpu.region"() ({
      %run_scoped3A = tpu.sem_alloc : memref<!tpu.dma_semaphore, #tpu.memory_space<semaphore_mem>>
      %dma_start3A_476 = arith.constant 0 : i32
      %dma_start3A_477 = tpu.memref_slice %arg17[%add3A_18, %dma_start3A_476] : memref<10240x128xf32, #tpu.memory_space<vmem_shared>> -> memref<80x128xf32, #tpu.memory_space<vmem_shared>>
      %dma_start3A_478 = arith.constant 0 : i32
      %dma_start3A_479 = tpu.memref_slice %arg17[%add3A_18, %dma_start3A_478] : memref<10240x128xf32, #tpu.memory_space<vmem_shared>> -> memref<80x128xf32, #tpu.memory_space<vmem_shared>>
      tpu.enqueue_dma source(%arg14 : memref<80x128xf32, #tpu.memory_space<vmem>>) target(%dma_start3A_479 : memref<80x128xf32, #tpu.memory_space<vmem_shared>>) target_semaphore(%run_scoped3A : memref<!tpu.dma_semaphore, #tpu.memory_space<semaphore_mem>>)
      %dma_wait3A_480 = arith.constant 0 : i32
      %dma_wait3A_481 = tpu.memref_slice %arg17[%add3A_18, %dma_wait3A_480] : memref<10240x128xf32, #tpu.memory_space<vmem_shared>> -> memref<80x128xf32, #tpu.memory_space<vmem_shared>>
      %dma_wait3A_482 = arith.constant 0 : i32
      %dma_wait3A_483 = tpu.memref_slice %arg17[%add3A_18, %dma_wait3A_482] : memref<10240x128xf32, #tpu.memory_space<vmem_shared>> -> memref<80x128xf32, #tpu.memory_space<vmem_shared>>
      tpu.wait_dma2 semaphore(%run_scoped3A : memref<!tpu.dma_semaphore, #tpu.memory_space<semaphore_mem>>) src(%arg14 : memref<80x128xf32, #tpu.memory_space<vmem>>) dst(%dma_wait3A_483 : memref<80x128xf32, #tpu.memory_space<vmem_shared>>)
      tpu.yield
    }) : () -> ()
    %mul3A_19 = arith.constant 640 : i32
    %mul3A_20 = arith.muli %arg1, %mul3A_19 : i32
    %add3A_21 = arith.constant 320 : i32
    %add3A_22 = arith.addi %mul3A_20, %add3A_21 : i32
    "tpu.region"() ({
      %run_scoped3A = tpu.sem_alloc : memref<!tpu.dma_semaphore, #tpu.memory_space<semaphore_mem>>
      %dma_start3A_476 = arith.constant 0 : i32
      %dma_start3A_477 = tpu.memref_slice %arg17[%add3A_22, %dma_start3A_476] : memref<10240x128xf32, #tpu.memory_space<vmem_shared>> -> memref<80x128xf32, #tpu.memory_space<vmem_shared>>
      %dma_start3A_478 = arith.constant 0 : i32
      %dma_start3A_479 = tpu.memref_slice %arg17[%add3A_22, %dma_start3A_478] : memref<10240x128xf32, #tpu.memory_space<vmem_shared>> -> memref<80x128xf32, #tpu.memory_space<vmem_shared>>
      tpu.enqueue_dma source(%arg14 : memref<80x128xf32, #tpu.memory_space<vmem>>) target(%dma_start3A_479 : memref<80x128xf32, #tpu.memory_space<vmem_shared>>) target_semaphore(%run_scoped3A : memref<!tpu.dma_semaphore, #tpu.memory_space<semaphore_mem>>)
      %dma_wait3A_480 = arith.constant 0 : i32
      %dma_wait3A_481 = tpu.memref_slice %arg17[%add3A_22, %dma_wait3A_480] : memref<10240x128xf32, #tpu.memory_space<vmem_shared>> -> memref<80x128xf32, #tpu.memory_space<vmem_shared>>
      %dma_wait3A_482 = arith.constant 0 : i32
      %dma_wait3A_483 = tpu.memref_slice %arg17[%add3A_22, %dma_wait3A_482] : memref<10240x128xf32, #tpu.memory_space<vmem_shared>> -> memref<80x128xf32, #tpu.memory_space<vmem_shared>>
      tpu.wait_dma2 semaphore(%run_scoped3A : memref<!tpu.dma_semaphore, #tpu.memory_space<semaphore_mem>>) src(%arg14 : memref<80x128xf32, #tpu.memory_space<vmem>>) dst(%dma_wait3A_483 : memref<80x128xf32, #tpu.memory_space<vmem_shared>>)
      tpu.yield
    }) : () -> ()
    %mul3A_23 = arith.constant 640 : i32
    %mul3A_24 = arith.muli %arg1, %mul3A_23 : i32
    %add3A_25 = arith.constant 400 : i32
    %add3A_26 = arith.addi %mul3A_24, %add3A_25 : i32
    "tpu.region"() ({
      %run_scoped3A = tpu.sem_alloc : memref<!tpu.dma_semaphore, #tpu.memory_space<semaphore_mem>>
      %dma_start3A_476 = arith.constant 0 : i32
      %dma_start3A_477 = tpu.memref_slice %arg17[%add3A_26, %dma_start3A_476] : memref<10240x128xf32, #tpu.memory_space<vmem_shared>> -> memref<80x128xf32, #tpu.memory_space<vmem_shared>>
      %dma_start3A_478 = arith.constant 0 : i32
      %dma_start3A_479 = tpu.memref_slice %arg17[%add3A_26, %dma_start3A_478] : memref<10240x128xf32, #tpu.memory_space<vmem_shared>> -> memref<80x128xf32, #tpu.memory_space<vmem_shared>>
      tpu.enqueue_dma source(%arg14 : memref<80x128xf32, #tpu.memory_space<vmem>>) target(%dma_start3A_479 : memref<80x128xf32, #tpu.memory_space<vmem_shared>>) target_semaphore(%run_scoped3A : memref<!tpu.dma_semaphore, #tpu.memory_space<semaphore_mem>>)
      %dma_wait3A_480 = arith.constant 0 : i32
      %dma_wait3A_481 = tpu.memref_slice %arg17[%add3A_26, %dma_wait3A_480] : memref<10240x128xf32, #tpu.memory_space<vmem_shared>> -> memref<80x128xf32, #tpu.memory_space<vmem_shared>>
      %dma_wait3A_482 = arith.constant 0 : i32
      %dma_wait3A_483 = tpu.memref_slice %arg17[%add3A_26, %dma_wait3A_482] : memref<10240x128xf32, #tpu.memory_space<vmem_shared>> -> memref<80x128xf32, #tpu.memory_space<vmem_shared>>
      tpu.wait_dma2 semaphore(%run_scoped3A : memref<!tpu.dma_semaphore, #tpu.memory_space<semaphore_mem>>) src(%arg14 : memref<80x128xf32, #tpu.memory_space<vmem>>) dst(%dma_wait3A_483 : memref<80x128xf32, #tpu.memory_space<vmem_shared>>)
      tpu.yield
    }) : () -> ()
    %mul3A_27 = arith.constant 640 : i32
    %mul3A_28 = arith.muli %arg1, %mul3A_27 : i32
    %add3A_29 = arith.constant 480 : i32
    %add3A_30 = arith.addi %mul3A_28, %add3A_29 : i32
    "tpu.region"() ({
      %run_scoped3A = tpu.sem_alloc : memref<!tpu.dma_semaphore, #tpu.memory_space<semaphore_mem>>
      %dma_start3A_476 = arith.constant 0 : i32
      %dma_start3A_477 = tpu.memref_slice %arg17[%add3A_30, %dma_start3A_476] : memref<10240x128xf32, #tpu.memory_space<vmem_shared>> -> memref<80x128xf32, #tpu.memory_space<vmem_shared>>
      %dma_start3A_478 = arith.constant 0 : i32
      %dma_start3A_479 = tpu.memref_slice %arg17[%add3A_30, %dma_start3A_478] : memref<10240x128xf32, #tpu.memory_space<vmem_shared>> -> memref<80x128xf32, #tpu.memory_space<vmem_shared>>
      tpu.enqueue_dma source(%arg14 : memref<80x128xf32, #tpu.memory_space<vmem>>) target(%dma_start3A_479 : memref<80x128xf32, #tpu.memory_space<vmem_shared>>) target_semaphore(%run_scoped3A : memref<!tpu.dma_semaphore, #tpu.memory_space<semaphore_mem>>)
      %dma_wait3A_480 = arith.constant 0 : i32
      %dma_wait3A_481 = tpu.memref_slice %arg17[%add3A_30, %dma_wait3A_480] : memref<10240x128xf32, #tpu.memory_space<vmem_shared>> -> memref<80x128xf32, #tpu.memory_space<vmem_shared>>
      %dma_wait3A_482 = arith.constant 0 : i32
      %dma_wait3A_483 = tpu.memref_slice %arg17[%add3A_30, %dma_wait3A_482] : memref<10240x128xf32, #tpu.memory_space<vmem_shared>> -> memref<80x128xf32, #tpu.memory_space<vmem_shared>>
      tpu.wait_dma2 semaphore(%run_scoped3A : memref<!tpu.dma_semaphore, #tpu.memory_space<semaphore_mem>>) src(%arg14 : memref<80x128xf32, #tpu.memory_space<vmem>>) dst(%dma_wait3A_483 : memref<80x128xf32, #tpu.memory_space<vmem_shared>>)
      tpu.yield
    }) : () -> ()
    %mul3A_31 = arith.constant 640 : i32
    %mul3A_32 = arith.muli %arg1, %mul3A_31 : i32
    %add3A_33 = arith.constant 560 : i32
    %add3A_34 = arith.addi %mul3A_32, %add3A_33 : i32
    "tpu.region"() ({
      %run_scoped3A = tpu.sem_alloc : memref<!tpu.dma_semaphore, #tpu.memory_space<semaphore_mem>>
      %dma_start3A_476 = arith.constant 0 : i32
      %dma_start3A_477 = tpu.memref_slice %arg17[%add3A_34, %dma_start3A_476] : memref<10240x128xf32, #tpu.memory_space<vmem_shared>> -> memref<80x128xf32, #tpu.memory_space<vmem_shared>>
      %dma_start3A_478 = arith.constant 0 : i32
      %dma_start3A_479 = tpu.memref_slice %arg17[%add3A_34, %dma_start3A_478] : memref<10240x128xf32, #tpu.memory_space<vmem_shared>> -> memref<80x128xf32, #tpu.memory_space<vmem_shared>>
      tpu.enqueue_dma source(%arg14 : memref<80x128xf32, #tpu.memory_space<vmem>>) target(%dma_start3A_479 : memref<80x128xf32, #tpu.memory_space<vmem_shared>>) target_semaphore(%run_scoped3A : memref<!tpu.dma_semaphore, #tpu.memory_space<semaphore_mem>>)
      %dma_wait3A_480 = arith.constant 0 : i32
      %dma_wait3A_481 = tpu.memref_slice %arg17[%add3A_34, %dma_wait3A_480] : memref<10240x128xf32, #tpu.memory_space<vmem_shared>> -> memref<80x128xf32, #tpu.memory_space<vmem_shared>>
      %dma_wait3A_482 = arith.constant 0 : i32
      %dma_wait3A_483 = tpu.memref_slice %arg17[%add3A_34, %dma_wait3A_482] : memref<10240x128xf32, #tpu.memory_space<vmem_shared>> -> memref<80x128xf32, #tpu.memory_space<vmem_shared>>
      tpu.wait_dma2 semaphore(%run_scoped3A : memref<!tpu.dma_semaphore, #tpu.memory_space<semaphore_mem>>) src(%arg14 : memref<80x128xf32, #tpu.memory_space<vmem>>) dst(%dma_wait3A_483 : memref<80x128xf32, #tpu.memory_space<vmem_shared>>)
      tpu.yield
    }) : () -> ()
    %barrier3A = arith.constant 0 : index
    tpu.barrier barrier_id(%barrier3A)
    %mul3A_35 = arith.constant 160000 : i32
    %mul3A_36 = arith.muli %arg0, %mul3A_35 : i32
    %mul3A_37 = arith.constant 10000 : i32
    %mul3A_38 = arith.muli %arg1, %mul3A_37 : i32
    %add3A_39 = arith.addi %mul3A_36, %mul3A_38 : i32
    %add3A_40 = arith.constant 0 : i32
    %add3A_41 = arith.addi %add3A_39, %add3A_40 : i32
    %dma_start3A = tpu.memref_slice %arg3[%add3A_41] : memref<320000xi32, #tpu.memory_space<hbm>> -> memref<80xi32, #tpu.memory_space<hbm>>
    %dma_start3A_42 = tpu.memref_slice %arg3[%add3A_41] : memref<320000xi32, #tpu.memory_space<hbm>> -> memref<80xi32, #tpu.memory_space<hbm>>
    tpu.enqueue_dma source(%dma_start3A_42 : memref<80xi32, #tpu.memory_space<hbm>>) target(%arg10 : memref<80xi32, #tpu.memory_space<vmem>>) target_semaphore(%arg18 : memref<!tpu.dma_semaphore, #tpu.memory_space<semaphore_mem>>)
    %mul3A_43 = arith.constant 160000 : i32
    %mul3A_44 = arith.muli %arg0, %mul3A_43 : i32
    %mul3A_45 = arith.constant 10000 : i32
    %mul3A_46 = arith.muli %arg1, %mul3A_45 : i32
    %add3A_47 = arith.addi %mul3A_44, %mul3A_46 : i32
    %add3A_48 = arith.constant 80 : i32
    %add3A_49 = arith.addi %add3A_47, %add3A_48 : i32
    %dma_start3A_50 = tpu.memref_slice %arg3[%add3A_49] : memref<320000xi32, #tpu.memory_space<hbm>> -> memref<80xi32, #tpu.memory_space<hbm>>
    %dma_start3A_51 = tpu.memref_slice %arg3[%add3A_49] : memref<320000xi32, #tpu.memory_space<hbm>> -> memref<80xi32, #tpu.memory_space<hbm>>
    tpu.enqueue_dma source(%dma_start3A_51 : memref<80xi32, #tpu.memory_space<hbm>>) target(%arg11 : memref<80xi32, #tpu.memory_space<vmem>>) target_semaphore(%arg19 : memref<!tpu.dma_semaphore, #tpu.memory_space<semaphore_mem>>)
    %mul3A_52 = arith.constant 160000 : i32
    %mul3A_53 = arith.muli %arg0, %mul3A_52 : i32
    %mul3A_54 = arith.constant 10000 : i32
    %mul3A_55 = arith.muli %arg1, %mul3A_54 : i32
    %add3A_56 = arith.addi %mul3A_53, %mul3A_55 : i32
    %add3A_57 = arith.constant 160 : i32
    %add3A_58 = arith.addi %add3A_56, %add3A_57 : i32
    %dma_start3A_59 = tpu.memref_slice %arg3[%add3A_58] : memref<320000xi32, #tpu.memory_space<hbm>> -> memref<80xi32, #tpu.memory_space<hbm>>
    %dma_start3A_60 = tpu.memref_slice %arg3[%add3A_58] : memref<320000xi32, #tpu.memory_space<hbm>> -> memref<80xi32, #tpu.memory_space<hbm>>
    tpu.enqueue_dma source(%dma_start3A_60 : memref<80xi32, #tpu.memory_space<hbm>>) target(%arg12 : memref<80xi32, #tpu.memory_space<vmem>>) target_semaphore(%arg20 : memref<!tpu.dma_semaphore, #tpu.memory_space<semaphore_mem>>)
    %mul3A_61 = arith.constant 160000 : i32
    %mul3A_62 = arith.muli %arg0, %mul3A_61 : i32
    %mul3A_63 = arith.constant 10000 : i32
    %mul3A_64 = arith.muli %arg1, %mul3A_63 : i32
    %add3A_65 = arith.addi %mul3A_62, %mul3A_64 : i32
    %add3A_66 = arith.constant 0 : i32
    %add3A_67 = arith.addi %add3A_65, %add3A_66 : i32
    %dma_wait3A = tpu.memref_slice %arg3[%add3A_67] : memref<320000xi32, #tpu.memory_space<hbm>> -> memref<80xi32, #tpu.memory_space<hbm>>
    %dma_wait3A_68 = tpu.memref_slice %arg3[%add3A_67] : memref<320000xi32, #tpu.memory_space<hbm>> -> memref<80xi32, #tpu.memory_space<hbm>>
    tpu.wait_dma2 semaphore(%arg18 : memref<!tpu.dma_semaphore, #tpu.memory_space<semaphore_mem>>) src(%dma_wait3A_68 : memref<80xi32, #tpu.memory_space<hbm>>) dst(%arg10 : memref<80xi32, #tpu.memory_space<vmem>>)
    %dma_start3A_69 = arith.constant 0 : i32
    %dma_start3A_70 = arith.constant 0 : i32
    %dma_start3A_71 = tpu.memref_slice %arg2[%dma_start3A_69, %dma_start3A_70] : memref<20000x128xf32, #tpu.memory_space<hbm>> -> memref<20000x128xf32, #tpu.memory_space<hbm>>
    tpu.enqueue_indirect_dma source(%dma_start3A_71 : memref<20000x128xf32, #tpu.memory_space<hbm>>) target(%arg14 : memref<80x128xf32, #tpu.memory_space<vmem>>) offsets(%arg10 : memref<80xi32, #tpu.memory_space<vmem>>) semaphore(%arg21 : memref<!tpu.dma_semaphore, #tpu.memory_space<semaphore_mem>>)
    %mul3A_72 = arith.constant 160000 : i32
    %mul3A_73 = arith.muli %arg0, %mul3A_72 : i32
    %mul3A_74 = arith.constant 10000 : i32
    %mul3A_75 = arith.muli %arg1, %mul3A_74 : i32
    %add3A_76 = arith.addi %mul3A_73, %mul3A_75 : i32
    %add3A_77 = arith.constant 80 : i32
    %add3A_78 = arith.addi %add3A_76, %add3A_77 : i32
    %dma_wait3A_79 = tpu.memref_slice %arg3[%add3A_78] : memref<320000xi32, #tpu.memory_space<hbm>> -> memref<80xi32, #tpu.memory_space<hbm>>
    %dma_wait3A_80 = tpu.memref_slice %arg3[%add3A_78] : memref<320000xi32, #tpu.memory_space<hbm>> -> memref<80xi32, #tpu.memory_space<hbm>>
    tpu.wait_dma2 semaphore(%arg19 : memref<!tpu.dma_semaphore, #tpu.memory_space<semaphore_mem>>) src(%dma_wait3A_80 : memref<80xi32, #tpu.memory_space<hbm>>) dst(%arg11 : memref<80xi32, #tpu.memory_space<vmem>>)
    %dma_start3A_81 = arith.constant 0 : i32
    %dma_start3A_82 = arith.constant 0 : i32
    %dma_start3A_83 = tpu.memref_slice %arg2[%dma_start3A_81, %dma_start3A_82] : memref<20000x128xf32, #tpu.memory_space<hbm>> -> memref<20000x128xf32, #tpu.memory_space<hbm>>
    tpu.enqueue_indirect_dma source(%dma_start3A_83 : memref<20000x128xf32, #tpu.memory_space<hbm>>) target(%arg15 : memref<80x128xf32, #tpu.memory_space<vmem>>) offsets(%arg11 : memref<80xi32, #tpu.memory_space<vmem>>) semaphore(%arg22 : memref<!tpu.dma_semaphore, #tpu.memory_space<semaphore_mem>>)
    %dma_wait3A_84 = arith.constant 0 : i32
    %dma_wait3A_85 = arith.constant 0 : i32
    %dma_wait3A_86 = tpu.memref_slice %arg2[%dma_wait3A_84, %dma_wait3A_85] : memref<20000x128xf32, #tpu.memory_space<hbm>> -> memref<20000x128xf32, #tpu.memory_space<hbm>>
    tpu.wait_indirect_dma semaphore(%arg21 : memref<!tpu.dma_semaphore, #tpu.memory_space<semaphore_mem>>) src(%dma_wait3A_86 : memref<20000x128xf32, #tpu.memory_space<hbm>>) dst(%arg14 : memref<80x128xf32, #tpu.memory_space<vmem>>)
    %dma_start3A_87 = arith.constant 0 : i32
    %dma_start3A_88 = arith.constant 0 : i32
    %dma_start3A_89 = tpu.memref_slice %arg13[%dma_start3A_87, %dma_start3A_88] : memref<125x80xi32, #tpu.memory_space<vmem>> -> memref<1x80xi32, #tpu.memory_space<vmem>>
    %dma_start3A_90 = tpu.memref_squeeze %dma_start3A_89 : memref<1x80xi32, #tpu.memory_space<vmem>> -> memref<80xi32, #tpu.memory_space<vmem>>
    %dma_start3A_91 = arith.constant 0 : i32
    %dma_start3A_92 = arith.constant 0 : i32
    %dma_start3A_93 = tpu.memref_slice %arg17[%dma_start3A_91, %dma_start3A_92] : memref<10240x128xf32, #tpu.memory_space<vmem_shared>> -> memref<10240x128xf32, #tpu.memory_space<vmem_shared>>
    tpu.enqueue_indirect_dma source(%arg14 : memref<80x128xf32, #tpu.memory_space<vmem>>) target(%dma_start3A_93 : memref<10240x128xf32, #tpu.memory_space<vmem_shared>>) offsets(%dma_start3A_90 : memref<80xi32, #tpu.memory_space<vmem>>) semaphore(%arg24 : memref<!tpu.dma_semaphore, #tpu.memory_space<semaphore_mem>>) {add = true}
    %mul3A_94 = arith.constant 160000 : i32
    %mul3A_95 = arith.muli %arg0, %mul3A_94 : i32
    %mul3A_96 = arith.constant 10000 : i32
    %mul3A_97 = arith.muli %arg1, %mul3A_96 : i32
    %add3A_98 = arith.addi %mul3A_95, %mul3A_97 : i32
    %add3A_99 = arith.constant 240 : i32
    %add3A_100 = arith.addi %add3A_98, %add3A_99 : i32
    %dma_start3A_101 = tpu.memref_slice %arg3[%add3A_100] : memref<320000xi32, #tpu.memory_space<hbm>> -> memref<80xi32, #tpu.memory_space<hbm>>
    %dma_start3A_102 = tpu.memref_slice %arg3[%add3A_100] : memref<320000xi32, #tpu.memory_space<hbm>> -> memref<80xi32, #tpu.memory_space<hbm>>
    tpu.enqueue_dma source(%dma_start3A_102 : memref<80xi32, #tpu.memory_space<hbm>>) target(%arg10 : memref<80xi32, #tpu.memory_space<vmem>>) target_semaphore(%arg18 : memref<!tpu.dma_semaphore, #tpu.memory_space<semaphore_mem>>)
    %mul3A_103 = arith.constant 160000 : i32
    %mul3A_104 = arith.muli %arg0, %mul3A_103 : i32
    %mul3A_105 = arith.constant 10000 : i32
    %mul3A_106 = arith.muli %arg1, %mul3A_105 : i32
    %add3A_107 = arith.addi %mul3A_104, %mul3A_106 : i32
    %add3A_108 = arith.constant 160 : i32
    %add3A_109 = arith.addi %add3A_107, %add3A_108 : i32
    %dma_wait3A_110 = tpu.memref_slice %arg3[%add3A_109] : memref<320000xi32, #tpu.memory_space<hbm>> -> memref<80xi32, #tpu.memory_space<hbm>>
    %dma_wait3A_111 = tpu.memref_slice %arg3[%add3A_109] : memref<320000xi32, #tpu.memory_space<hbm>> -> memref<80xi32, #tpu.memory_space<hbm>>
    tpu.wait_dma2 semaphore(%arg20 : memref<!tpu.dma_semaphore, #tpu.memory_space<semaphore_mem>>) src(%dma_wait3A_111 : memref<80xi32, #tpu.memory_space<hbm>>) dst(%arg12 : memref<80xi32, #tpu.memory_space<vmem>>)
    %dma_start3A_112 = arith.constant 0 : i32
    %dma_start3A_113 = arith.constant 0 : i32
    %dma_start3A_114 = tpu.memref_slice %arg2[%dma_start3A_112, %dma_start3A_113] : memref<20000x128xf32, #tpu.memory_space<hbm>> -> memref<20000x128xf32, #tpu.memory_space<hbm>>
    tpu.enqueue_indirect_dma source(%dma_start3A_114 : memref<20000x128xf32, #tpu.memory_space<hbm>>) target(%arg16 : memref<80x128xf32, #tpu.memory_space<vmem>>) offsets(%arg12 : memref<80xi32, #tpu.memory_space<vmem>>) semaphore(%arg23 : memref<!tpu.dma_semaphore, #tpu.memory_space<semaphore_mem>>)
    %dma_wait3A_115 = arith.constant 0 : i32
    %dma_wait3A_116 = arith.constant 0 : i32
    %dma_wait3A_117 = tpu.memref_slice %arg2[%dma_wait3A_115, %dma_wait3A_116] : memref<20000x128xf32, #tpu.memory_space<hbm>> -> memref<20000x128xf32, #tpu.memory_space<hbm>>
    tpu.wait_indirect_dma semaphore(%arg22 : memref<!tpu.dma_semaphore, #tpu.memory_space<semaphore_mem>>) src(%dma_wait3A_117 : memref<20000x128xf32, #tpu.memory_space<hbm>>) dst(%arg15 : memref<80x128xf32, #tpu.memory_space<vmem>>)
    %dma_start3A_118 = arith.constant 1 : i32
    %dma_start3A_119 = arith.constant 0 : i32
    %dma_start3A_120 = tpu.memref_slice %arg13[%dma_start3A_118, %dma_start3A_119] : memref<125x80xi32, #tpu.memory_space<vmem>> -> memref<1x80xi32, #tpu.memory_space<vmem>>
    %dma_start3A_121 = tpu.memref_squeeze %dma_start3A_120 : memref<1x80xi32, #tpu.memory_space<vmem>> -> memref<80xi32, #tpu.memory_space<vmem>>
    %dma_start3A_122 = arith.constant 0 : i32
    %dma_start3A_123 = arith.constant 0 : i32
    %dma_start3A_124 = tpu.memref_slice %arg17[%dma_start3A_122, %dma_start3A_123] : memref<10240x128xf32, #tpu.memory_space<vmem_shared>> -> memref<10240x128xf32, #tpu.memory_space<vmem_shared>>
    tpu.enqueue_indirect_dma source(%arg15 : memref<80x128xf32, #tpu.memory_space<vmem>>) target(%dma_start3A_124 : memref<10240x128xf32, #tpu.memory_space<vmem_shared>>) offsets(%dma_start3A_121 : memref<80xi32, #tpu.memory_space<vmem>>) semaphore(%arg25 : memref<!tpu.dma_semaphore, #tpu.memory_space<semaphore_mem>>) {add = true}
    %scan3A_125 = arith.constant 0 : i32
    %scan3A_126 = arith.constant 0 : i32
    %scan3A_127 = arith.constant 40 : i32
    %scan3A_128 = arith.addi %scan3A_126, %scan3A_127 : i32
    %scan3A_129 = arith.constant 1 : i32
    scf.for %scan3A_476 = %scan3A_126 to %scan3A_128 step %scan3A_129  : i32 {
      %mul3A_477 = arith.constant 3 : i32
      %mul3A_478 = arith.muli %mul3A_477, %scan3A_476 : i32
      %add3A_479 = arith.constant 2 : i32
      %add3A_480 = arith.addi %mul3A_478, %add3A_479 : i32
      %add3A_481 = arith.constant 0 : i32
      %add3A_482 = arith.addi %add3A_480, %add3A_481 : i32
      %add3A_483 = arith.constant 2 : i32
      %add3A_484 = arith.addi %add3A_482, %add3A_483 : i32
      %mul3A_485 = arith.constant 160000 : i32
      %mul3A_486 = arith.muli %arg0, %mul3A_485 : i32
      %mul3A_487 = arith.constant 10000 : i32
      %mul3A_488 = arith.muli %arg1, %mul3A_487 : i32
      %add3A_489 = arith.addi %mul3A_486, %mul3A_488 : i32
      %mul3A_490 = arith.constant 80 : i32
      %mul3A_491 = arith.muli %add3A_484, %mul3A_490 : i32
      %add3A_492 = arith.addi %add3A_489, %mul3A_491 : i32
      %dma_start3A_493 = tpu.memref_slice %arg3[%add3A_492] : memref<320000xi32, #tpu.memory_space<hbm>> -> memref<80xi32, #tpu.memory_space<hbm>>
      %dma_start3A_494 = tpu.memref_slice %arg3[%add3A_492] : memref<320000xi32, #tpu.memory_space<hbm>> -> memref<80xi32, #tpu.memory_space<hbm>>
      tpu.enqueue_dma source(%dma_start3A_494 : memref<80xi32, #tpu.memory_space<hbm>>) target(%arg11 : memref<80xi32, #tpu.memory_space<vmem>>) target_semaphore(%arg19 : memref<!tpu.dma_semaphore, #tpu.memory_space<semaphore_mem>>)
      %sub3A = arith.constant 2 : i32
      %sub3A_495 = arith.subi %add3A_482, %sub3A : i32
      %dma_wait3A_496 = arith.constant 0 : i32
      %dma_wait3A_497 = tpu.memref_slice %arg13[%sub3A_495, %dma_wait3A_496] : memref<125x80xi32, #tpu.memory_space<vmem>> -> memref<1x80xi32, #tpu.memory_space<vmem>>
      %dma_wait3A_498 = tpu.memref_squeeze %dma_wait3A_497 : memref<1x80xi32, #tpu.memory_space<vmem>> -> memref<80xi32, #tpu.memory_space<vmem>>
      %dma_wait3A_499 = arith.constant 0 : i32
      %dma_wait3A_500 = arith.constant 0 : i32
      %dma_wait3A_501 = tpu.memref_slice %arg17[%dma_wait3A_499, %dma_wait3A_500] : memref<10240x128xf32, #tpu.memory_space<vmem_shared>> -> memref<10240x128xf32, #tpu.memory_space<vmem_shared>>
      tpu.wait_indirect_dma semaphore(%arg24 : memref<!tpu.dma_semaphore, #tpu.memory_space<semaphore_mem>>) src(%arg14 : memref<80x128xf32, #tpu.memory_space<vmem>>) dst(%dma_wait3A_501 : memref<10240x128xf32, #tpu.memory_space<vmem_shared>>)
      %add3A_502 = arith.constant 1 : i32
      %add3A_503 = arith.addi %add3A_482, %add3A_502 : i32
      %mul3A_504 = arith.constant 160000 : i32
      %mul3A_505 = arith.muli %arg0, %mul3A_504 : i32
      %mul3A_506 = arith.constant 10000 : i32
      %mul3A_507 = arith.muli %arg1, %mul3A_506 : i32
      %add3A_508 = arith.addi %mul3A_505, %mul3A_507 : i32
      %mul3A_509 = arith.constant 80 : i32
      %mul3A_510 = arith.muli %add3A_503, %mul3A_509 : i32
      %add3A_511 = arith.addi %add3A_508, %mul3A_510 : i32
      %dma_wait3A_512 = tpu.memref_slice %arg3[%add3A_511] : memref<320000xi32, #tpu.memory_space<hbm>> -> memref<80xi32, #tpu.memory_space<hbm>>
      %dma_wait3A_513 = tpu.memref_slice %arg3[%add3A_511] : memref<320000xi32, #tpu.memory_space<hbm>> -> memref<80xi32, #tpu.memory_space<hbm>>
      tpu.wait_dma2 semaphore(%arg18 : memref<!tpu.dma_semaphore, #tpu.memory_space<semaphore_mem>>) src(%dma_wait3A_513 : memref<80xi32, #tpu.memory_space<hbm>>) dst(%arg10 : memref<80xi32, #tpu.memory_space<vmem>>)
      %add3A_514 = arith.constant 1 : i32
      %add3A_515 = arith.addi %add3A_482, %add3A_514 : i32
      %dma_start3A_516 = arith.constant 0 : i32
      %dma_start3A_517 = arith.constant 0 : i32
      %dma_start3A_518 = tpu.memref_slice %arg2[%dma_start3A_516, %dma_start3A_517] : memref<20000x128xf32, #tpu.memory_space<hbm>> -> memref<20000x128xf32, #tpu.memory_space<hbm>>
      tpu.enqueue_indirect_dma source(%dma_start3A_518 : memref<20000x128xf32, #tpu.memory_space<hbm>>) target(%arg14 : memref<80x128xf32, #tpu.memory_space<vmem>>) offsets(%arg10 : memref<80xi32, #tpu.memory_space<vmem>>) semaphore(%arg21 : memref<!tpu.dma_semaphore, #tpu.memory_space<semaphore_mem>>)
      %dma_wait3A_519 = arith.constant 0 : i32
      %dma_wait3A_520 = arith.constant 0 : i32
      %dma_wait3A_521 = tpu.memref_slice %arg2[%dma_wait3A_519, %dma_wait3A_520] : memref<20000x128xf32, #tpu.memory_space<hbm>> -> memref<20000x128xf32, #tpu.memory_space<hbm>>
      tpu.wait_indirect_dma semaphore(%arg23 : memref<!tpu.dma_semaphore, #tpu.memory_space<semaphore_mem>>) src(%dma_wait3A_521 : memref<20000x128xf32, #tpu.memory_space<hbm>>) dst(%arg16 : memref<80x128xf32, #tpu.memory_space<vmem>>)
      %dma_start3A_522 = arith.constant 0 : i32
      %dma_start3A_523 = tpu.memref_slice %arg13[%add3A_482, %dma_start3A_522] : memref<125x80xi32, #tpu.memory_space<vmem>> -> memref<1x80xi32, #tpu.memory_space<vmem>>
      %dma_start3A_524 = tpu.memref_squeeze %dma_start3A_523 : memref<1x80xi32, #tpu.memory_space<vmem>> -> memref<80xi32, #tpu.memory_space<vmem>>
      %dma_start3A_525 = arith.constant 0 : i32
      %dma_start3A_526 = arith.constant 0 : i32
      %dma_start3A_527 = tpu.memref_slice %arg17[%dma_start3A_525, %dma_start3A_526] : memref<10240x128xf32, #tpu.memory_space<vmem_shared>> -> memref<10240x128xf32, #tpu.memory_space<vmem_shared>>
      tpu.enqueue_indirect_dma source(%arg16 : memref<80x128xf32, #tpu.memory_space<vmem>>) target(%dma_start3A_527 : memref<10240x128xf32, #tpu.memory_space<vmem_shared>>) offsets(%dma_start3A_524 : memref<80xi32, #tpu.memory_space<vmem>>) semaphore(%arg26 : memref<!tpu.dma_semaphore, #tpu.memory_space<semaphore_mem>>) {add = true}
      %mul3A_528 = arith.constant 3 : i32
      %mul3A_529 = arith.muli %mul3A_528, %scan3A_476 : i32
      %add3A_530 = arith.constant 2 : i32
      %add3A_531 = arith.addi %mul3A_529, %add3A_530 : i32
      %add3A_532 = arith.constant 1 : i32
      %add3A_533 = arith.addi %add3A_531, %add3A_532 : i32
      %add3A_534 = arith.constant 2 : i32
      %add3A_535 = arith.addi %add3A_533, %add3A_534 : i32
      %mul3A_536 = arith.constant 160000 : i32
      %mul3A_537 = arith.muli %arg0, %mul3A_536 : i32
      %mul3A_538 = arith.constant 10000 : i32
      %mul3A_539 = arith.muli %arg1, %mul3A_538 : i32
      %add3A_540 = arith.addi %mul3A_537, %mul3A_539 : i32
      %mul3A_541 = arith.constant 80 : i32
      %mul3A_542 = arith.muli %add3A_535, %mul3A_541 : i32
      %add3A_543 = arith.addi %add3A_540, %mul3A_542 : i32
      %dma_start3A_544 = tpu.memref_slice %arg3[%add3A_543] : memref<320000xi32, #tpu.memory_space<hbm>> -> memref<80xi32, #tpu.memory_space<hbm>>
      %dma_start3A_545 = tpu.memref_slice %arg3[%add3A_543] : memref<320000xi32, #tpu.memory_space<hbm>> -> memref<80xi32, #tpu.memory_space<hbm>>
      tpu.enqueue_dma source(%dma_start3A_545 : memref<80xi32, #tpu.memory_space<hbm>>) target(%arg12 : memref<80xi32, #tpu.memory_space<vmem>>) target_semaphore(%arg20 : memref<!tpu.dma_semaphore, #tpu.memory_space<semaphore_mem>>)
      %sub3A_546 = arith.constant 2 : i32
      %sub3A_547 = arith.subi %add3A_533, %sub3A_546 : i32
      %dma_wait3A_548 = arith.constant 0 : i32
      %dma_wait3A_549 = tpu.memref_slice %arg13[%sub3A_547, %dma_wait3A_548] : memref<125x80xi32, #tpu.memory_space<vmem>> -> memref<1x80xi32, #tpu.memory_space<vmem>>
      %dma_wait3A_550 = tpu.memref_squeeze %dma_wait3A_549 : memref<1x80xi32, #tpu.memory_space<vmem>> -> memref<80xi32, #tpu.memory_space<vmem>>
      %dma_wait3A_551 = arith.constant 0 : i32
      %dma_wait3A_552 = arith.constant 0 : i32
      %dma_wait3A_553 = tpu.memref_slice %arg17[%dma_wait3A_551, %dma_wait3A_552] : memref<10240x128xf32, #tpu.memory_space<vmem_shared>> -> memref<10240x128xf32, #tpu.memory_space<vmem_shared>>
      tpu.wait_indirect_dma semaphore(%arg25 : memref<!tpu.dma_semaphore, #tpu.memory_space<semaphore_mem>>) src(%arg15 : memref<80x128xf32, #tpu.memory_space<vmem>>) dst(%dma_wait3A_553 : memref<10240x128xf32, #tpu.memory_space<vmem_shared>>)
      %add3A_554 = arith.constant 1 : i32
      %add3A_555 = arith.addi %add3A_533, %add3A_554 : i32
      %mul3A_556 = arith.constant 160000 : i32
      %mul3A_557 = arith.muli %arg0, %mul3A_556 : i32
      %mul3A_558 = arith.constant 10000 : i32
      %mul3A_559 = arith.muli %arg1, %mul3A_558 : i32
      %add3A_560 = arith.addi %mul3A_557, %mul3A_559 : i32
      %mul3A_561 = arith.constant 80 : i32
      %mul3A_562 = arith.muli %add3A_555, %mul3A_561 : i32
      %add3A_563 = arith.addi %add3A_560, %mul3A_562 : i32
      %dma_wait3A_564 = tpu.memref_slice %arg3[%add3A_563] : memref<320000xi32, #tpu.memory_space<hbm>> -> memref<80xi32, #tpu.memory_space<hbm>>
      %dma_wait3A_565 = tpu.memref_slice %arg3[%add3A_563] : memref<320000xi32, #tpu.memory_space<hbm>> -> memref<80xi32, #tpu.memory_space<hbm>>
      tpu.wait_dma2 semaphore(%arg19 : memref<!tpu.dma_semaphore, #tpu.memory_space<semaphore_mem>>) src(%dma_wait3A_565 : memref<80xi32, #tpu.memory_space<hbm>>) dst(%arg11 : memref<80xi32, #tpu.memory_space<vmem>>)
      %add3A_566 = arith.constant 1 : i32
      %add3A_567 = arith.addi %add3A_533, %add3A_566 : i32
      %dma_start3A_568 = arith.constant 0 : i32
      %dma_start3A_569 = arith.constant 0 : i32
      %dma_start3A_570 = tpu.memref_slice %arg2[%dma_start3A_568, %dma_start3A_569] : memref<20000x128xf32, #tpu.memory_space<hbm>> -> memref<20000x128xf32, #tpu.memory_space<hbm>>
      tpu.enqueue_indirect_dma source(%dma_start3A_570 : memref<20000x128xf32, #tpu.memory_space<hbm>>) target(%arg15 : memref<80x128xf32, #tpu.memory_space<vmem>>) offsets(%arg11 : memref<80xi32, #tpu.memory_space<vmem>>) semaphore(%arg22 : memref<!tpu.dma_semaphore, #tpu.memory_space<semaphore_mem>>)
      %dma_wait3A_571 = arith.constant 0 : i32
      %dma_wait3A_572 = arith.constant 0 : i32
      %dma_wait3A_573 = tpu.memref_slice %arg2[%dma_wait3A_571, %dma_wait3A_572] : memref<20000x128xf32, #tpu.memory_space<hbm>> -> memref<20000x128xf32, #tpu.memory_space<hbm>>
      tpu.wait_indirect_dma semaphore(%arg21 : memref<!tpu.dma_semaphore, #tpu.memory_space<semaphore_mem>>) src(%dma_wait3A_573 : memref<20000x128xf32, #tpu.memory_space<hbm>>) dst(%arg14 : memref<80x128xf32, #tpu.memory_space<vmem>>)
      %dma_start3A_574 = arith.constant 0 : i32
      %dma_start3A_575 = tpu.memref_slice %arg13[%add3A_533, %dma_start3A_574] : memref<125x80xi32, #tpu.memory_space<vmem>> -> memref<1x80xi32, #tpu.memory_space<vmem>>
      %dma_start3A_576 = tpu.memref_squeeze %dma_start3A_575 : memref<1x80xi32, #tpu.memory_space<vmem>> -> memref<80xi32, #tpu.memory_space<vmem>>
      %dma_start3A_577 = arith.constant 0 : i32
      %dma_start3A_578 = arith.constant 0 : i32
      %dma_start3A_579 = tpu.memref_slice %arg17[%dma_start3A_577, %dma_start3A_578] : memref<10240x128xf32, #tpu.memory_space<vmem_shared>> -> memref<10240x128xf32, #tpu.memory_space<vmem_shared>>
      tpu.enqueue_indirect_dma source(%arg14 : memref<80x128xf32, #tpu.memory_space<vmem>>) target(%dma_start3A_579 : memref<10240x128xf32, #tpu.memory_space<vmem_shared>>) offsets(%dma_start3A_576 : memref<80xi32, #tpu.memory_space<vmem>>) semaphore(%arg24 : memref<!tpu.dma_semaphore, #tpu.memory_space<semaphore_mem>>) {add = true}
      %mul3A_580 = arith.constant 3 : i32
      %mul3A_581 = arith.muli %mul3A_580, %scan3A_476 : i32
      %add3A_582 = arith.constant 2 : i32
      %add3A_583 = arith.addi %mul3A_581, %add3A_582 : i32
      %add3A_584 = arith.constant 2 : i32
      %add3A_585 = arith.addi %add3A_583, %add3A_584 : i32
      %add3A_586 = arith.constant 2 : i32
      %add3A_587 = arith.addi %add3A_585, %add3A_586 : i32
      %mul3A_588 = arith.constant 160000 : i32
      %mul3A_589 = arith.muli %arg0, %mul3A_588 : i32
      %mul3A_590 = arith.constant 10000 : i32
      %mul3A_591 = arith.muli %arg1, %mul3A_590 : i32
      %add3A_592 = arith.addi %mul3A_589, %mul3A_591 : i32
      %mul3A_593 = arith.constant 80 : i32
      %mul3A_594 = arith.muli %add3A_587, %mul3A_593 : i32
      %add3A_595 = arith.addi %add3A_592, %mul3A_594 : i32
      %dma_start3A_596 = tpu.memref_slice %arg3[%add3A_595] : memref<320000xi32, #tpu.memory_space<hbm>> -> memref<80xi32, #tpu.memory_space<hbm>>
      %dma_start3A_597 = tpu.memref_slice %arg3[%add3A_595] : memref<320000xi32, #tpu.memory_space<hbm>> -> memref<80xi32, #tpu.memory_space<hbm>>
      tpu.enqueue_dma source(%dma_start3A_597 : memref<80xi32, #tpu.memory_space<hbm>>) target(%arg10 : memref<80xi32, #tpu.memory_space<vmem>>) target_semaphore(%arg18 : memref<!tpu.dma_semaphore, #tpu.memory_space<semaphore_mem>>)
      %sub3A_598 = arith.constant 2 : i32
      %sub3A_599 = arith.subi %add3A_585, %sub3A_598 : i32
      %dma_wait3A_600 = arith.constant 0 : i32
      %dma_wait3A_601 = tpu.memref_slice %arg13[%sub3A_599, %dma_wait3A_600] : memref<125x80xi32, #tpu.memory_space<vmem>> -> memref<1x80xi32, #tpu.memory_space<vmem>>
      %dma_wait3A_602 = tpu.memref_squeeze %dma_wait3A_601 : memref<1x80xi32, #tpu.memory_space<vmem>> -> memref<80xi32, #tpu.memory_space<vmem>>
      %dma_wait3A_603 = arith.constant 0 : i32
      %dma_wait3A_604 = arith.constant 0 : i32
      %dma_wait3A_605 = tpu.memref_slice %arg17[%dma_wait3A_603, %dma_wait3A_604] : memref<10240x128xf32, #tpu.memory_space<vmem_shared>> -> memref<10240x128xf32, #tpu.memory_space<vmem_shared>>
      tpu.wait_indirect_dma semaphore(%arg26 : memref<!tpu.dma_semaphore, #tpu.memory_space<semaphore_mem>>) src(%arg16 : memref<80x128xf32, #tpu.memory_space<vmem>>) dst(%dma_wait3A_605 : memref<10240x128xf32, #tpu.memory_space<vmem_shared>>)
      %add3A_606 = arith.constant 1 : i32
      %add3A_607 = arith.addi %add3A_585, %add3A_606 : i32
      %mul3A_608 = arith.constant 160000 : i32
      %mul3A_609 = arith.muli %arg0, %mul3A_608 : i32
      %mul3A_610 = arith.constant 10000 : i32
      %mul3A_611 = arith.muli %arg1, %mul3A_610 : i32
      %add3A_612 = arith.addi %mul3A_609, %mul3A_611 : i32
      %mul3A_613 = arith.constant 80 : i32
      %mul3A_614 = arith.muli %add3A_607, %mul3A_613 : i32
      %add3A_615 = arith.addi %add3A_612, %mul3A_614 : i32
      %dma_wait3A_616 = tpu.memref_slice %arg3[%add3A_615] : memref<320000xi32, #tpu.memory_space<hbm>> -> memref<80xi32, #tpu.memory_space<hbm>>
      %dma_wait3A_617 = tpu.memref_slice %arg3[%add3A_615] : memref<320000xi32, #tpu.memory_space<hbm>> -> memref<80xi32, #tpu.memory_space<hbm>>
      tpu.wait_dma2 semaphore(%arg20 : memref<!tpu.dma_semaphore, #tpu.memory_space<semaphore_mem>>) src(%dma_wait3A_617 : memref<80xi32, #tpu.memory_space<hbm>>) dst(%arg12 : memref<80xi32, #tpu.memory_space<vmem>>)
      %add3A_618 = arith.constant 1 : i32
      %add3A_619 = arith.addi %add3A_585, %add3A_618 : i32
      %dma_start3A_620 = arith.constant 0 : i32
      %dma_start3A_621 = arith.constant 0 : i32
      %dma_start3A_622 = tpu.memref_slice %arg2[%dma_start3A_620, %dma_start3A_621] : memref<20000x128xf32, #tpu.memory_space<hbm>> -> memref<20000x128xf32, #tpu.memory_space<hbm>>
      tpu.enqueue_indirect_dma source(%dma_start3A_622 : memref<20000x128xf32, #tpu.memory_space<hbm>>) target(%arg16 : memref<80x128xf32, #tpu.memory_space<vmem>>) offsets(%arg12 : memref<80xi32, #tpu.memory_space<vmem>>) semaphore(%arg23 : memref<!tpu.dma_semaphore, #tpu.memory_space<semaphore_mem>>)
      %dma_wait3A_623 = arith.constant 0 : i32
      %dma_wait3A_624 = arith.constant 0 : i32
      %dma_wait3A_625 = tpu.memref_slice %arg2[%dma_wait3A_623, %dma_wait3A_624] : memref<20000x128xf32, #tpu.memory_space<hbm>> -> memref<20000x128xf32, #tpu.memory_space<hbm>>
      tpu.wait_indirect_dma semaphore(%arg22 : memref<!tpu.dma_semaphore, #tpu.memory_space<semaphore_mem>>) src(%dma_wait3A_625 : memref<20000x128xf32, #tpu.memory_space<hbm>>) dst(%arg15 : memref<80x128xf32, #tpu.memory_space<vmem>>)
      %dma_start3A_626 = arith.constant 0 : i32
      %dma_start3A_627 = tpu.memref_slice %arg13[%add3A_585, %dma_start3A_626] : memref<125x80xi32, #tpu.memory_space<vmem>> -> memref<1x80xi32, #tpu.memory_space<vmem>>
      %dma_start3A_628 = tpu.memref_squeeze %dma_start3A_627 : memref<1x80xi32, #tpu.memory_space<vmem>> -> memref<80xi32, #tpu.memory_space<vmem>>
      %dma_start3A_629 = arith.constant 0 : i32
      %dma_start3A_630 = arith.constant 0 : i32
      %dma_start3A_631 = tpu.memref_slice %arg17[%dma_start3A_629, %dma_start3A_630] : memref<10240x128xf32, #tpu.memory_space<vmem_shared>> -> memref<10240x128xf32, #tpu.memory_space<vmem_shared>>
      tpu.enqueue_indirect_dma source(%arg15 : memref<80x128xf32, #tpu.memory_space<vmem>>) target(%dma_start3A_631 : memref<10240x128xf32, #tpu.memory_space<vmem_shared>>) offsets(%dma_start3A_628 : memref<80xi32, #tpu.memory_space<vmem>>) semaphore(%arg25 : memref<!tpu.dma_semaphore, #tpu.memory_space<semaphore_mem>>) {add = true}
    }
    %scan3A_130 = arith.constant 40 : i32
    %mul3A_131 = arith.constant 160000 : i32
    %mul3A_132 = arith.muli %arg0, %mul3A_131 : i32
    %mul3A_133 = arith.constant 10000 : i32
    %mul3A_134 = arith.muli %arg1, %mul3A_133 : i32
    %add3A_135 = arith.addi %mul3A_132, %mul3A_134 : i32
    %add3A_136 = arith.constant 9920 : i32
    %add3A_137 = arith.addi %add3A_135, %add3A_136 : i32
    %dma_start3A_138 = tpu.memref_slice %arg3[%add3A_137] : memref<320000xi32, #tpu.memory_space<hbm>> -> memref<80xi32, #tpu.memory_space<hbm>>
    %dma_start3A_139 = tpu.memref_slice %arg3[%add3A_137] : memref<320000xi32, #tpu.memory_space<hbm>> -> memref<80xi32, #tpu.memory_space<hbm>>
    tpu.enqueue_dma source(%dma_start3A_139 : memref<80xi32, #tpu.memory_space<hbm>>) target(%arg11 : memref<80xi32, #tpu.memory_space<vmem>>) target_semaphore(%arg19 : memref<!tpu.dma_semaphore, #tpu.memory_space<semaphore_mem>>)
    %dma_wait3A_140 = arith.constant 120 : i32
    %dma_wait3A_141 = arith.constant 0 : i32
    %dma_wait3A_142 = tpu.memref_slice %arg13[%dma_wait3A_140, %dma_wait3A_141] : memref<125x80xi32, #tpu.memory_space<vmem>> -> memref<1x80xi32, #tpu.memory_space<vmem>>
    %dma_wait3A_143 = tpu.memref_squeeze %dma_wait3A_142 : memref<1x80xi32, #tpu.memory_space<vmem>> -> memref<80xi32, #tpu.memory_space<vmem>>
    %dma_wait3A_144 = arith.constant 0 : i32
    %dma_wait3A_145 = arith.constant 0 : i32
    %dma_wait3A_146 = tpu.memref_slice %arg17[%dma_wait3A_144, %dma_wait3A_145] : memref<10240x128xf32, #tpu.memory_space<vmem_shared>> -> memref<10240x128xf32, #tpu.memory_space<vmem_shared>>
    tpu.wait_indirect_dma semaphore(%arg24 : memref<!tpu.dma_semaphore, #tpu.memory_space<semaphore_mem>>) src(%arg14 : memref<80x128xf32, #tpu.memory_space<vmem>>) dst(%dma_wait3A_146 : memref<10240x128xf32, #tpu.memory_space<vmem_shared>>)
    %mul3A_147 = arith.constant 160000 : i32
    %mul3A_148 = arith.muli %arg0, %mul3A_147 : i32
    %mul3A_149 = arith.constant 10000 : i32
    %mul3A_150 = arith.muli %arg1, %mul3A_149 : i32
    %add3A_151 = arith.addi %mul3A_148, %mul3A_150 : i32
    %add3A_152 = arith.constant 9840 : i32
    %add3A_153 = arith.addi %add3A_151, %add3A_152 : i32
    %dma_wait3A_154 = tpu.memref_slice %arg3[%add3A_153] : memref<320000xi32, #tpu.memory_space<hbm>> -> memref<80xi32, #tpu.memory_space<hbm>>
    %dma_wait3A_155 = tpu.memref_slice %arg3[%add3A_153] : memref<320000xi32, #tpu.memory_space<hbm>> -> memref<80xi32, #tpu.memory_space<hbm>>
    tpu.wait_dma2 semaphore(%arg18 : memref<!tpu.dma_semaphore, #tpu.memory_space<semaphore_mem>>) src(%dma_wait3A_155 : memref<80xi32, #tpu.memory_space<hbm>>) dst(%arg10 : memref<80xi32, #tpu.memory_space<vmem>>)
    %dma_start3A_156 = arith.constant 0 : i32
    %dma_start3A_157 = arith.constant 0 : i32
    %dma_start3A_158 = tpu.memref_slice %arg2[%dma_start3A_156, %dma_start3A_157] : memref<20000x128xf32, #tpu.memory_space<hbm>> -> memref<20000x128xf32, #tpu.memory_space<hbm>>
    tpu.enqueue_indirect_dma source(%dma_start3A_158 : memref<20000x128xf32, #tpu.memory_space<hbm>>) target(%arg14 : memref<80x128xf32, #tpu.memory_space<vmem>>) offsets(%arg10 : memref<80xi32, #tpu.memory_space<vmem>>) semaphore(%arg21 : memref<!tpu.dma_semaphore, #tpu.memory_space<semaphore_mem>>)
    %dma_wait3A_159 = arith.constant 0 : i32
    %dma_wait3A_160 = arith.constant 0 : i32
    %dma_wait3A_161 = tpu.memref_slice %arg2[%dma_wait3A_159, %dma_wait3A_160] : memref<20000x128xf32, #tpu.memory_space<hbm>> -> memref<20000x128xf32, #tpu.memory_space<hbm>>
    tpu.wait_indirect_dma semaphore(%arg23 : memref<!tpu.dma_semaphore, #tpu.memory_space<semaphore_mem>>) src(%dma_wait3A_161 : memref<20000x128xf32, #tpu.memory_space<hbm>>) dst(%arg16 : memref<80x128xf32, #tpu.memory_space<vmem>>)
    %dma_start3A_162 = arith.constant 122 : i32
    %dma_start3A_163 = arith.constant 0 : i32
    %dma_start3A_164 = tpu.memref_slice %arg13[%dma_start3A_162, %dma_start3A_163] : memref<125x80xi32, #tpu.memory_space<vmem>> -> memref<1x80xi32, #tpu.memory_space<vmem>>
    %dma_start3A_165 = tpu.memref_squeeze %dma_start3A_164 : memref<1x80xi32, #tpu.memory_space<vmem>> -> memref<80xi32, #tpu.memory_space<vmem>>
    %dma_start3A_166 = arith.constant 0 : i32
    %dma_start3A_167 = arith.constant 0 : i32
    %dma_start3A_168 = tpu.memref_slice %arg17[%dma_start3A_166, %dma_start3A_167] : memref<10240x128xf32, #tpu.memory_space<vmem_shared>> -> memref<10240x128xf32, #tpu.memory_space<vmem_shared>>
    tpu.enqueue_indirect_dma source(%arg16 : memref<80x128xf32, #tpu.memory_space<vmem>>) target(%dma_start3A_168 : memref<10240x128xf32, #tpu.memory_space<vmem_shared>>) offsets(%dma_start3A_165 : memref<80xi32, #tpu.memory_space<vmem>>) semaphore(%arg26 : memref<!tpu.dma_semaphore, #tpu.memory_space<semaphore_mem>>) {add = true}
    %dma_wait3A_169 = arith.constant 121 : i32
    %dma_wait3A_170 = arith.constant 0 : i32
    %dma_wait3A_171 = tpu.memref_slice %arg13[%dma_wait3A_169, %dma_wait3A_170] : memref<125x80xi32, #tpu.memory_space<vmem>> -> memref<1x80xi32, #tpu.memory_space<vmem>>
    %dma_wait3A_172 = tpu.memref_squeeze %dma_wait3A_171 : memref<1x80xi32, #tpu.memory_space<vmem>> -> memref<80xi32, #tpu.memory_space<vmem>>
    %dma_wait3A_173 = arith.constant 0 : i32
    %dma_wait3A_174 = arith.constant 0 : i32
    %dma_wait3A_175 = tpu.memref_slice %arg17[%dma_wait3A_173, %dma_wait3A_174] : memref<10240x128xf32, #tpu.memory_space<vmem_shared>> -> memref<10240x128xf32, #tpu.memory_space<vmem_shared>>
    tpu.wait_indirect_dma semaphore(%arg25 : memref<!tpu.dma_semaphore, #tpu.memory_space<semaphore_mem>>) src(%arg15 : memref<80x128xf32, #tpu.memory_space<vmem>>) dst(%dma_wait3A_175 : memref<10240x128xf32, #tpu.memory_space<vmem_shared>>)
    %mul3A_176 = arith.constant 160000 : i32
    %mul3A_177 = arith.muli %arg0, %mul3A_176 : i32
    %mul3A_178 = arith.constant 10000 : i32
    %mul3A_179 = arith.muli %arg1, %mul3A_178 : i32
    %add3A_180 = arith.addi %mul3A_177, %mul3A_179 : i32
    %add3A_181 = arith.constant 9920 : i32
    %add3A_182 = arith.addi %add3A_180, %add3A_181 : i32
    %dma_wait3A_183 = tpu.memref_slice %arg3[%add3A_182] : memref<320000xi32, #tpu.memory_space<hbm>> -> memref<80xi32, #tpu.memory_space<hbm>>
    %dma_wait3A_184 = tpu.memref_slice %arg3[%add3A_182] : memref<320000xi32, #tpu.memory_space<hbm>> -> memref<80xi32, #tpu.memory_space<hbm>>
    tpu.wait_dma2 semaphore(%arg19 : memref<!tpu.dma_semaphore, #tpu.memory_space<semaphore_mem>>) src(%dma_wait3A_184 : memref<80xi32, #tpu.memory_space<hbm>>) dst(%arg11 : memref<80xi32, #tpu.memory_space<vmem>>)
    %dma_start3A_185 = arith.constant 0 : i32
    %dma_start3A_186 = arith.constant 0 : i32
    %dma_start3A_187 = tpu.memref_slice %arg2[%dma_start3A_185, %dma_start3A_186] : memref<20000x128xf32, #tpu.memory_space<hbm>> -> memref<20000x128xf32, #tpu.memory_space<hbm>>
    tpu.enqueue_indirect_dma source(%dma_start3A_187 : memref<20000x128xf32, #tpu.memory_space<hbm>>) target(%arg15 : memref<80x128xf32, #tpu.memory_space<vmem>>) offsets(%arg11 : memref<80xi32, #tpu.memory_space<vmem>>) semaphore(%arg22 : memref<!tpu.dma_semaphore, #tpu.memory_space<semaphore_mem>>)
    %dma_wait3A_188 = arith.constant 0 : i32
    %dma_wait3A_189 = arith.constant 0 : i32
    %dma_wait3A_190 = tpu.memref_slice %arg2[%dma_wait3A_188, %dma_wait3A_189] : memref<20000x128xf32, #tpu.memory_space<hbm>> -> memref<20000x128xf32, #tpu.memory_space<hbm>>
    tpu.wait_indirect_dma semaphore(%arg21 : memref<!tpu.dma_semaphore, #tpu.memory_space<semaphore_mem>>) src(%dma_wait3A_190 : memref<20000x128xf32, #tpu.memory_space<hbm>>) dst(%arg14 : memref<80x128xf32, #tpu.memory_space<vmem>>)
    %dma_start3A_191 = arith.constant 123 : i32
    %dma_start3A_192 = arith.constant 0 : i32
    %dma_start3A_193 = tpu.memref_slice %arg13[%dma_start3A_191, %dma_start3A_192] : memref<125x80xi32, #tpu.memory_space<vmem>> -> memref<1x80xi32, #tpu.memory_space<vmem>>
    %dma_start3A_194 = tpu.memref_squeeze %dma_start3A_193 : memref<1x80xi32, #tpu.memory_space<vmem>> -> memref<80xi32, #tpu.memory_space<vmem>>
    %dma_start3A_195 = arith.constant 0 : i32
    %dma_start3A_196 = arith.constant 0 : i32
    %dma_start3A_197 = tpu.memref_slice %arg17[%dma_start3A_195, %dma_start3A_196] : memref<10240x128xf32, #tpu.memory_space<vmem_shared>> -> memref<10240x128xf32, #tpu.memory_space<vmem_shared>>
    tpu.enqueue_indirect_dma source(%arg14 : memref<80x128xf32, #tpu.memory_space<vmem>>) target(%dma_start3A_197 : memref<10240x128xf32, #tpu.memory_space<vmem_shared>>) offsets(%dma_start3A_194 : memref<80xi32, #tpu.memory_space<vmem>>) semaphore(%arg24 : memref<!tpu.dma_semaphore, #tpu.memory_space<semaphore_mem>>) {add = true}
    %dma_wait3A_198 = arith.constant 0 : i32
    %dma_wait3A_199 = arith.constant 0 : i32
    %dma_wait3A_200 = tpu.memref_slice %arg2[%dma_wait3A_198, %dma_wait3A_199] : memref<20000x128xf32, #tpu.memory_space<hbm>> -> memref<20000x128xf32, #tpu.memory_space<hbm>>
    tpu.wait_indirect_dma semaphore(%arg22 : memref<!tpu.dma_semaphore, #tpu.memory_space<semaphore_mem>>) src(%dma_wait3A_200 : memref<20000x128xf32, #tpu.memory_space<hbm>>) dst(%arg15 : memref<80x128xf32, #tpu.memory_space<vmem>>)
    %dma_start3A_201 = arith.constant 124 : i32
    %dma_start3A_202 = arith.constant 0 : i32
    %dma_start3A_203 = tpu.memref_slice %arg13[%dma_start3A_201, %dma_start3A_202] : memref<125x80xi32, #tpu.memory_space<vmem>> -> memref<1x80xi32, #tpu.memory_space<vmem>>
    %dma_start3A_204 = tpu.memref_squeeze %dma_start3A_203 : memref<1x80xi32, #tpu.memory_space<vmem>> -> memref<80xi32, #tpu.memory_space<vmem>>
    %dma_start3A_205 = arith.constant 0 : i32
    %dma_start3A_206 = arith.constant 0 : i32
    %dma_start3A_207 = tpu.memref_slice %arg17[%dma_start3A_205, %dma_start3A_206] : memref<10240x128xf32, #tpu.memory_space<vmem_shared>> -> memref<10240x128xf32, #tpu.memory_space<vmem_shared>>
    tpu.enqueue_indirect_dma source(%arg15 : memref<80x128xf32, #tpu.memory_space<vmem>>) target(%dma_start3A_207 : memref<10240x128xf32, #tpu.memory_space<vmem_shared>>) offsets(%dma_start3A_204 : memref<80xi32, #tpu.memory_space<vmem>>) semaphore(%arg25 : memref<!tpu.dma_semaphore, #tpu.memory_space<semaphore_mem>>) {add = true}
    %dma_wait3A_208 = arith.constant 122 : i32
    %dma_wait3A_209 = arith.constant 0 : i32
    %dma_wait3A_210 = tpu.memref_slice %arg13[%dma_wait3A_208, %dma_wait3A_209] : memref<125x80xi32, #tpu.memory_space<vmem>> -> memref<1x80xi32, #tpu.memory_space<vmem>>
    %dma_wait3A_211 = tpu.memref_squeeze %dma_wait3A_210 : memref<1x80xi32, #tpu.memory_space<vmem>> -> memref<80xi32, #tpu.memory_space<vmem>>
    %dma_wait3A_212 = arith.constant 0 : i32
    %dma_wait3A_213 = arith.constant 0 : i32
    %dma_wait3A_214 = tpu.memref_slice %arg17[%dma_wait3A_212, %dma_wait3A_213] : memref<10240x128xf32, #tpu.memory_space<vmem_shared>> -> memref<10240x128xf32, #tpu.memory_space<vmem_shared>>
    tpu.wait_indirect_dma semaphore(%arg26 : memref<!tpu.dma_semaphore, #tpu.memory_space<semaphore_mem>>) src(%arg16 : memref<80x128xf32, #tpu.memory_space<vmem>>) dst(%dma_wait3A_214 : memref<10240x128xf32, #tpu.memory_space<vmem_shared>>)
    %dma_wait3A_215 = arith.constant 123 : i32
    %dma_wait3A_216 = arith.constant 0 : i32
    %dma_wait3A_217 = tpu.memref_slice %arg13[%dma_wait3A_215, %dma_wait3A_216] : memref<125x80xi32, #tpu.memory_space<vmem>> -> memref<1x80xi32, #tpu.memory_space<vmem>>
    %dma_wait3A_218 = tpu.memref_squeeze %dma_wait3A_217 : memref<1x80xi32, #tpu.memory_space<vmem>> -> memref<80xi32, #tpu.memory_space<vmem>>
    %dma_wait3A_219 = arith.constant 0 : i32
    %dma_wait3A_220 = arith.constant 0 : i32
    %dma_wait3A_221 = tpu.memref_slice %arg17[%dma_wait3A_219, %dma_wait3A_220] : memref<10240x128xf32, #tpu.memory_space<vmem_shared>> -> memref<10240x128xf32, #tpu.memory_space<vmem_shared>>
    tpu.wait_indirect_dma semaphore(%arg24 : memref<!tpu.dma_semaphore, #tpu.memory_space<semaphore_mem>>) src(%arg14 : memref<80x128xf32, #tpu.memory_space<vmem>>) dst(%dma_wait3A_221 : memref<10240x128xf32, #tpu.memory_space<vmem_shared>>)
    %dma_wait3A_222 = arith.constant 124 : i32
    %dma_wait3A_223 = arith.constant 0 : i32
    %dma_wait3A_224 = tpu.memref_slice %arg13[%dma_wait3A_222, %dma_wait3A_223] : memref<125x80xi32, #tpu.memory_space<vmem>> -> memref<1x80xi32, #tpu.memory_space<vmem>>
    %dma_wait3A_225 = tpu.memref_squeeze %dma_wait3A_224 : memref<1x80xi32, #tpu.memory_space<vmem>> -> memref<80xi32, #tpu.memory_space<vmem>>
    %dma_wait3A_226 = arith.constant 0 : i32
    %dma_wait3A_227 = arith.constant 0 : i32
    %dma_wait3A_228 = tpu.memref_slice %arg17[%dma_wait3A_226, %dma_wait3A_227] : memref<10240x128xf32, #tpu.memory_space<vmem_shared>> -> memref<10240x128xf32, #tpu.memory_space<vmem_shared>>
    tpu.wait_indirect_dma semaphore(%arg25 : memref<!tpu.dma_semaphore, #tpu.memory_space<semaphore_mem>>) src(%arg15 : memref<80x128xf32, #tpu.memory_space<vmem>>) dst(%dma_wait3A_228 : memref<10240x128xf32, #tpu.memory_space<vmem_shared>>)
    %barrier3A_229 = arith.constant 0 : index
    tpu.barrier barrier_id(%barrier3A_229)
    %mul3A_230 = arith.constant 640 : i32
    %mul3A_231 = arith.muli %arg1, %mul3A_230 : i32
    %mul3A_232 = arith.constant 640 : i32
    %mul3A_233 = arith.muli %arg1, %mul3A_232 : i32
    "tpu.region"() ({
      %run_scoped3A = tpu.sem_alloc : memref<!tpu.dma_semaphore, #tpu.memory_space<semaphore_mem>>
      %dma_start3A_476 = arith.constant 0 : i32
      %dma_start3A_477 = tpu.memref_slice %arg8[%arg0, %mul3A_233, %dma_start3A_476] : memref<2x10240x128xf32, #tpu.memory_space<hbm>> -> memref<1x640x128xf32, #tpu.memory_space<hbm>>
      %dma_start3A_478 = tpu.memref_squeeze %dma_start3A_477 : memref<1x640x128xf32, #tpu.memory_space<hbm>> -> memref<640x128xf32, #tpu.memory_space<hbm>>
      %dma_start3A_479 = arith.constant 0 : i32
      %dma_start3A_480 = tpu.memref_slice %arg17[%mul3A_231, %dma_start3A_479] : memref<10240x128xf32, #tpu.memory_space<vmem_shared>> -> memref<640x128xf32, #tpu.memory_space<vmem_shared>>
      tpu.enqueue_dma source(%dma_start3A_480 : memref<640x128xf32, #tpu.memory_space<vmem_shared>>) target(%dma_start3A_478 : memref<640x128xf32, #tpu.memory_space<hbm>>) target_semaphore(%run_scoped3A : memref<!tpu.dma_semaphore, #tpu.memory_space<semaphore_mem>>)
      %dma_wait3A_481 = arith.constant 0 : i32
      %dma_wait3A_482 = tpu.memref_slice %arg8[%arg0, %mul3A_233, %dma_wait3A_481] : memref<2x10240x128xf32, #tpu.memory_space<hbm>> -> memref<1x640x128xf32, #tpu.memory_space<hbm>>
      %dma_wait3A_483 = tpu.memref_squeeze %dma_wait3A_482 : memref<1x640x128xf32, #tpu.memory_space<hbm>> -> memref<640x128xf32, #tpu.memory_space<hbm>>
      %dma_wait3A_484 = arith.constant 0 : i32
      %dma_wait3A_485 = tpu.memref_slice %arg17[%mul3A_231, %dma_wait3A_484] : memref<10240x128xf32, #tpu.memory_space<vmem_shared>> -> memref<640x128xf32, #tpu.memory_space<vmem_shared>>
      tpu.wait_dma2 semaphore(%run_scoped3A : memref<!tpu.dma_semaphore, #tpu.memory_space<semaphore_mem>>) src(%dma_wait3A_485 : memref<640x128xf32, #tpu.memory_space<vmem_shared>>) dst(%dma_wait3A_483 : memref<640x128xf32, #tpu.memory_space<hbm>>)
      tpu.yield
    }) : () -> ()
    %barrier3A_234 = arith.constant 0 : index
    tpu.barrier barrier_id(%barrier3A_234)
    "tpu.region"() ({
      %run_scoped3A = tpu.sem_alloc : memref<!tpu.dma_semaphore, #tpu.memory_space<semaphore_mem>>
      %dma_start3A_476 = arith.constant 0 : i32
      %dma_start3A_477 = arith.constant 0 : i32
      %dma_start3A_478 = tpu.memref_slice %arg7[%arg1, %dma_start3A_476, %dma_start3A_477] : memref<16x125x80xi32, #tpu.memory_space<hbm>> -> memref<1x125x80xi32, #tpu.memory_space<hbm>>
      %dma_start3A_479 = tpu.memref_squeeze %dma_start3A_478 : memref<1x125x80xi32, #tpu.memory_space<hbm>> -> memref<125x80xi32, #tpu.memory_space<hbm>>
      %dma_start3A_480 = arith.constant 0 : i32
      %dma_start3A_481 = arith.constant 0 : i32
      %dma_start3A_482 = tpu.memref_slice %arg7[%arg1, %dma_start3A_480, %dma_start3A_481] : memref<16x125x80xi32, #tpu.memory_space<hbm>> -> memref<1x125x80xi32, #tpu.memory_space<hbm>>
      %dma_start3A_483 = tpu.memref_squeeze %dma_start3A_482 : memref<1x125x80xi32, #tpu.memory_space<hbm>> -> memref<125x80xi32, #tpu.memory_space<hbm>>
      tpu.enqueue_dma source(%dma_start3A_483 : memref<125x80xi32, #tpu.memory_space<hbm>>) target(%arg13 : memref<125x80xi32, #tpu.memory_space<vmem>>) target_semaphore(%run_scoped3A : memref<!tpu.dma_semaphore, #tpu.memory_space<semaphore_mem>>)
      %dma_wait3A_484 = arith.constant 0 : i32
      %dma_wait3A_485 = arith.constant 0 : i32
      %dma_wait3A_486 = tpu.memref_slice %arg7[%arg1, %dma_wait3A_484, %dma_wait3A_485] : memref<16x125x80xi32, #tpu.memory_space<hbm>> -> memref<1x125x80xi32, #tpu.memory_space<hbm>>
      %dma_wait3A_487 = tpu.memref_squeeze %dma_wait3A_486 : memref<1x125x80xi32, #tpu.memory_space<hbm>> -> memref<125x80xi32, #tpu.memory_space<hbm>>
      %dma_wait3A_488 = arith.constant 0 : i32
      %dma_wait3A_489 = arith.constant 0 : i32
      %dma_wait3A_490 = tpu.memref_slice %arg7[%arg1, %dma_wait3A_488, %dma_wait3A_489] : memref<16x125x80xi32, #tpu.memory_space<hbm>> -> memref<1x125x80xi32, #tpu.memory_space<hbm>>
      %dma_wait3A_491 = tpu.memref_squeeze %dma_wait3A_490 : memref<1x125x80xi32, #tpu.memory_space<hbm>> -> memref<125x80xi32, #tpu.memory_space<hbm>>
      tpu.wait_dma2 semaphore(%run_scoped3A : memref<!tpu.dma_semaphore, #tpu.memory_space<semaphore_mem>>) src(%dma_wait3A_491 : memref<125x80xi32, #tpu.memory_space<hbm>>) dst(%arg13 : memref<125x80xi32, #tpu.memory_space<vmem>>)
      tpu.yield
    }) : () -> ()
    %scan3A_235 = arith.constant 0 : i32
    %scan3A_236 = arith.constant 0 : i32
    %scan3A_237 = arith.constant 640 : i32
    %scan3A_238 = arith.addi %scan3A_236, %scan3A_237 : i32
    %scan3A_239 = arith.constant 1 : i32
    scf.for %scan3A_476 = %scan3A_236 to %scan3A_238 step %scan3A_239  : i32 {
      %broadcast_in_dim3A = arith.constant 0.000000e+00 : f32
      %broadcast_in_dim3A_477 = vector.broadcast %broadcast_in_dim3A : f32 to vector<16xf32>
      %mul3A_478 = arith.constant 16 : i32
      %mul3A_479 = arith.muli %scan3A_476, %mul3A_478 : i32
      %swap3A = arith.constant 0 : i32
      %swap3A_480 = arith.index_cast %swap3A : i32 to index
      %swap3A_481 = arith.index_cast %mul3A_479 : i32 to index
      %swap3A_482 = tpu.vector_load %arg14[%swap3A_480, %swap3A_481] {strides = array<i32>} : memref<80x128xf32, #tpu.memory_space<vmem>>, vector<1x16xf32>,
      %swap3A_483 = vector.shape_cast %swap3A_482 : vector<1x16xf32> to vector<16xf32>
      %swap3A_484 = vector.shape_cast %broadcast_in_dim3A_477 : vector<16xf32> to vector<1x16xf32>
      tpu.vector_store %arg14[%swap3A_480, %swap3A_481], %swap3A_484 {strides = array<i32>} : memref<80x128xf32, #tpu.memory_space<vmem>>, vector<1x16xf32>,
    }
    %scan3A_240 = arith.constant 640 : i32
    %mul3A_241 = arith.constant 640 : i32
    %mul3A_242 = arith.muli %arg1, %mul3A_241 : i32
    %add3A_243 = arith.constant 0 : i32
    %add3A_244 = arith.addi %mul3A_242, %add3A_243 : i32
    "tpu.region"() ({
      %run_scoped3A = tpu.sem_alloc : memref<!tpu.dma_semaphore, #tpu.memory_space<semaphore_mem>>
      %dma_start3A_476 = arith.constant 0 : i32
      %dma_start3A_477 = tpu.memref_slice %arg17[%add3A_244, %dma_start3A_476] : memref<10240x128xf32, #tpu.memory_space<vmem_shared>> -> memref<80x128xf32, #tpu.memory_space<vmem_shared>>
      %dma_start3A_478 = arith.constant 0 : i32
      %dma_start3A_479 = tpu.memref_slice %arg17[%add3A_244, %dma_start3A_478] : memref<10240x128xf32, #tpu.memory_space<vmem_shared>> -> memref<80x128xf32, #tpu.memory_space<vmem_shared>>
      tpu.enqueue_dma source(%arg14 : memref<80x128xf32, #tpu.memory_space<vmem>>) target(%dma_start3A_479 : memref<80x128xf32, #tpu.memory_space<vmem_shared>>) target_semaphore(%run_scoped3A : memref<!tpu.dma_semaphore, #tpu.memory_space<semaphore_mem>>)
      %dma_wait3A_480 = arith.constant 0 : i32
      %dma_wait3A_481 = tpu.memref_slice %arg17[%add3A_244, %dma_wait3A_480] : memref<10240x128xf32, #tpu.memory_space<vmem_shared>> -> memref<80x128xf32, #tpu.memory_space<vmem_shared>>
      %dma_wait3A_482 = arith.constant 0 : i32
      %dma_wait3A_483 = tpu.memref_slice %arg17[%add3A_244, %dma_wait3A_482] : memref<10240x128xf32, #tpu.memory_space<vmem_shared>> -> memref<80x128xf32, #tpu.memory_space<vmem_shared>>
      tpu.wait_dma2 semaphore(%run_scoped3A : memref<!tpu.dma_semaphore, #tpu.memory_space<semaphore_mem>>) src(%arg14 : memref<80x128xf32, #tpu.memory_space<vmem>>) dst(%dma_wait3A_483 : memref<80x128xf32, #tpu.memory_space<vmem_shared>>)
      tpu.yield
    }) : () -> ()
    %mul3A_245 = arith.constant 640 : i32
    %mul3A_246 = arith.muli %arg1, %mul3A_245 : i32
    %add3A_247 = arith.constant 80 : i32
    %add3A_248 = arith.addi %mul3A_246, %add3A_247 : i32
    "tpu.region"() ({
      %run_scoped3A = tpu.sem_alloc : memref<!tpu.dma_semaphore, #tpu.memory_space<semaphore_mem>>
      %dma_start3A_476 = arith.constant 0 : i32
      %dma_start3A_477 = tpu.memref_slice %arg17[%add3A_248, %dma_start3A_476] : memref<10240x128xf32, #tpu.memory_space<vmem_shared>> -> memref<80x128xf32, #tpu.memory_space<vmem_shared>>
      %dma_start3A_478 = arith.constant 0 : i32
      %dma_start3A_479 = tpu.memref_slice %arg17[%add3A_248, %dma_start3A_478] : memref<10240x128xf32, #tpu.memory_space<vmem_shared>> -> memref<80x128xf32, #tpu.memory_space<vmem_shared>>
      tpu.enqueue_dma source(%arg14 : memref<80x128xf32, #tpu.memory_space<vmem>>) target(%dma_start3A_479 : memref<80x128xf32, #tpu.memory_space<vmem_shared>>) target_semaphore(%run_scoped3A : memref<!tpu.dma_semaphore, #tpu.memory_space<semaphore_mem>>)
      %dma_wait3A_480 = arith.constant 0 : i32
      %dma_wait3A_481 = tpu.memref_slice %arg17[%add3A_248, %dma_wait3A_480] : memref<10240x128xf32, #tpu.memory_space<vmem_shared>> -> memref<80x128xf32, #tpu.memory_space<vmem_shared>>
      %dma_wait3A_482 = arith.constant 0 : i32
      %dma_wait3A_483 = tpu.memref_slice %arg17[%add3A_248, %dma_wait3A_482] : memref<10240x128xf32, #tpu.memory_space<vmem_shared>> -> memref<80x128xf32, #tpu.memory_space<vmem_shared>>
      tpu.wait_dma2 semaphore(%run_scoped3A : memref<!tpu.dma_semaphore, #tpu.memory_space<semaphore_mem>>) src(%arg14 : memref<80x128xf32, #tpu.memory_space<vmem>>) dst(%dma_wait3A_483 : memref<80x128xf32, #tpu.memory_space<vmem_shared>>)
      tpu.yield
    }) : () -> ()
    %mul3A_249 = arith.constant 640 : i32
    %mul3A_250 = arith.muli %arg1, %mul3A_249 : i32
    %add3A_251 = arith.constant 160 : i32
    %add3A_252 = arith.addi %mul3A_250, %add3A_251 : i32
    "tpu.region"() ({
      %run_scoped3A = tpu.sem_alloc : memref<!tpu.dma_semaphore, #tpu.memory_space<semaphore_mem>>
      %dma_start3A_476 = arith.constant 0 : i32
      %dma_start3A_477 = tpu.memref_slice %arg17[%add3A_252, %dma_start3A_476] : memref<10240x128xf32, #tpu.memory_space<vmem_shared>> -> memref<80x128xf32, #tpu.memory_space<vmem_shared>>
      %dma_start3A_478 = arith.constant 0 : i32
      %dma_start3A_479 = tpu.memref_slice %arg17[%add3A_252, %dma_start3A_478] : memref<10240x128xf32, #tpu.memory_space<vmem_shared>> -> memref<80x128xf32, #tpu.memory_space<vmem_shared>>
      tpu.enqueue_dma source(%arg14 : memref<80x128xf32, #tpu.memory_space<vmem>>) target(%dma_start3A_479 : memref<80x128xf32, #tpu.memory_space<vmem_shared>>) target_semaphore(%run_scoped3A : memref<!tpu.dma_semaphore, #tpu.memory_space<semaphore_mem>>)
      %dma_wait3A_480 = arith.constant 0 : i32
      %dma_wait3A_481 = tpu.memref_slice %arg17[%add3A_252, %dma_wait3A_480] : memref<10240x128xf32, #tpu.memory_space<vmem_shared>> -> memref<80x128xf32, #tpu.memory_space<vmem_shared>>
      %dma_wait3A_482 = arith.constant 0 : i32
      %dma_wait3A_483 = tpu.memref_slice %arg17[%add3A_252, %dma_wait3A_482] : memref<10240x128xf32, #tpu.memory_space<vmem_shared>> -> memref<80x128xf32, #tpu.memory_space<vmem_shared>>
      tpu.wait_dma2 semaphore(%run_scoped3A : memref<!tpu.dma_semaphore, #tpu.memory_space<semaphore_mem>>) src(%arg14 : memref<80x128xf32, #tpu.memory_space<vmem>>) dst(%dma_wait3A_483 : memref<80x128xf32, #tpu.memory_space<vmem_shared>>)
      tpu.yield
    }) : () -> ()
    %mul3A_253 = arith.constant 640 : i32
    %mul3A_254 = arith.muli %arg1, %mul3A_253 : i32
    %add3A_255 = arith.constant 240 : i32
    %add3A_256 = arith.addi %mul3A_254, %add3A_255 : i32
    "tpu.region"() ({
      %run_scoped3A = tpu.sem_alloc : memref<!tpu.dma_semaphore, #tpu.memory_space<semaphore_mem>>
      %dma_start3A_476 = arith.constant 0 : i32
      %dma_start3A_477 = tpu.memref_slice %arg17[%add3A_256, %dma_start3A_476] : memref<10240x128xf32, #tpu.memory_space<vmem_shared>> -> memref<80x128xf32, #tpu.memory_space<vmem_shared>>
      %dma_start3A_478 = arith.constant 0 : i32
      %dma_start3A_479 = tpu.memref_slice %arg17[%add3A_256, %dma_start3A_478] : memref<10240x128xf32, #tpu.memory_space<vmem_shared>> -> memref<80x128xf32, #tpu.memory_space<vmem_shared>>
      tpu.enqueue_dma source(%arg14 : memref<80x128xf32, #tpu.memory_space<vmem>>) target(%dma_start3A_479 : memref<80x128xf32, #tpu.memory_space<vmem_shared>>) target_semaphore(%run_scoped3A : memref<!tpu.dma_semaphore, #tpu.memory_space<semaphore_mem>>)
      %dma_wait3A_480 = arith.constant 0 : i32
      %dma_wait3A_481 = tpu.memref_slice %arg17[%add3A_256, %dma_wait3A_480] : memref<10240x128xf32, #tpu.memory_space<vmem_shared>> -> memref<80x128xf32, #tpu.memory_space<vmem_shared>>
      %dma_wait3A_482 = arith.constant 0 : i32
      %dma_wait3A_483 = tpu.memref_slice %arg17[%add3A_256, %dma_wait3A_482] : memref<10240x128xf32, #tpu.memory_space<vmem_shared>> -> memref<80x128xf32, #tpu.memory_space<vmem_shared>>
      tpu.wait_dma2 semaphore(%run_scoped3A : memref<!tpu.dma_semaphore, #tpu.memory_space<semaphore_mem>>) src(%arg14 : memref<80x128xf32, #tpu.memory_space<vmem>>) dst(%dma_wait3A_483 : memref<80x128xf32, #tpu.memory_space<vmem_shared>>)
      tpu.yield
    }) : () -> ()
    %mul3A_257 = arith.constant 640 : i32
    %mul3A_258 = arith.muli %arg1, %mul3A_257 : i32
    %add3A_259 = arith.constant 320 : i32
    %add3A_260 = arith.addi %mul3A_258, %add3A_259 : i32
    "tpu.region"() ({
      %run_scoped3A = tpu.sem_alloc : memref<!tpu.dma_semaphore, #tpu.memory_space<semaphore_mem>>
      %dma_start3A_476 = arith.constant 0 : i32
      %dma_start3A_477 = tpu.memref_slice %arg17[%add3A_260, %dma_start3A_476] : memref<10240x128xf32, #tpu.memory_space<vmem_shared>> -> memref<80x128xf32, #tpu.memory_space<vmem_shared>>
      %dma_start3A_478 = arith.constant 0 : i32
      %dma_start3A_479 = tpu.memref_slice %arg17[%add3A_260, %dma_start3A_478] : memref<10240x128xf32, #tpu.memory_space<vmem_shared>> -> memref<80x128xf32, #tpu.memory_space<vmem_shared>>
      tpu.enqueue_dma source(%arg14 : memref<80x128xf32, #tpu.memory_space<vmem>>) target(%dma_start3A_479 : memref<80x128xf32, #tpu.memory_space<vmem_shared>>) target_semaphore(%run_scoped3A : memref<!tpu.dma_semaphore, #tpu.memory_space<semaphore_mem>>)
      %dma_wait3A_480 = arith.constant 0 : i32
      %dma_wait3A_481 = tpu.memref_slice %arg17[%add3A_260, %dma_wait3A_480] : memref<10240x128xf32, #tpu.memory_space<vmem_shared>> -> memref<80x128xf32, #tpu.memory_space<vmem_shared>>
      %dma_wait3A_482 = arith.constant 0 : i32
      %dma_wait3A_483 = tpu.memref_slice %arg17[%add3A_260, %dma_wait3A_482] : memref<10240x128xf32, #tpu.memory_space<vmem_shared>> -> memref<80x128xf32, #tpu.memory_space<vmem_shared>>
      tpu.wait_dma2 semaphore(%run_scoped3A : memref<!tpu.dma_semaphore, #tpu.memory_space<semaphore_mem>>) src(%arg14 : memref<80x128xf32, #tpu.memory_space<vmem>>) dst(%dma_wait3A_483 : memref<80x128xf32, #tpu.memory_space<vmem_shared>>)
      tpu.yield
    }) : () -> ()
    %mul3A_261 = arith.constant 640 : i32
    %mul3A_262 = arith.muli %arg1, %mul3A_261 : i32
    %add3A_263 = arith.constant 400 : i32
    %add3A_264 = arith.addi %mul3A_262, %add3A_263 : i32
    "tpu.region"() ({
      %run_scoped3A = tpu.sem_alloc : memref<!tpu.dma_semaphore, #tpu.memory_space<semaphore_mem>>
      %dma_start3A_476 = arith.constant 0 : i32
      %dma_start3A_477 = tpu.memref_slice %arg17[%add3A_264, %dma_start3A_476] : memref<10240x128xf32, #tpu.memory_space<vmem_shared>> -> memref<80x128xf32, #tpu.memory_space<vmem_shared>>
      %dma_start3A_478 = arith.constant 0 : i32
      %dma_start3A_479 = tpu.memref_slice %arg17[%add3A_264, %dma_start3A_478] : memref<10240x128xf32, #tpu.memory_space<vmem_shared>> -> memref<80x128xf32, #tpu.memory_space<vmem_shared>>
      tpu.enqueue_dma source(%arg14 : memref<80x128xf32, #tpu.memory_space<vmem>>) target(%dma_start3A_479 : memref<80x128xf32, #tpu.memory_space<vmem_shared>>) target_semaphore(%run_scoped3A : memref<!tpu.dma_semaphore, #tpu.memory_space<semaphore_mem>>)
      %dma_wait3A_480 = arith.constant 0 : i32
      %dma_wait3A_481 = tpu.memref_slice %arg17[%add3A_264, %dma_wait3A_480] : memref<10240x128xf32, #tpu.memory_space<vmem_shared>> -> memref<80x128xf32, #tpu.memory_space<vmem_shared>>
      %dma_wait3A_482 = arith.constant 0 : i32
      %dma_wait3A_483 = tpu.memref_slice %arg17[%add3A_264, %dma_wait3A_482] : memref<10240x128xf32, #tpu.memory_space<vmem_shared>> -> memref<80x128xf32, #tpu.memory_space<vmem_shared>>
      tpu.wait_dma2 semaphore(%run_scoped3A : memref<!tpu.dma_semaphore, #tpu.memory_space<semaphore_mem>>) src(%arg14 : memref<80x128xf32, #tpu.memory_space<vmem>>) dst(%dma_wait3A_483 : memref<80x128xf32, #tpu.memory_space<vmem_shared>>)
      tpu.yield
    }) : () -> ()
    %mul3A_265 = arith.constant 640 : i32
    %mul3A_266 = arith.muli %arg1, %mul3A_265 : i32
    %add3A_267 = arith.constant 480 : i32
    %add3A_268 = arith.addi %mul3A_266, %add3A_267 : i32
    "tpu.region"() ({
      %run_scoped3A = tpu.sem_alloc : memref<!tpu.dma_semaphore, #tpu.memory_space<semaphore_mem>>
      %dma_start3A_476 = arith.constant 0 : i32
      %dma_start3A_477 = tpu.memref_slice %arg17[%add3A_268, %dma_start3A_476] : memref<10240x128xf32, #tpu.memory_space<vmem_shared>> -> memref<80x128xf32, #tpu.memory_space<vmem_shared>>
      %dma_start3A_478 = arith.constant 0 : i32
      %dma_start3A_479 = tpu.memref_slice %arg17[%add3A_268, %dma_start3A_478] : memref<10240x128xf32, #tpu.memory_space<vmem_shared>> -> memref<80x128xf32, #tpu.memory_space<vmem_shared>>
      tpu.enqueue_dma source(%arg14 : memref<80x128xf32, #tpu.memory_space<vmem>>) target(%dma_start3A_479 : memref<80x128xf32, #tpu.memory_space<vmem_shared>>) target_semaphore(%run_scoped3A : memref<!tpu.dma_semaphore, #tpu.memory_space<semaphore_mem>>)
      %dma_wait3A_480 = arith.constant 0 : i32
      %dma_wait3A_481 = tpu.memref_slice %arg17[%add3A_268, %dma_wait3A_480] : memref<10240x128xf32, #tpu.memory_space<vmem_shared>> -> memref<80x128xf32, #tpu.memory_space<vmem_shared>>
      %dma_wait3A_482 = arith.constant 0 : i32
      %dma_wait3A_483 = tpu.memref_slice %arg17[%add3A_268, %dma_wait3A_482] : memref<10240x128xf32, #tpu.memory_space<vmem_shared>> -> memref<80x128xf32, #tpu.memory_space<vmem_shared>>
      tpu.wait_dma2 semaphore(%run_scoped3A : memref<!tpu.dma_semaphore, #tpu.memory_space<semaphore_mem>>) src(%arg14 : memref<80x128xf32, #tpu.memory_space<vmem>>) dst(%dma_wait3A_483 : memref<80x128xf32, #tpu.memory_space<vmem_shared>>)
      tpu.yield
    }) : () -> ()
    %mul3A_269 = arith.constant 640 : i32
    %mul3A_270 = arith.muli %arg1, %mul3A_269 : i32
    %add3A_271 = arith.constant 560 : i32
    %add3A_272 = arith.addi %mul3A_270, %add3A_271 : i32
    "tpu.region"() ({
      %run_scoped3A = tpu.sem_alloc : memref<!tpu.dma_semaphore, #tpu.memory_space<semaphore_mem>>
      %dma_start3A_476 = arith.constant 0 : i32
      %dma_start3A_477 = tpu.memref_slice %arg17[%add3A_272, %dma_start3A_476] : memref<10240x128xf32, #tpu.memory_space<vmem_shared>> -> memref<80x128xf32, #tpu.memory_space<vmem_shared>>
      %dma_start3A_478 = arith.constant 0 : i32
      %dma_start3A_479 = tpu.memref_slice %arg17[%add3A_272, %dma_start3A_478] : memref<10240x128xf32, #tpu.memory_space<vmem_shared>> -> memref<80x128xf32, #tpu.memory_space<vmem_shared>>
      tpu.enqueue_dma source(%arg14 : memref<80x128xf32, #tpu.memory_space<vmem>>) target(%dma_start3A_479 : memref<80x128xf32, #tpu.memory_space<vmem_shared>>) target_semaphore(%run_scoped3A : memref<!tpu.dma_semaphore, #tpu.memory_space<semaphore_mem>>)
      %dma_wait3A_480 = arith.constant 0 : i32
      %dma_wait3A_481 = tpu.memref_slice %arg17[%add3A_272, %dma_wait3A_480] : memref<10240x128xf32, #tpu.memory_space<vmem_shared>> -> memref<80x128xf32, #tpu.memory_space<vmem_shared>>
      %dma_wait3A_482 = arith.constant 0 : i32
      %dma_wait3A_483 = tpu.memref_slice %arg17[%add3A_272, %dma_wait3A_482] : memref<10240x128xf32, #tpu.memory_space<vmem_shared>> -> memref<80x128xf32, #tpu.memory_space<vmem_shared>>
      tpu.wait_dma2 semaphore(%run_scoped3A : memref<!tpu.dma_semaphore, #tpu.memory_space<semaphore_mem>>) src(%arg14 : memref<80x128xf32, #tpu.memory_space<vmem>>) dst(%dma_wait3A_483 : memref<80x128xf32, #tpu.memory_space<vmem_shared>>)
      tpu.yield
    }) : () -> ()
    %barrier3A_273 = arith.constant 0 : index
    tpu.barrier barrier_id(%barrier3A_273)
    %mul3A_274 = arith.constant 160000 : i32
    %mul3A_275 = arith.muli %arg0, %mul3A_274 : i32
    %mul3A_276 = arith.constant 10000 : i32
    %mul3A_277 = arith.muli %arg1, %mul3A_276 : i32
    %add3A_278 = arith.addi %mul3A_275, %mul3A_277 : i32
    %add3A_279 = arith.constant 0 : i32
    %add3A_280 = arith.addi %add3A_278, %add3A_279 : i32
    %dma_start3A_281 = tpu.memref_slice %arg6[%add3A_280] : memref<320000xi32, #tpu.memory_space<hbm>> -> memref<80xi32, #tpu.memory_space<hbm>>
    %dma_start3A_282 = tpu.memref_slice %arg6[%add3A_280] : memref<320000xi32, #tpu.memory_space<hbm>> -> memref<80xi32, #tpu.memory_space<hbm>>
    tpu.enqueue_dma source(%dma_start3A_282 : memref<80xi32, #tpu.memory_space<hbm>>) target(%arg10 : memref<80xi32, #tpu.memory_space<vmem>>) target_semaphore(%arg18 : memref<!tpu.dma_semaphore, #tpu.memory_space<semaphore_mem>>)
    %mul3A_283 = arith.constant 160000 : i32
    %mul3A_284 = arith.muli %arg0, %mul3A_283 : i32
    %mul3A_285 = arith.constant 10000 : i32
    %mul3A_286 = arith.muli %arg1, %mul3A_285 : i32
    %add3A_287 = arith.addi %mul3A_284, %mul3A_286 : i32
    %add3A_288 = arith.constant 80 : i32
    %add3A_289 = arith.addi %add3A_287, %add3A_288 : i32
    %dma_start3A_290 = tpu.memref_slice %arg6[%add3A_289] : memref<320000xi32, #tpu.memory_space<hbm>> -> memref<80xi32, #tpu.memory_space<hbm>>
    %dma_start3A_291 = tpu.memref_slice %arg6[%add3A_289] : memref<320000xi32, #tpu.memory_space<hbm>> -> memref<80xi32, #tpu.memory_space<hbm>>
    tpu.enqueue_dma source(%dma_start3A_291 : memref<80xi32, #tpu.memory_space<hbm>>) target(%arg11 : memref<80xi32, #tpu.memory_space<vmem>>) target_semaphore(%arg19 : memref<!tpu.dma_semaphore, #tpu.memory_space<semaphore_mem>>)
    %mul3A_292 = arith.constant 160000 : i32
    %mul3A_293 = arith.muli %arg0, %mul3A_292 : i32
    %mul3A_294 = arith.constant 10000 : i32
    %mul3A_295 = arith.muli %arg1, %mul3A_294 : i32
    %add3A_296 = arith.addi %mul3A_293, %mul3A_295 : i32
    %add3A_297 = arith.constant 160 : i32
    %add3A_298 = arith.addi %add3A_296, %add3A_297 : i32
    %dma_start3A_299 = tpu.memref_slice %arg6[%add3A_298] : memref<320000xi32, #tpu.memory_space<hbm>> -> memref<80xi32, #tpu.memory_space<hbm>>
    %dma_start3A_300 = tpu.memref_slice %arg6[%add3A_298] : memref<320000xi32, #tpu.memory_space<hbm>> -> memref<80xi32, #tpu.memory_space<hbm>>
    tpu.enqueue_dma source(%dma_start3A_300 : memref<80xi32, #tpu.memory_space<hbm>>) target(%arg12 : memref<80xi32, #tpu.memory_space<vmem>>) target_semaphore(%arg20 : memref<!tpu.dma_semaphore, #tpu.memory_space<semaphore_mem>>)
    %mul3A_301 = arith.constant 160000 : i32
    %mul3A_302 = arith.muli %arg0, %mul3A_301 : i32
    %mul3A_303 = arith.constant 10000 : i32
    %mul3A_304 = arith.muli %arg1, %mul3A_303 : i32
    %add3A_305 = arith.addi %mul3A_302, %mul3A_304 : i32
    %add3A_306 = arith.constant 0 : i32
    %add3A_307 = arith.addi %add3A_305, %add3A_306 : i32
    %dma_wait3A_308 = tpu.memref_slice %arg6[%add3A_307] : memref<320000xi32, #tpu.memory_space<hbm>> -> memref<80xi32, #tpu.memory_space<hbm>>
    %dma_wait3A_309 = tpu.memref_slice %arg6[%add3A_307] : memref<320000xi32, #tpu.memory_space<hbm>> -> memref<80xi32, #tpu.memory_space<hbm>>
    tpu.wait_dma2 semaphore(%arg18 : memref<!tpu.dma_semaphore, #tpu.memory_space<semaphore_mem>>) src(%dma_wait3A_309 : memref<80xi32, #tpu.memory_space<hbm>>) dst(%arg10 : memref<80xi32, #tpu.memory_space<vmem>>)
    %dma_start3A_310 = arith.constant 0 : i32
    %dma_start3A_311 = arith.constant 0 : i32
    %dma_start3A_312 = tpu.memref_slice %arg5[%dma_start3A_310, %dma_start3A_311] : memref<20000x128xf32, #tpu.memory_space<hbm>> -> memref<20000x128xf32, #tpu.memory_space<hbm>>
    tpu.enqueue_indirect_dma source(%dma_start3A_312 : memref<20000x128xf32, #tpu.memory_space<hbm>>) target(%arg14 : memref<80x128xf32, #tpu.memory_space<vmem>>) offsets(%arg10 : memref<80xi32, #tpu.memory_space<vmem>>) semaphore(%arg21 : memref<!tpu.dma_semaphore, #tpu.memory_space<semaphore_mem>>)
    %mul3A_313 = arith.constant 160000 : i32
    %mul3A_314 = arith.muli %arg0, %mul3A_313 : i32
    %mul3A_315 = arith.constant 10000 : i32
    %mul3A_316 = arith.muli %arg1, %mul3A_315 : i32
    %add3A_317 = arith.addi %mul3A_314, %mul3A_316 : i32
    %add3A_318 = arith.constant 80 : i32
    %add3A_319 = arith.addi %add3A_317, %add3A_318 : i32
    %dma_wait3A_320 = tpu.memref_slice %arg6[%add3A_319] : memref<320000xi32, #tpu.memory_space<hbm>> -> memref<80xi32, #tpu.memory_space<hbm>>
    %dma_wait3A_321 = tpu.memref_slice %arg6[%add3A_319] : memref<320000xi32, #tpu.memory_space<hbm>> -> memref<80xi32, #tpu.memory_space<hbm>>
    tpu.wait_dma2 semaphore(%arg19 : memref<!tpu.dma_semaphore, #tpu.memory_space<semaphore_mem>>) src(%dma_wait3A_321 : memref<80xi32, #tpu.memory_space<hbm>>) dst(%arg11 : memref<80xi32, #tpu.memory_space<vmem>>)
    %dma_start3A_322 = arith.constant 0 : i32
    %dma_start3A_323 = arith.constant 0 : i32
    %dma_start3A_324 = tpu.memref_slice %arg5[%dma_start3A_322, %dma_start3A_323] : memref<20000x128xf32, #tpu.memory_space<hbm>> -> memref<20000x128xf32, #tpu.memory_space<hbm>>
    tpu.enqueue_indirect_dma source(%dma_start3A_324 : memref<20000x128xf32, #tpu.memory_space<hbm>>) target(%arg15 : memref<80x128xf32, #tpu.memory_space<vmem>>) offsets(%arg11 : memref<80xi32, #tpu.memory_space<vmem>>) semaphore(%arg22 : memref<!tpu.dma_semaphore, #tpu.memory_space<semaphore_mem>>)
    %dma_wait3A_325 = arith.constant 0 : i32
    %dma_wait3A_326 = arith.constant 0 : i32
    %dma_wait3A_327 = tpu.memref_slice %arg5[%dma_wait3A_325, %dma_wait3A_326] : memref<20000x128xf32, #tpu.memory_space<hbm>> -> memref<20000x128xf32, #tpu.memory_space<hbm>>
    tpu.wait_indirect_dma semaphore(%arg21 : memref<!tpu.dma_semaphore, #tpu.memory_space<semaphore_mem>>) src(%dma_wait3A_327 : memref<20000x128xf32, #tpu.memory_space<hbm>>) dst(%arg14 : memref<80x128xf32, #tpu.memory_space<vmem>>)
    %dma_start3A_328 = arith.constant 0 : i32
    %dma_start3A_329 = arith.constant 0 : i32
    %dma_start3A_330 = tpu.memref_slice %arg13[%dma_start3A_328, %dma_start3A_329] : memref<125x80xi32, #tpu.memory_space<vmem>> -> memref<1x80xi32, #tpu.memory_space<vmem>>
    %dma_start3A_331 = tpu.memref_squeeze %dma_start3A_330 : memref<1x80xi32, #tpu.memory_space<vmem>> -> memref<80xi32, #tpu.memory_space<vmem>>
    %dma_start3A_332 = arith.constant 0 : i32
    %dma_start3A_333 = arith.constant 0 : i32
    %dma_start3A_334 = tpu.memref_slice %arg17[%dma_start3A_332, %dma_start3A_333] : memref<10240x128xf32, #tpu.memory_space<vmem_shared>> -> memref<10240x128xf32, #tpu.memory_space<vmem_shared>>
    tpu.enqueue_indirect_dma source(%arg14 : memref<80x128xf32, #tpu.memory_space<vmem>>) target(%dma_start3A_334 : memref<10240x128xf32, #tpu.memory_space<vmem_shared>>) offsets(%dma_start3A_331 : memref<80xi32, #tpu.memory_space<vmem>>) semaphore(%arg24 : memref<!tpu.dma_semaphore, #tpu.memory_space<semaphore_mem>>) {add = true}
    %mul3A_335 = arith.constant 160000 : i32
    %mul3A_336 = arith.muli %arg0, %mul3A_335 : i32
    %mul3A_337 = arith.constant 10000 : i32
    %mul3A_338 = arith.muli %arg1, %mul3A_337 : i32
    %add3A_339 = arith.addi %mul3A_336, %mul3A_338 : i32
    %add3A_340 = arith.constant 240 : i32
    %add3A_341 = arith.addi %add3A_339, %add3A_340 : i32
    %dma_start3A_342 = tpu.memref_slice %arg6[%add3A_341] : memref<320000xi32, #tpu.memory_space<hbm>> -> memref<80xi32, #tpu.memory_space<hbm>>
    %dma_start3A_343 = tpu.memref_slice %arg6[%add3A_341] : memref<320000xi32, #tpu.memory_space<hbm>> -> memref<80xi32, #tpu.memory_space<hbm>>
    tpu.enqueue_dma source(%dma_start3A_343 : memref<80xi32, #tpu.memory_space<hbm>>) target(%arg10 : memref<80xi32, #tpu.memory_space<vmem>>) target_semaphore(%arg18 : memref<!tpu.dma_semaphore, #tpu.memory_space<semaphore_mem>>)
    %mul3A_344 = arith.constant 160000 : i32
    %mul3A_345 = arith.muli %arg0, %mul3A_344 : i32
    %mul3A_346 = arith.constant 10000 : i32
    %mul3A_347 = arith.muli %arg1, %mul3A_346 : i32
    %add3A_348 = arith.addi %mul3A_345, %mul3A_347 : i32
    %add3A_349 = arith.constant 160 : i32
    %add3A_350 = arith.addi %add3A_348, %add3A_349 : i32
    %dma_wait3A_351 = tpu.memref_slice %arg6[%add3A_350] : memref<320000xi32, #tpu.memory_space<hbm>> -> memref<80xi32, #tpu.memory_space<hbm>>
    %dma_wait3A_352 = tpu.memref_slice %arg6[%add3A_350] : memref<320000xi32, #tpu.memory_space<hbm>> -> memref<80xi32, #tpu.memory_space<hbm>>
    tpu.wait_dma2 semaphore(%arg20 : memref<!tpu.dma_semaphore, #tpu.memory_space<semaphore_mem>>) src(%dma_wait3A_352 : memref<80xi32, #tpu.memory_space<hbm>>) dst(%arg12 : memref<80xi32, #tpu.memory_space<vmem>>)
    %dma_start3A_353 = arith.constant 0 : i32
    %dma_start3A_354 = arith.constant 0 : i32
    %dma_start3A_355 = tpu.memref_slice %arg5[%dma_start3A_353, %dma_start3A_354] : memref<20000x128xf32, #tpu.memory_space<hbm>> -> memref<20000x128xf32, #tpu.memory_space<hbm>>
    tpu.enqueue_indirect_dma source(%dma_start3A_355 : memref<20000x128xf32, #tpu.memory_space<hbm>>) target(%arg16 : memref<80x128xf32, #tpu.memory_space<vmem>>) offsets(%arg12 : memref<80xi32, #tpu.memory_space<vmem>>) semaphore(%arg23 : memref<!tpu.dma_semaphore, #tpu.memory_space<semaphore_mem>>)
    %dma_wait3A_356 = arith.constant 0 : i32
    %dma_wait3A_357 = arith.constant 0 : i32
    %dma_wait3A_358 = tpu.memref_slice %arg5[%dma_wait3A_356, %dma_wait3A_357] : memref<20000x128xf32, #tpu.memory_space<hbm>> -> memref<20000x128xf32, #tpu.memory_space<hbm>>
    tpu.wait_indirect_dma semaphore(%arg22 : memref<!tpu.dma_semaphore, #tpu.memory_space<semaphore_mem>>) src(%dma_wait3A_358 : memref<20000x128xf32, #tpu.memory_space<hbm>>) dst(%arg15 : memref<80x128xf32, #tpu.memory_space<vmem>>)
    %dma_start3A_359 = arith.constant 1 : i32
    %dma_start3A_360 = arith.constant 0 : i32
    %dma_start3A_361 = tpu.memref_slice %arg13[%dma_start3A_359, %dma_start3A_360] : memref<125x80xi32, #tpu.memory_space<vmem>> -> memref<1x80xi32, #tpu.memory_space<vmem>>
    %dma_start3A_362 = tpu.memref_squeeze %dma_start3A_361 : memref<1x80xi32, #tpu.memory_space<vmem>> -> memref<80xi32, #tpu.memory_space<vmem>>
    %dma_start3A_363 = arith.constant 0 : i32
    %dma_start3A_364 = arith.constant 0 : i32
    %dma_start3A_365 = tpu.memref_slice %arg17[%dma_start3A_363, %dma_start3A_364] : memref<10240x128xf32, #tpu.memory_space<vmem_shared>> -> memref<10240x128xf32, #tpu.memory_space<vmem_shared>>
    tpu.enqueue_indirect_dma source(%arg15 : memref<80x128xf32, #tpu.memory_space<vmem>>) target(%dma_start3A_365 : memref<10240x128xf32, #tpu.memory_space<vmem_shared>>) offsets(%dma_start3A_362 : memref<80xi32, #tpu.memory_space<vmem>>) semaphore(%arg25 : memref<!tpu.dma_semaphore, #tpu.memory_space<semaphore_mem>>) {add = true}
    %scan3A_366 = arith.constant 0 : i32
    %scan3A_367 = arith.constant 0 : i32
    %scan3A_368 = arith.constant 40 : i32
    %scan3A_369 = arith.addi %scan3A_367, %scan3A_368 : i32
    %scan3A_370 = arith.constant 1 : i32
    scf.for %scan3A_476 = %scan3A_367 to %scan3A_369 step %scan3A_370  : i32 {
      %mul3A_477 = arith.constant 3 : i32
      %mul3A_478 = arith.muli %mul3A_477, %scan3A_476 : i32
      %add3A_479 = arith.constant 2 : i32
      %add3A_480 = arith.addi %mul3A_478, %add3A_479 : i32
      %add3A_481 = arith.constant 0 : i32
      %add3A_482 = arith.addi %add3A_480, %add3A_481 : i32
      %add3A_483 = arith.constant 2 : i32
      %add3A_484 = arith.addi %add3A_482, %add3A_483 : i32
      %mul3A_485 = arith.constant 160000 : i32
      %mul3A_486 = arith.muli %arg0, %mul3A_485 : i32
      %mul3A_487 = arith.constant 10000 : i32
      %mul3A_488 = arith.muli %arg1, %mul3A_487 : i32
      %add3A_489 = arith.addi %mul3A_486, %mul3A_488 : i32
      %mul3A_490 = arith.constant 80 : i32
      %mul3A_491 = arith.muli %add3A_484, %mul3A_490 : i32
      %add3A_492 = arith.addi %add3A_489, %mul3A_491 : i32
      %dma_start3A_493 = tpu.memref_slice %arg6[%add3A_492] : memref<320000xi32, #tpu.memory_space<hbm>> -> memref<80xi32, #tpu.memory_space<hbm>>
      %dma_start3A_494 = tpu.memref_slice %arg6[%add3A_492] : memref<320000xi32, #tpu.memory_space<hbm>> -> memref<80xi32, #tpu.memory_space<hbm>>
      tpu.enqueue_dma source(%dma_start3A_494 : memref<80xi32, #tpu.memory_space<hbm>>) target(%arg11 : memref<80xi32, #tpu.memory_space<vmem>>) target_semaphore(%arg19 : memref<!tpu.dma_semaphore, #tpu.memory_space<semaphore_mem>>)
      %sub3A = arith.constant 2 : i32
      %sub3A_495 = arith.subi %add3A_482, %sub3A : i32
      %dma_wait3A_496 = arith.constant 0 : i32
      %dma_wait3A_497 = tpu.memref_slice %arg13[%sub3A_495, %dma_wait3A_496] : memref<125x80xi32, #tpu.memory_space<vmem>> -> memref<1x80xi32, #tpu.memory_space<vmem>>
      %dma_wait3A_498 = tpu.memref_squeeze %dma_wait3A_497 : memref<1x80xi32, #tpu.memory_space<vmem>> -> memref<80xi32, #tpu.memory_space<vmem>>
      %dma_wait3A_499 = arith.constant 0 : i32
      %dma_wait3A_500 = arith.constant 0 : i32
      %dma_wait3A_501 = tpu.memref_slice %arg17[%dma_wait3A_499, %dma_wait3A_500] : memref<10240x128xf32, #tpu.memory_space<vmem_shared>> -> memref<10240x128xf32, #tpu.memory_space<vmem_shared>>
      tpu.wait_indirect_dma semaphore(%arg24 : memref<!tpu.dma_semaphore, #tpu.memory_space<semaphore_mem>>) src(%arg14 : memref<80x128xf32, #tpu.memory_space<vmem>>) dst(%dma_wait3A_501 : memref<10240x128xf32, #tpu.memory_space<vmem_shared>>)
      %add3A_502 = arith.constant 1 : i32
      %add3A_503 = arith.addi %add3A_482, %add3A_502 : i32
      %mul3A_504 = arith.constant 160000 : i32
      %mul3A_505 = arith.muli %arg0, %mul3A_504 : i32
      %mul3A_506 = arith.constant 10000 : i32
      %mul3A_507 = arith.muli %arg1, %mul3A_506 : i32
      %add3A_508 = arith.addi %mul3A_505, %mul3A_507 : i32
      %mul3A_509 = arith.constant 80 : i32
      %mul3A_510 = arith.muli %add3A_503, %mul3A_509 : i32
      %add3A_511 = arith.addi %add3A_508, %mul3A_510 : i32
      %dma_wait3A_512 = tpu.memref_slice %arg6[%add3A_511] : memref<320000xi32, #tpu.memory_space<hbm>> -> memref<80xi32, #tpu.memory_space<hbm>>
      %dma_wait3A_513 = tpu.memref_slice %arg6[%add3A_511] : memref<320000xi32, #tpu.memory_space<hbm>> -> memref<80xi32, #tpu.memory_space<hbm>>
      tpu.wait_dma2 semaphore(%arg18 : memref<!tpu.dma_semaphore, #tpu.memory_space<semaphore_mem>>) src(%dma_wait3A_513 : memref<80xi32, #tpu.memory_space<hbm>>) dst(%arg10 : memref<80xi32, #tpu.memory_space<vmem>>)
      %add3A_514 = arith.constant 1 : i32
      %add3A_515 = arith.addi %add3A_482, %add3A_514 : i32
      %dma_start3A_516 = arith.constant 0 : i32
      %dma_start3A_517 = arith.constant 0 : i32
      %dma_start3A_518 = tpu.memref_slice %arg5[%dma_start3A_516, %dma_start3A_517] : memref<20000x128xf32, #tpu.memory_space<hbm>> -> memref<20000x128xf32, #tpu.memory_space<hbm>>
      tpu.enqueue_indirect_dma source(%dma_start3A_518 : memref<20000x128xf32, #tpu.memory_space<hbm>>) target(%arg14 : memref<80x128xf32, #tpu.memory_space<vmem>>) offsets(%arg10 : memref<80xi32, #tpu.memory_space<vmem>>) semaphore(%arg21 : memref<!tpu.dma_semaphore, #tpu.memory_space<semaphore_mem>>)
      %dma_wait3A_519 = arith.constant 0 : i32
      %dma_wait3A_520 = arith.constant 0 : i32
      %dma_wait3A_521 = tpu.memref_slice %arg5[%dma_wait3A_519, %dma_wait3A_520] : memref<20000x128xf32, #tpu.memory_space<hbm>> -> memref<20000x128xf32, #tpu.memory_space<hbm>>
      tpu.wait_indirect_dma semaphore(%arg23 : memref<!tpu.dma_semaphore, #tpu.memory_space<semaphore_mem>>) src(%dma_wait3A_521 : memref<20000x128xf32, #tpu.memory_space<hbm>>) dst(%arg16 : memref<80x128xf32, #tpu.memory_space<vmem>>)
      %dma_start3A_522 = arith.constant 0 : i32
      %dma_start3A_523 = tpu.memref_slice %arg13[%add3A_482, %dma_start3A_522] : memref<125x80xi32, #tpu.memory_space<vmem>> -> memref<1x80xi32, #tpu.memory_space<vmem>>
      %dma_start3A_524 = tpu.memref_squeeze %dma_start3A_523 : memref<1x80xi32, #tpu.memory_space<vmem>> -> memref<80xi32, #tpu.memory_space<vmem>>
      %dma_start3A_525 = arith.constant 0 : i32
      %dma_start3A_526 = arith.constant 0 : i32
      %dma_start3A_527 = tpu.memref_slice %arg17[%dma_start3A_525, %dma_start3A_526] : memref<10240x128xf32, #tpu.memory_space<vmem_shared>> -> memref<10240x128xf32, #tpu.memory_space<vmem_shared>>
      tpu.enqueue_indirect_dma source(%arg16 : memref<80x128xf32, #tpu.memory_space<vmem>>) target(%dma_start3A_527 : memref<10240x128xf32, #tpu.memory_space<vmem_shared>>) offsets(%dma_start3A_524 : memref<80xi32, #tpu.memory_space<vmem>>) semaphore(%arg26 : memref<!tpu.dma_semaphore, #tpu.memory_space<semaphore_mem>>) {add = true}
      %mul3A_528 = arith.constant 3 : i32
      %mul3A_529 = arith.muli %mul3A_528, %scan3A_476 : i32
      %add3A_530 = arith.constant 2 : i32
      %add3A_531 = arith.addi %mul3A_529, %add3A_530 : i32
      %add3A_532 = arith.constant 1 : i32
      %add3A_533 = arith.addi %add3A_531, %add3A_532 : i32
      %add3A_534 = arith.constant 2 : i32
      %add3A_535 = arith.addi %add3A_533, %add3A_534 : i32
      %mul3A_536 = arith.constant 160000 : i32
      %mul3A_537 = arith.muli %arg0, %mul3A_536 : i32
      %mul3A_538 = arith.constant 10000 : i32
      %mul3A_539 = arith.muli %arg1, %mul3A_538 : i32
      %add3A_540 = arith.addi %mul3A_537, %mul3A_539 : i32
      %mul3A_541 = arith.constant 80 : i32
      %mul3A_542 = arith.muli %add3A_535, %mul3A_541 : i32
      %add3A_543 = arith.addi %add3A_540, %mul3A_542 : i32
      %dma_start3A_544 = tpu.memref_slice %arg6[%add3A_543] : memref<320000xi32, #tpu.memory_space<hbm>> -> memref<80xi32, #tpu.memory_space<hbm>>
      %dma_start3A_545 = tpu.memref_slice %arg6[%add3A_543] : memref<320000xi32, #tpu.memory_space<hbm>> -> memref<80xi32, #tpu.memory_space<hbm>>
      tpu.enqueue_dma source(%dma_start3A_545 : memref<80xi32, #tpu.memory_space<hbm>>) target(%arg12 : memref<80xi32, #tpu.memory_space<vmem>>) target_semaphore(%arg20 : memref<!tpu.dma_semaphore, #tpu.memory_space<semaphore_mem>>)
      %sub3A_546 = arith.constant 2 : i32
      %sub3A_547 = arith.subi %add3A_533, %sub3A_546 : i32
      %dma_wait3A_548 = arith.constant 0 : i32
      %dma_wait3A_549 = tpu.memref_slice %arg13[%sub3A_547, %dma_wait3A_548] : memref<125x80xi32, #tpu.memory_space<vmem>> -> memref<1x80xi32, #tpu.memory_space<vmem>>
      %dma_wait3A_550 = tpu.memref_squeeze %dma_wait3A_549 : memref<1x80xi32, #tpu.memory_space<vmem>> -> memref<80xi32, #tpu.memory_space<vmem>>
      %dma_wait3A_551 = arith.constant 0 : i32
      %dma_wait3A_552 = arith.constant 0 : i32
      %dma_wait3A_553 = tpu.memref_slice %arg17[%dma_wait3A_551, %dma_wait3A_552] : memref<10240x128xf32, #tpu.memory_space<vmem_shared>> -> memref<10240x128xf32, #tpu.memory_space<vmem_shared>>
      tpu.wait_indirect_dma semaphore(%arg25 : memref<!tpu.dma_semaphore, #tpu.memory_space<semaphore_mem>>) src(%arg15 : memref<80x128xf32, #tpu.memory_space<vmem>>) dst(%dma_wait3A_553 : memref<10240x128xf32, #tpu.memory_space<vmem_shared>>)
      %add3A_554 = arith.constant 1 : i32
      %add3A_555 = arith.addi %add3A_533, %add3A_554 : i32
      %mul3A_556 = arith.constant 160000 : i32
      %mul3A_557 = arith.muli %arg0, %mul3A_556 : i32
      %mul3A_558 = arith.constant 10000 : i32
      %mul3A_559 = arith.muli %arg1, %mul3A_558 : i32
      %add3A_560 = arith.addi %mul3A_557, %mul3A_559 : i32
      %mul3A_561 = arith.constant 80 : i32
      %mul3A_562 = arith.muli %add3A_555, %mul3A_561 : i32
      %add3A_563 = arith.addi %add3A_560, %mul3A_562 : i32
      %dma_wait3A_564 = tpu.memref_slice %arg6[%add3A_563] : memref<320000xi32, #tpu.memory_space<hbm>> -> memref<80xi32, #tpu.memory_space<hbm>>
      %dma_wait3A_565 = tpu.memref_slice %arg6[%add3A_563] : memref<320000xi32, #tpu.memory_space<hbm>> -> memref<80xi32, #tpu.memory_space<hbm>>
      tpu.wait_dma2 semaphore(%arg19 : memref<!tpu.dma_semaphore, #tpu.memory_space<semaphore_mem>>) src(%dma_wait3A_565 : memref<80xi32, #tpu.memory_space<hbm>>) dst(%arg11 : memref<80xi32, #tpu.memory_space<vmem>>)
      %add3A_566 = arith.constant 1 : i32
      %add3A_567 = arith.addi %add3A_533, %add3A_566 : i32
      %dma_start3A_568 = arith.constant 0 : i32
      %dma_start3A_569 = arith.constant 0 : i32
      %dma_start3A_570 = tpu.memref_slice %arg5[%dma_start3A_568, %dma_start3A_569] : memref<20000x128xf32, #tpu.memory_space<hbm>> -> memref<20000x128xf32, #tpu.memory_space<hbm>>
      tpu.enqueue_indirect_dma source(%dma_start3A_570 : memref<20000x128xf32, #tpu.memory_space<hbm>>) target(%arg15 : memref<80x128xf32, #tpu.memory_space<vmem>>) offsets(%arg11 : memref<80xi32, #tpu.memory_space<vmem>>) semaphore(%arg22 : memref<!tpu.dma_semaphore, #tpu.memory_space<semaphore_mem>>)
      %dma_wait3A_571 = arith.constant 0 : i32
      %dma_wait3A_572 = arith.constant 0 : i32
      %dma_wait3A_573 = tpu.memref_slice %arg5[%dma_wait3A_571, %dma_wait3A_572] : memref<20000x128xf32, #tpu.memory_space<hbm>> -> memref<20000x128xf32, #tpu.memory_space<hbm>>
      tpu.wait_indirect_dma semaphore(%arg21 : memref<!tpu.dma_semaphore, #tpu.memory_space<semaphore_mem>>) src(%dma_wait3A_573 : memref<20000x128xf32, #tpu.memory_space<hbm>>) dst(%arg14 : memref<80x128xf32, #tpu.memory_space<vmem>>)
      %dma_start3A_574 = arith.constant 0 : i32
      %dma_start3A_575 = tpu.memref_slice %arg13[%add3A_533, %dma_start3A_574] : memref<125x80xi32, #tpu.memory_space<vmem>> -> memref<1x80xi32, #tpu.memory_space<vmem>>
      %dma_start3A_576 = tpu.memref_squeeze %dma_start3A_575 : memref<1x80xi32, #tpu.memory_space<vmem>> -> memref<80xi32, #tpu.memory_space<vmem>>
      %dma_start3A_577 = arith.constant 0 : i32
      %dma_start3A_578 = arith.constant 0 : i32
      %dma_start3A_579 = tpu.memref_slice %arg17[%dma_start3A_577, %dma_start3A_578] : memref<10240x128xf32, #tpu.memory_space<vmem_shared>> -> memref<10240x128xf32, #tpu.memory_space<vmem_shared>>
      tpu.enqueue_indirect_dma source(%arg14 : memref<80x128xf32, #tpu.memory_space<vmem>>) target(%dma_start3A_579 : memref<10240x128xf32, #tpu.memory_space<vmem_shared>>) offsets(%dma_start3A_576 : memref<80xi32, #tpu.memory_space<vmem>>) semaphore(%arg24 : memref<!tpu.dma_semaphore, #tpu.memory_space<semaphore_mem>>) {add = true}
      %mul3A_580 = arith.constant 3 : i32
      %mul3A_581 = arith.muli %mul3A_580, %scan3A_476 : i32
      %add3A_582 = arith.constant 2 : i32
      %add3A_583 = arith.addi %mul3A_581, %add3A_582 : i32
      %add3A_584 = arith.constant 2 : i32
      %add3A_585 = arith.addi %add3A_583, %add3A_584 : i32
      %add3A_586 = arith.constant 2 : i32
      %add3A_587 = arith.addi %add3A_585, %add3A_586 : i32
      %mul3A_588 = arith.constant 160000 : i32
      %mul3A_589 = arith.muli %arg0, %mul3A_588 : i32
      %mul3A_590 = arith.constant 10000 : i32
      %mul3A_591 = arith.muli %arg1, %mul3A_590 : i32
      %add3A_592 = arith.addi %mul3A_589, %mul3A_591 : i32
      %mul3A_593 = arith.constant 80 : i32
      %mul3A_594 = arith.muli %add3A_587, %mul3A_593 : i32
      %add3A_595 = arith.addi %add3A_592, %mul3A_594 : i32
      %dma_start3A_596 = tpu.memref_slice %arg6[%add3A_595] : memref<320000xi32, #tpu.memory_space<hbm>> -> memref<80xi32, #tpu.memory_space<hbm>>
      %dma_start3A_597 = tpu.memref_slice %arg6[%add3A_595] : memref<320000xi32, #tpu.memory_space<hbm>> -> memref<80xi32, #tpu.memory_space<hbm>>
      tpu.enqueue_dma source(%dma_start3A_597 : memref<80xi32, #tpu.memory_space<hbm>>) target(%arg10 : memref<80xi32, #tpu.memory_space<vmem>>) target_semaphore(%arg18 : memref<!tpu.dma_semaphore, #tpu.memory_space<semaphore_mem>>)
      %sub3A_598 = arith.constant 2 : i32
      %sub3A_599 = arith.subi %add3A_585, %sub3A_598 : i32
      %dma_wait3A_600 = arith.constant 0 : i32
      %dma_wait3A_601 = tpu.memref_slice %arg13[%sub3A_599, %dma_wait3A_600] : memref<125x80xi32, #tpu.memory_space<vmem>> -> memref<1x80xi32, #tpu.memory_space<vmem>>
      %dma_wait3A_602 = tpu.memref_squeeze %dma_wait3A_601 : memref<1x80xi32, #tpu.memory_space<vmem>> -> memref<80xi32, #tpu.memory_space<vmem>>
      %dma_wait3A_603 = arith.constant 0 : i32
      %dma_wait3A_604 = arith.constant 0 : i32
      %dma_wait3A_605 = tpu.memref_slice %arg17[%dma_wait3A_603, %dma_wait3A_604] : memref<10240x128xf32, #tpu.memory_space<vmem_shared>> -> memref<10240x128xf32, #tpu.memory_space<vmem_shared>>
      tpu.wait_indirect_dma semaphore(%arg26 : memref<!tpu.dma_semaphore, #tpu.memory_space<semaphore_mem>>) src(%arg16 : memref<80x128xf32, #tpu.memory_space<vmem>>) dst(%dma_wait3A_605 : memref<10240x128xf32, #tpu.memory_space<vmem_shared>>)
      %add3A_606 = arith.constant 1 : i32
      %add3A_607 = arith.addi %add3A_585, %add3A_606 : i32
      %mul3A_608 = arith.constant 160000 : i32
      %mul3A_609 = arith.muli %arg0, %mul3A_608 : i32
      %mul3A_610 = arith.constant 10000 : i32
      %mul3A_611 = arith.muli %arg1, %mul3A_610 : i32
      %add3A_612 = arith.addi %mul3A_609, %mul3A_611 : i32
      %mul3A_613 = arith.constant 80 : i32
      %mul3A_614 = arith.muli %add3A_607, %mul3A_613 : i32
      %add3A_615 = arith.addi %add3A_612, %mul3A_614 : i32
      %dma_wait3A_616 = tpu.memref_slice %arg6[%add3A_615] : memref<320000xi32, #tpu.memory_space<hbm>> -> memref<80xi32, #tpu.memory_space<hbm>>
      %dma_wait3A_617 = tpu.memref_slice %arg6[%add3A_615] : memref<320000xi32, #tpu.memory_space<hbm>> -> memref<80xi32, #tpu.memory_space<hbm>>
      tpu.wait_dma2 semaphore(%arg20 : memref<!tpu.dma_semaphore, #tpu.memory_space<semaphore_mem>>) src(%dma_wait3A_617 : memref<80xi32, #tpu.memory_space<hbm>>) dst(%arg12 : memref<80xi32, #tpu.memory_space<vmem>>)
      %add3A_618 = arith.constant 1 : i32
      %add3A_619 = arith.addi %add3A_585, %add3A_618 : i32
      %dma_start3A_620 = arith.constant 0 : i32
      %dma_start3A_621 = arith.constant 0 : i32
      %dma_start3A_622 = tpu.memref_slice %arg5[%dma_start3A_620, %dma_start3A_621] : memref<20000x128xf32, #tpu.memory_space<hbm>> -> memref<20000x128xf32, #tpu.memory_space<hbm>>
      tpu.enqueue_indirect_dma source(%dma_start3A_622 : memref<20000x128xf32, #tpu.memory_space<hbm>>) target(%arg16 : memref<80x128xf32, #tpu.memory_space<vmem>>) offsets(%arg12 : memref<80xi32, #tpu.memory_space<vmem>>) semaphore(%arg23 : memref<!tpu.dma_semaphore, #tpu.memory_space<semaphore_mem>>)
      %dma_wait3A_623 = arith.constant 0 : i32
      %dma_wait3A_624 = arith.constant 0 : i32
      %dma_wait3A_625 = tpu.memref_slice %arg5[%dma_wait3A_623, %dma_wait3A_624] : memref<20000x128xf32, #tpu.memory_space<hbm>> -> memref<20000x128xf32, #tpu.memory_space<hbm>>
      tpu.wait_indirect_dma semaphore(%arg22 : memref<!tpu.dma_semaphore, #tpu.memory_space<semaphore_mem>>) src(%dma_wait3A_625 : memref<20000x128xf32, #tpu.memory_space<hbm>>) dst(%arg15 : memref<80x128xf32, #tpu.memory_space<vmem>>)
      %dma_start3A_626 = arith.constant 0 : i32
      %dma_start3A_627 = tpu.memref_slice %arg13[%add3A_585, %dma_start3A_626] : memref<125x80xi32, #tpu.memory_space<vmem>> -> memref<1x80xi32, #tpu.memory_space<vmem>>
      %dma_start3A_628 = tpu.memref_squeeze %dma_start3A_627 : memref<1x80xi32, #tpu.memory_space<vmem>> -> memref<80xi32, #tpu.memory_space<vmem>>
      %dma_start3A_629 = arith.constant 0 : i32
      %dma_start3A_630 = arith.constant 0 : i32
      %dma_start3A_631 = tpu.memref_slice %arg17[%dma_start3A_629, %dma_start3A_630] : memref<10240x128xf32, #tpu.memory_space<vmem_shared>> -> memref<10240x128xf32, #tpu.memory_space<vmem_shared>>
      tpu.enqueue_indirect_dma source(%arg15 : memref<80x128xf32, #tpu.memory_space<vmem>>) target(%dma_start3A_631 : memref<10240x128xf32, #tpu.memory_space<vmem_shared>>) offsets(%dma_start3A_628 : memref<80xi32, #tpu.memory_space<vmem>>) semaphore(%arg25 : memref<!tpu.dma_semaphore, #tpu.memory_space<semaphore_mem>>) {add = true}
    }
    %scan3A_371 = arith.constant 40 : i32
    %mul3A_372 = arith.constant 160000 : i32
    %mul3A_373 = arith.muli %arg0, %mul3A_372 : i32
    %mul3A_374 = arith.constant 10000 : i32
    %mul3A_375 = arith.muli %arg1, %mul3A_374 : i32
    %add3A_376 = arith.addi %mul3A_373, %mul3A_375 : i32
    %add3A_377 = arith.constant 9920 : i32
    %add3A_378 = arith.addi %add3A_376, %add3A_377 : i32
    %dma_start3A_379 = tpu.memref_slice %arg6[%add3A_378] : memref<320000xi32, #tpu.memory_space<hbm>> -> memref<80xi32, #tpu.memory_space<hbm>>
    %dma_start3A_380 = tpu.memref_slice %arg6[%add3A_378] : memref<320000xi32, #tpu.memory_space<hbm>> -> memref<80xi32, #tpu.memory_space<hbm>>
    tpu.enqueue_dma source(%dma_start3A_380 : memref<80xi32, #tpu.memory_space<hbm>>) target(%arg11 : memref<80xi32, #tpu.memory_space<vmem>>) target_semaphore(%arg19 : memref<!tpu.dma_semaphore, #tpu.memory_space<semaphore_mem>>)
    %dma_wait3A_381 = arith.constant 120 : i32
    %dma_wait3A_382 = arith.constant 0 : i32
    %dma_wait3A_383 = tpu.memref_slice %arg13[%dma_wait3A_381, %dma_wait3A_382] : memref<125x80xi32, #tpu.memory_space<vmem>> -> memref<1x80xi32, #tpu.memory_space<vmem>>
    %dma_wait3A_384 = tpu.memref_squeeze %dma_wait3A_383 : memref<1x80xi32, #tpu.memory_space<vmem>> -> memref<80xi32, #tpu.memory_space<vmem>>
    %dma_wait3A_385 = arith.constant 0 : i32
    %dma_wait3A_386 = arith.constant 0 : i32
    %dma_wait3A_387 = tpu.memref_slice %arg17[%dma_wait3A_385, %dma_wait3A_386] : memref<10240x128xf32, #tpu.memory_space<vmem_shared>> -> memref<10240x128xf32, #tpu.memory_space<vmem_shared>>
    tpu.wait_indirect_dma semaphore(%arg24 : memref<!tpu.dma_semaphore, #tpu.memory_space<semaphore_mem>>) src(%arg14 : memref<80x128xf32, #tpu.memory_space<vmem>>) dst(%dma_wait3A_387 : memref<10240x128xf32, #tpu.memory_space<vmem_shared>>)
    %mul3A_388 = arith.constant 160000 : i32
    %mul3A_389 = arith.muli %arg0, %mul3A_388 : i32
    %mul3A_390 = arith.constant 10000 : i32
    %mul3A_391 = arith.muli %arg1, %mul3A_390 : i32
    %add3A_392 = arith.addi %mul3A_389, %mul3A_391 : i32
    %add3A_393 = arith.constant 9840 : i32
    %add3A_394 = arith.addi %add3A_392, %add3A_393 : i32
    %dma_wait3A_395 = tpu.memref_slice %arg6[%add3A_394] : memref<320000xi32, #tpu.memory_space<hbm>> -> memref<80xi32, #tpu.memory_space<hbm>>
    %dma_wait3A_396 = tpu.memref_slice %arg6[%add3A_394] : memref<320000xi32, #tpu.memory_space<hbm>> -> memref<80xi32, #tpu.memory_space<hbm>>
    tpu.wait_dma2 semaphore(%arg18 : memref<!tpu.dma_semaphore, #tpu.memory_space<semaphore_mem>>) src(%dma_wait3A_396 : memref<80xi32, #tpu.memory_space<hbm>>) dst(%arg10 : memref<80xi32, #tpu.memory_space<vmem>>)
    %dma_start3A_397 = arith.constant 0 : i32
    %dma_start3A_398 = arith.constant 0 : i32
    %dma_start3A_399 = tpu.memref_slice %arg5[%dma_start3A_397, %dma_start3A_398] : memref<20000x128xf32, #tpu.memory_space<hbm>> -> memref<20000x128xf32, #tpu.memory_space<hbm>>
    tpu.enqueue_indirect_dma source(%dma_start3A_399 : memref<20000x128xf32, #tpu.memory_space<hbm>>) target(%arg14 : memref<80x128xf32, #tpu.memory_space<vmem>>) offsets(%arg10 : memref<80xi32, #tpu.memory_space<vmem>>) semaphore(%arg21 : memref<!tpu.dma_semaphore, #tpu.memory_space<semaphore_mem>>)
    %dma_wait3A_400 = arith.constant 0 : i32
    %dma_wait3A_401 = arith.constant 0 : i32
    %dma_wait3A_402 = tpu.memref_slice %arg5[%dma_wait3A_400, %dma_wait3A_401] : memref<20000x128xf32, #tpu.memory_space<hbm>> -> memref<20000x128xf32, #tpu.memory_space<hbm>>
    tpu.wait_indirect_dma semaphore(%arg23 : memref<!tpu.dma_semaphore, #tpu.memory_space<semaphore_mem>>) src(%dma_wait3A_402 : memref<20000x128xf32, #tpu.memory_space<hbm>>) dst(%arg16 : memref<80x128xf32, #tpu.memory_space<vmem>>)
    %dma_start3A_403 = arith.constant 122 : i32
    %dma_start3A_404 = arith.constant 0 : i32
    %dma_start3A_405 = tpu.memref_slice %arg13[%dma_start3A_403, %dma_start3A_404] : memref<125x80xi32, #tpu.memory_space<vmem>> -> memref<1x80xi32, #tpu.memory_space<vmem>>
    %dma_start3A_406 = tpu.memref_squeeze %dma_start3A_405 : memref<1x80xi32, #tpu.memory_space<vmem>> -> memref<80xi32, #tpu.memory_space<vmem>>
    %dma_start3A_407 = arith.constant 0 : i32
    %dma_start3A_408 = arith.constant 0 : i32
    %dma_start3A_409 = tpu.memref_slice %arg17[%dma_start3A_407, %dma_start3A_408] : memref<10240x128xf32, #tpu.memory_space<vmem_shared>> -> memref<10240x128xf32, #tpu.memory_space<vmem_shared>>
    tpu.enqueue_indirect_dma source(%arg16 : memref<80x128xf32, #tpu.memory_space<vmem>>) target(%dma_start3A_409 : memref<10240x128xf32, #tpu.memory_space<vmem_shared>>) offsets(%dma_start3A_406 : memref<80xi32, #tpu.memory_space<vmem>>) semaphore(%arg26 : memref<!tpu.dma_semaphore, #tpu.memory_space<semaphore_mem>>) {add = true}
    %dma_wait3A_410 = arith.constant 121 : i32
    %dma_wait3A_411 = arith.constant 0 : i32
    %dma_wait3A_412 = tpu.memref_slice %arg13[%dma_wait3A_410, %dma_wait3A_411] : memref<125x80xi32, #tpu.memory_space<vmem>> -> memref<1x80xi32, #tpu.memory_space<vmem>>
    %dma_wait3A_413 = tpu.memref_squeeze %dma_wait3A_412 : memref<1x80xi32, #tpu.memory_space<vmem>> -> memref<80xi32, #tpu.memory_space<vmem>>
    %dma_wait3A_414 = arith.constant 0 : i32
    %dma_wait3A_415 = arith.constant 0 : i32
    %dma_wait3A_416 = tpu.memref_slice %arg17[%dma_wait3A_414, %dma_wait3A_415] : memref<10240x128xf32, #tpu.memory_space<vmem_shared>> -> memref<10240x128xf32, #tpu.memory_space<vmem_shared>>
    tpu.wait_indirect_dma semaphore(%arg25 : memref<!tpu.dma_semaphore, #tpu.memory_space<semaphore_mem>>) src(%arg15 : memref<80x128xf32, #tpu.memory_space<vmem>>) dst(%dma_wait3A_416 : memref<10240x128xf32, #tpu.memory_space<vmem_shared>>)
    %mul3A_417 = arith.constant 160000 : i32
    %mul3A_418 = arith.muli %arg0, %mul3A_417 : i32
    %mul3A_419 = arith.constant 10000 : i32
    %mul3A_420 = arith.muli %arg1, %mul3A_419 : i32
    %add3A_421 = arith.addi %mul3A_418, %mul3A_420 : i32
    %add3A_422 = arith.constant 9920 : i32
    %add3A_423 = arith.addi %add3A_421, %add3A_422 : i32
    %dma_wait3A_424 = tpu.memref_slice %arg6[%add3A_423] : memref<320000xi32, #tpu.memory_space<hbm>> -> memref<80xi32, #tpu.memory_space<hbm>>
    %dma_wait3A_425 = tpu.memref_slice %arg6[%add3A_423] : memref<320000xi32, #tpu.memory_space<hbm>> -> memref<80xi32, #tpu.memory_space<hbm>>
    tpu.wait_dma2 semaphore(%arg19 : memref<!tpu.dma_semaphore, #tpu.memory_space<semaphore_mem>>) src(%dma_wait3A_425 : memref<80xi32, #tpu.memory_space<hbm>>) dst(%arg11 : memref<80xi32, #tpu.memory_space<vmem>>)
    %dma_start3A_426 = arith.constant 0 : i32
    %dma_start3A_427 = arith.constant 0 : i32
    %dma_start3A_428 = tpu.memref_slice %arg5[%dma_start3A_426, %dma_start3A_427] : memref<20000x128xf32, #tpu.memory_space<hbm>> -> memref<20000x128xf32, #tpu.memory_space<hbm>>
    tpu.enqueue_indirect_dma source(%dma_start3A_428 : memref<20000x128xf32, #tpu.memory_space<hbm>>) target(%arg15 : memref<80x128xf32, #tpu.memory_space<vmem>>) offsets(%arg11 : memref<80xi32, #tpu.memory_space<vmem>>) semaphore(%arg22 : memref<!tpu.dma_semaphore, #tpu.memory_space<semaphore_mem>>)
    %dma_wait3A_429 = arith.constant 0 : i32
    %dma_wait3A_430 = arith.constant 0 : i32
    %dma_wait3A_431 = tpu.memref_slice %arg5[%dma_wait3A_429, %dma_wait3A_430] : memref<20000x128xf32, #tpu.memory_space<hbm>> -> memref<20000x128xf32, #tpu.memory_space<hbm>>
    tpu.wait_indirect_dma semaphore(%arg21 : memref<!tpu.dma_semaphore, #tpu.memory_space<semaphore_mem>>) src(%dma_wait3A_431 : memref<20000x128xf32, #tpu.memory_space<hbm>>) dst(%arg14 : memref<80x128xf32, #tpu.memory_space<vmem>>)
    %dma_start3A_432 = arith.constant 123 : i32
    %dma_start3A_433 = arith.constant 0 : i32
    %dma_start3A_434 = tpu.memref_slice %arg13[%dma_start3A_432, %dma_start3A_433] : memref<125x80xi32, #tpu.memory_space<vmem>> -> memref<1x80xi32, #tpu.memory_space<vmem>>
    %dma_start3A_435 = tpu.memref_squeeze %dma_start3A_434 : memref<1x80xi32, #tpu.memory_space<vmem>> -> memref<80xi32, #tpu.memory_space<vmem>>
    %dma_start3A_436 = arith.constant 0 : i32
    %dma_start3A_437 = arith.constant 0 : i32
    %dma_start3A_438 = tpu.memref_slice %arg17[%dma_start3A_436, %dma_start3A_437] : memref<10240x128xf32, #tpu.memory_space<vmem_shared>> -> memref<10240x128xf32, #tpu.memory_space<vmem_shared>>
    tpu.enqueue_indirect_dma source(%arg14 : memref<80x128xf32, #tpu.memory_space<vmem>>) target(%dma_start3A_438 : memref<10240x128xf32, #tpu.memory_space<vmem_shared>>) offsets(%dma_start3A_435 : memref<80xi32, #tpu.memory_space<vmem>>) semaphore(%arg24 : memref<!tpu.dma_semaphore, #tpu.memory_space<semaphore_mem>>) {add = true}
    %dma_wait3A_439 = arith.constant 0 : i32
    %dma_wait3A_440 = arith.constant 0 : i32
    %dma_wait3A_441 = tpu.memref_slice %arg5[%dma_wait3A_439, %dma_wait3A_440] : memref<20000x128xf32, #tpu.memory_space<hbm>> -> memref<20000x128xf32, #tpu.memory_space<hbm>>
    tpu.wait_indirect_dma semaphore(%arg22 : memref<!tpu.dma_semaphore, #tpu.memory_space<semaphore_mem>>) src(%dma_wait3A_441 : memref<20000x128xf32, #tpu.memory_space<hbm>>) dst(%arg15 : memref<80x128xf32, #tpu.memory_space<vmem>>)
    %dma_start3A_442 = arith.constant 124 : i32
    %dma_start3A_443 = arith.constant 0 : i32
    %dma_start3A_444 = tpu.memref_slice %arg13[%dma_start3A_442, %dma_start3A_443] : memref<125x80xi32, #tpu.memory_space<vmem>> -> memref<1x80xi32, #tpu.memory_space<vmem>>
    %dma_start3A_445 = tpu.memref_squeeze %dma_start3A_444 : memref<1x80xi32, #tpu.memory_space<vmem>> -> memref<80xi32, #tpu.memory_space<vmem>>
    %dma_start3A_446 = arith.constant 0 : i32
    %dma_start3A_447 = arith.constant 0 : i32
    %dma_start3A_448 = tpu.memref_slice %arg17[%dma_start3A_446, %dma_start3A_447] : memref<10240x128xf32, #tpu.memory_space<vmem_shared>> -> memref<10240x128xf32, #tpu.memory_space<vmem_shared>>
    tpu.enqueue_indirect_dma source(%arg15 : memref<80x128xf32, #tpu.memory_space<vmem>>) target(%dma_start3A_448 : memref<10240x128xf32, #tpu.memory_space<vmem_shared>>) offsets(%dma_start3A_445 : memref<80xi32, #tpu.memory_space<vmem>>) semaphore(%arg25 : memref<!tpu.dma_semaphore, #tpu.memory_space<semaphore_mem>>) {add = true}
    %dma_wait3A_449 = arith.constant 122 : i32
    %dma_wait3A_450 = arith.constant 0 : i32
    %dma_wait3A_451 = tpu.memref_slice %arg13[%dma_wait3A_449, %dma_wait3A_450] : memref<125x80xi32, #tpu.memory_space<vmem>> -> memref<1x80xi32, #tpu.memory_space<vmem>>
    %dma_wait3A_452 = tpu.memref_squeeze %dma_wait3A_451 : memref<1x80xi32, #tpu.memory_space<vmem>> -> memref<80xi32, #tpu.memory_space<vmem>>
    %dma_wait3A_453 = arith.constant 0 : i32
    %dma_wait3A_454 = arith.constant 0 : i32
    %dma_wait3A_455 = tpu.memref_slice %arg17[%dma_wait3A_453, %dma_wait3A_454] : memref<10240x128xf32, #tpu.memory_space<vmem_shared>> -> memref<10240x128xf32, #tpu.memory_space<vmem_shared>>
    tpu.wait_indirect_dma semaphore(%arg26 : memref<!tpu.dma_semaphore, #tpu.memory_space<semaphore_mem>>) src(%arg16 : memref<80x128xf32, #tpu.memory_space<vmem>>) dst(%dma_wait3A_455 : memref<10240x128xf32, #tpu.memory_space<vmem_shared>>)
    %dma_wait3A_456 = arith.constant 123 : i32
    %dma_wait3A_457 = arith.constant 0 : i32
    %dma_wait3A_458 = tpu.memref_slice %arg13[%dma_wait3A_456, %dma_wait3A_457] : memref<125x80xi32, #tpu.memory_space<vmem>> -> memref<1x80xi32, #tpu.memory_space<vmem>>
    %dma_wait3A_459 = tpu.memref_squeeze %dma_wait3A_458 : memref<1x80xi32, #tpu.memory_space<vmem>> -> memref<80xi32, #tpu.memory_space<vmem>>
    %dma_wait3A_460 = arith.constant 0 : i32
    %dma_wait3A_461 = arith.constant 0 : i32
    %dma_wait3A_462 = tpu.memref_slice %arg17[%dma_wait3A_460, %dma_wait3A_461] : memref<10240x128xf32, #tpu.memory_space<vmem_shared>> -> memref<10240x128xf32, #tpu.memory_space<vmem_shared>>
    tpu.wait_indirect_dma semaphore(%arg24 : memref<!tpu.dma_semaphore, #tpu.memory_space<semaphore_mem>>) src(%arg14 : memref<80x128xf32, #tpu.memory_space<vmem>>) dst(%dma_wait3A_462 : memref<10240x128xf32, #tpu.memory_space<vmem_shared>>)
    %dma_wait3A_463 = arith.constant 124 : i32
    %dma_wait3A_464 = arith.constant 0 : i32
    %dma_wait3A_465 = tpu.memref_slice %arg13[%dma_wait3A_463, %dma_wait3A_464] : memref<125x80xi32, #tpu.memory_space<vmem>> -> memref<1x80xi32, #tpu.memory_space<vmem>>
    %dma_wait3A_466 = tpu.memref_squeeze %dma_wait3A_465 : memref<1x80xi32, #tpu.memory_space<vmem>> -> memref<80xi32, #tpu.memory_space<vmem>>
    %dma_wait3A_467 = arith.constant 0 : i32
    %dma_wait3A_468 = arith.constant 0 : i32
    %dma_wait3A_469 = tpu.memref_slice %arg17[%dma_wait3A_467, %dma_wait3A_468] : memref<10240x128xf32, #tpu.memory_space<vmem_shared>> -> memref<10240x128xf32, #tpu.memory_space<vmem_shared>>
    tpu.wait_indirect_dma semaphore(%arg25 : memref<!tpu.dma_semaphore, #tpu.memory_space<semaphore_mem>>) src(%arg15 : memref<80x128xf32, #tpu.memory_space<vmem>>) dst(%dma_wait3A_469 : memref<10240x128xf32, #tpu.memory_space<vmem_shared>>)
    %barrier3A_470 = arith.constant 0 : index
    tpu.barrier barrier_id(%barrier3A_470)
    %mul3A_471 = arith.constant 640 : i32
    %mul3A_472 = arith.muli %arg1, %mul3A_471 : i32
    %mul3A_473 = arith.constant 640 : i32
    %mul3A_474 = arith.muli %arg1, %mul3A_473 : i32
    "tpu.region"() ({
      %run_scoped3A = tpu.sem_alloc : memref<!tpu.dma_semaphore, #tpu.memory_space<semaphore_mem>>
      %dma_start3A_476 = arith.constant 0 : i32
      %dma_start3A_477 = tpu.memref_slice %arg9[%arg0, %mul3A_474, %dma_start3A_476] : memref<2x10240x128xf32, #tpu.memory_space<hbm>> -> memref<1x640x128xf32, #tpu.memory_space<hbm>>
      %dma_start3A_478 = tpu.memref_squeeze %dma_start3A_477 : memref<1x640x128xf32, #tpu.memory_space<hbm>> -> memref<640x128xf32, #tpu.memory_space<hbm>>
      %dma_start3A_479 = arith.constant 0 : i32
      %dma_start3A_480 = tpu.memref_slice %arg17[%mul3A_472, %dma_start3A_479] : memref<10240x128xf32, #tpu.memory_space<vmem_shared>> -> memref<640x128xf32, #tpu.memory_space<vmem_shared>>
      tpu.enqueue_dma source(%dma_start3A_480 : memref<640x128xf32, #tpu.memory_space<vmem_shared>>) target(%dma_start3A_478 : memref<640x128xf32, #tpu.memory_space<hbm>>) target_semaphore(%run_scoped3A : memref<!tpu.dma_semaphore, #tpu.memory_space<semaphore_mem>>)
      %dma_wait3A_481 = arith.constant 0 : i32
      %dma_wait3A_482 = tpu.memref_slice %arg9[%arg0, %mul3A_474, %dma_wait3A_481] : memref<2x10240x128xf32, #tpu.memory_space<hbm>> -> memref<1x640x128xf32, #tpu.memory_space<hbm>>
      %dma_wait3A_483 = tpu.memref_squeeze %dma_wait3A_482 : memref<1x640x128xf32, #tpu.memory_space<hbm>> -> memref<640x128xf32, #tpu.memory_space<hbm>>
      %dma_wait3A_484 = arith.constant 0 : i32
      %dma_wait3A_485 = tpu.memref_slice %arg17[%mul3A_472, %dma_wait3A_484] : memref<10240x128xf32, #tpu.memory_space<vmem_shared>> -> memref<640x128xf32, #tpu.memory_space<vmem_shared>>
      tpu.wait_dma2 semaphore(%run_scoped3A : memref<!tpu.dma_semaphore, #tpu.memory_space<semaphore_mem>>) src(%dma_wait3A_485 : memref<640x128xf32, #tpu.memory_space<vmem_shared>>) dst(%dma_wait3A_483 : memref<640x128xf32, #tpu.memory_space<hbm>>)
      tpu.yield
    }) : () -> ()
    %barrier3A_475 = arith.constant 0 : index
    tpu.barrier barrier_id(%barrier3A_475)
    return
  }
}

module attributes {stable_mosaic.version = 14 : i64} {
  func.func @_scale_body(%arg0: i32, %arg1: i32, %arg2: memref<1000x128xf32, #tpu.memory_space<vmem>>, %arg3: memref<1000x128xf32, #tpu.memory_space<vmem>>, %arg4: memref<1000x1xf32, #tpu.memory_space<vmem>>, %arg5: memref<1000x1xf32, #tpu.memory_space<vmem>>, %arg6: memref<1000x1xf32, #tpu.memory_space<vmem>>, %arg7: memref<1000x1xf32, #tpu.memory_space<vmem>>, %arg8: memref<1x1000x128xf32, #tpu.memory_space<vmem>>, %arg9: memref<1x1000x128xf32, #tpu.memory_space<vmem>>, %arg10: memref<1000x1xf32, #tpu.memory_space<vmem>>, %arg11: memref<1000x1xf32, #tpu.memory_space<vmem>>) attributes {dimension_semantics = [#tpu.dimension_semantics<arbitrary>, #tpu.dimension_semantics<arbitrary>], iteration_bounds = array<i64: 10, 2>, scalar_prefetch = 0 : i64, scratch_operands = 0 : i64, tpu.core_type = #tpu.core_type<tc>, window_params = [{transform_indices = @transform_0, window_bounds = array<i64: 1000, 128>}, {transform_indices = @transform_1, window_bounds = array<i64: 1000, 128>}, {transform_indices = @transform_2, window_bounds = array<i64: 1000, 1>}, {transform_indices = @transform_3, window_bounds = array<i64: 1000, 1>}, {transform_indices = @transform_4, window_bounds = array<i64: 1000, 1>}, {transform_indices = @transform_5, window_bounds = array<i64: 1000, 1>}, {transform_indices = @transform_6, window_bounds = array<i64: 1, 1000, 128>}, {transform_indices = @transform_7, window_bounds = array<i64: 1, 1000, 128>}, {transform_indices = @transform_8, window_bounds = array<i64: 1000, 1>}, {transform_indices = @transform_9, window_bounds = array<i64: 1000, 1>}]} {
    %get3A = arith.constant 0 : index
    %get3A_0 = arith.constant 0 : index
    %get3A_1 = vector.load %arg2[%get3A, %get3A_0] : memref<1000x128xf32, #tpu.memory_space<vmem>>, vector<1000x128xf32>
    %get3A_2 = arith.constant 0 : index
    %get3A_3 = arith.constant 0 : index
    %get3A_4 = vector.load %arg4[%get3A_2, %get3A_3] : memref<1000x1xf32, #tpu.memory_space<vmem>>, vector<1000x1xf32>
    %gt3A = arith.constant 0.000000e+00 : f32
    %gt3A_5 = vector.broadcast %gt3A : f32 to vector<1000x1xf32>
    %gt3A_6 = arith.cmpf ogt, %get3A_4, %gt3A_5 : vector<1000x1xf32>
    %max3A = arith.constant 9.99999996E-13 : f32
    %max3A_7 = vector.broadcast %max3A : f32 to vector<1000x1xf32>
    %max3A_8 = arith.maximumf %get3A_4, %max3A_7 : vector<1000x1xf32>
    %rsqrt3A = math.rsqrt %max3A_8 : vector<1000x1xf32>
    %jit3A = arith.constant 0.000000e+00 : f32
    %broadcast_in_dim3A = vector.broadcast %jit3A : f32 to vector<1000x1xf32>
    %select_n3A = arith.select %gt3A_6, %rsqrt3A, %broadcast_in_dim3A : vector<1000x1xi1>, vector<1000x1xf32>
    %mul3A = vector.broadcast %select_n3A : vector<1000x1xf32> to vector<1000x128xf32>
    %mul3A_9 = arith.mulf %get3A_1, %mul3A : vector<1000x128xf32>
    %swap3A = arith.constant 0 : index
    %swap3A_10 = arith.constant 0 : index
    %swap3A_11 = arith.constant 0 : index
    %swap3A_12 = vector.load %arg8[%swap3A, %swap3A_10, %swap3A_11] : memref<1x1000x128xf32, #tpu.memory_space<vmem>>, vector<1x1000x128xf32>
    %swap3A_13 = vector.shape_cast %swap3A_12 : vector<1x1000x128xf32> to vector<1000x128xf32>
    %swap3A_14 = vector.shape_cast %mul3A_9 : vector<1000x128xf32> to vector<1x1000x128xf32>
    tpu.vector_store %arg8[%swap3A, %swap3A_10, %swap3A_11], %swap3A_14 {strides = array<i32>} : memref<1x1000x128xf32, #tpu.memory_space<vmem>>, vector<1x1000x128xf32>,
    %get3A_15 = arith.constant 0 : index
    %get3A_16 = arith.constant 0 : index
    %get3A_17 = vector.load %arg3[%get3A_15, %get3A_16] : memref<1000x128xf32, #tpu.memory_space<vmem>>, vector<1000x128xf32>
    %get3A_18 = arith.constant 0 : index
    %get3A_19 = arith.constant 0 : index
    %get3A_20 = vector.load %arg6[%get3A_18, %get3A_19] : memref<1000x1xf32, #tpu.memory_space<vmem>>, vector<1000x1xf32>
    %gt3A_21 = arith.constant 0.000000e+00 : f32
    %gt3A_22 = vector.broadcast %gt3A_21 : f32 to vector<1000x1xf32>
    %gt3A_23 = arith.cmpf ogt, %get3A_20, %gt3A_22 : vector<1000x1xf32>
    %max3A_24 = arith.constant 9.99999996E-13 : f32
    %max3A_25 = vector.broadcast %max3A_24 : f32 to vector<1000x1xf32>
    %max3A_26 = arith.maximumf %get3A_20, %max3A_25 : vector<1000x1xf32>
    %rsqrt3A_27 = math.rsqrt %max3A_26 : vector<1000x1xf32>
    %jit3A_28 = arith.constant 0.000000e+00 : f32
    %broadcast_in_dim3A_29 = vector.broadcast %jit3A_28 : f32 to vector<1000x1xf32>
    %select_n3A_30 = arith.select %gt3A_23, %rsqrt3A_27, %broadcast_in_dim3A_29 : vector<1000x1xi1>, vector<1000x1xf32>
    %mul3A_31 = vector.broadcast %select_n3A_30 : vector<1000x1xf32> to vector<1000x128xf32>
    %mul3A_32 = arith.mulf %get3A_17, %mul3A_31 : vector<1000x128xf32>
    %swap3A_33 = arith.constant 0 : index
    %swap3A_34 = arith.constant 0 : index
    %swap3A_35 = arith.constant 0 : index
    %swap3A_36 = vector.load %arg9[%swap3A_33, %swap3A_34, %swap3A_35] : memref<1x1000x128xf32, #tpu.memory_space<vmem>>, vector<1x1000x128xf32>
    %swap3A_37 = vector.shape_cast %swap3A_36 : vector<1x1000x128xf32> to vector<1000x128xf32>
    %swap3A_38 = vector.shape_cast %mul3A_32 : vector<1000x128xf32> to vector<1x1000x128xf32>
    tpu.vector_store %arg9[%swap3A_33, %swap3A_34, %swap3A_35], %swap3A_38 {strides = array<i32>} : memref<1x1000x128xf32, #tpu.memory_space<vmem>>, vector<1x1000x128xf32>,
    %get3A_39 = arith.constant 0 : index
    %get3A_40 = arith.constant 0 : index
    %get3A_41 = vector.load %arg5[%get3A_39, %get3A_40] : memref<1000x1xf32, #tpu.memory_space<vmem>>, vector<1000x1xf32>
    %gt3A_42 = arith.constant 0.000000e+00 : f32
    %gt3A_43 = vector.broadcast %gt3A_42 : f32 to vector<1000x1xf32>
    %gt3A_44 = arith.cmpf ogt, %get3A_41, %gt3A_43 : vector<1000x1xf32>
    %max3A_45 = arith.constant 9.99999996E-13 : f32
    %max3A_46 = vector.broadcast %max3A_45 : f32 to vector<1000x1xf32>
    %max3A_47 = arith.maximumf %get3A_41, %max3A_46 : vector<1000x1xf32>
    %rsqrt3A_48 = math.rsqrt %max3A_47 : vector<1000x1xf32>
    %jit3A_49 = arith.constant 0.000000e+00 : f32
    %broadcast_in_dim3A_50 = vector.broadcast %jit3A_49 : f32 to vector<1000x1xf32>
    %select_n3A_51 = arith.select %gt3A_44, %rsqrt3A_48, %broadcast_in_dim3A_50 : vector<1000x1xi1>, vector<1000x1xf32>
    %swap3A_52 = arith.constant 0 : index
    %swap3A_53 = arith.constant 0 : index
    %swap3A_54 = vector.load %arg10[%swap3A_52, %swap3A_53] : memref<1000x1xf32, #tpu.memory_space<vmem>>, vector<1000x1xf32>
    tpu.vector_store %arg10[%swap3A_52, %swap3A_53], %select_n3A_51 {strides = array<i32>} : memref<1000x1xf32, #tpu.memory_space<vmem>>, vector<1000x1xf32>,
    %get3A_55 = arith.constant 0 : index
    %get3A_56 = arith.constant 0 : index
    %get3A_57 = vector.load %arg7[%get3A_55, %get3A_56] : memref<1000x1xf32, #tpu.memory_space<vmem>>, vector<1000x1xf32>
    %gt3A_58 = arith.constant 0.000000e+00 : f32
    %gt3A_59 = vector.broadcast %gt3A_58 : f32 to vector<1000x1xf32>
    %gt3A_60 = arith.cmpf ogt, %get3A_57, %gt3A_59 : vector<1000x1xf32>
    %max3A_61 = arith.constant 9.99999996E-13 : f32
    %max3A_62 = vector.broadcast %max3A_61 : f32 to vector<1000x1xf32>
    %max3A_63 = arith.maximumf %get3A_57, %max3A_62 : vector<1000x1xf32>
    %rsqrt3A_64 = math.rsqrt %max3A_63 : vector<1000x1xf32>
    %jit3A_65 = arith.constant 0.000000e+00 : f32
    %broadcast_in_dim3A_66 = vector.broadcast %jit3A_65 : f32 to vector<1000x1xf32>
    %select_n3A_67 = arith.select %gt3A_60, %rsqrt3A_64, %broadcast_in_dim3A_66 : vector<1000x1xi1>, vector<1000x1xf32>
    %swap3A_68 = arith.constant 0 : index
    %swap3A_69 = arith.constant 0 : index
    %swap3A_70 = vector.load %arg11[%swap3A_68, %swap3A_69] : memref<1000x1xf32, #tpu.memory_space<vmem>>, vector<1000x1xf32>
    tpu.vector_store %arg11[%swap3A_68, %swap3A_69], %select_n3A_67 {strides = array<i32>} : memref<1000x1xf32, #tpu.memory_space<vmem>>, vector<1000x1xf32>,
    return
  }
  func.func @transform_0(%arg0: i32, %arg1: i32) -> (i32, i32) {
    %c0_i32 = arith.constant 0 : i32
    return %arg0, %arg1 : i32, i32
  }
  func.func @transform_1(%arg0: i32, %arg1: i32) -> (i32, i32) {
    %c0_i32 = arith.constant 0 : i32
    return %arg0, %arg1 : i32, i32
  }
  func.func @transform_2(%arg0: i32, %arg1: i32) -> (i32, i32) {
    %c0_i32 = arith.constant 0 : i32
    %c0_i32_0 = arith.constant 0 : i32
    return %arg0, %c0_i32 : i32, i32
  }
  func.func @transform_3(%arg0: i32, %arg1: i32) -> (i32, i32) {
    %c0_i32 = arith.constant 0 : i32
    %c0_i32_0 = arith.constant 0 : i32
    return %arg0, %c0_i32 : i32, i32
  }
  func.func @transform_4(%arg0: i32, %arg1: i32) -> (i32, i32) {
    %c0_i32 = arith.constant 0 : i32
    %c0_i32_0 = arith.constant 0 : i32
    return %arg0, %c0_i32 : i32, i32
  }
  func.func @transform_5(%arg0: i32, %arg1: i32) -> (i32, i32) {
    %c0_i32 = arith.constant 0 : i32
    %c0_i32_0 = arith.constant 0 : i32
    return %arg0, %c0_i32 : i32, i32
  }
  func.func @transform_6(%arg0: i32, %arg1: i32) -> (i32, i32, i32) {
    %c0_i32 = arith.constant 0 : i32
    %c0_i32_0 = arith.constant 0 : i32
    return %arg1, %arg0, %c0_i32 : i32, i32, i32
  }
  func.func @transform_7(%arg0: i32, %arg1: i32) -> (i32, i32, i32) {
    %c0_i32 = arith.constant 0 : i32
    %c0_i32_0 = arith.constant 0 : i32
    return %arg1, %arg0, %c0_i32 : i32, i32, i32
  }
  func.func @transform_8(%arg0: i32, %arg1: i32) -> (i32, i32) {
    %c0_i32 = arith.constant 0 : i32
    %c0_i32_0 = arith.constant 0 : i32
    return %arg0, %c0_i32 : i32, i32
  }
  func.func @transform_9(%arg0: i32, %arg1: i32) -> (i32, i32) {
    %c0_i32 = arith.constant 0 : i32
    %c0_i32_0 = arith.constant 0 : i32
    return %arg0, %c0_i32 : i32, i32
  }
}

module attributes {stable_mosaic.version = 14 : i64} {
  func.func @_out_body(%arg0: i32, %arg1: memref<2x1000x128xf32, #tpu.memory_space<vmem>>, %arg2: memref<2x1000x128xf32, #tpu.memory_space<vmem>>, %arg3: memref<1000x1xf32, #tpu.memory_space<vmem>>, %arg4: memref<1000x1xf32, #tpu.memory_space<vmem>>, %arg5: memref<256x256xf32, #tpu.memory_space<vmem>>, %arg6: memref<1x256xf32, #tpu.memory_space<vmem>>, %arg7: memref<256x256xf32, #tpu.memory_space<vmem>>, %arg8: memref<1x256xf32, #tpu.memory_space<vmem>>, %arg9: memref<1x256xf32, #tpu.memory_space<vmem>>, %arg10: memref<1x256xf32, #tpu.memory_space<vmem>>, %arg11: memref<1000x256xf32, #tpu.memory_space<vmem>>) attributes {dimension_semantics = [#tpu.dimension_semantics<arbitrary>], iteration_bounds = array<i64: 10>, scalar_prefetch = 0 : i64, scratch_operands = 0 : i64, tpu.core_type = #tpu.core_type<tc>, window_params = [{transform_indices = @transform_0, window_bounds = array<i64: 2, 1000, 128>}, {transform_indices = @transform_1, window_bounds = array<i64: 2, 1000, 128>}, {transform_indices = @transform_2, window_bounds = array<i64: 1000, 1>}, {transform_indices = @transform_3, window_bounds = array<i64: 1000, 1>}, {pipeline_mode = #tpu.pipeline_mode<synchronous>, transform_indices = @transform_4, window_bounds = array<i64: 256, 256>}, {pipeline_mode = #tpu.pipeline_mode<synchronous>, transform_indices = @transform_5, window_bounds = array<i64: 1, 256>}, {pipeline_mode = #tpu.pipeline_mode<synchronous>, transform_indices = @transform_6, window_bounds = array<i64: 256, 256>}, {pipeline_mode = #tpu.pipeline_mode<synchronous>, transform_indices = @transform_7, window_bounds = array<i64: 1, 256>}, {pipeline_mode = #tpu.pipeline_mode<synchronous>, transform_indices = @transform_8, window_bounds = array<i64: 1, 256>}, {pipeline_mode = #tpu.pipeline_mode<synchronous>, transform_indices = @transform_9, window_bounds = array<i64: 1, 256>}, {transform_indices = @transform_10, window_bounds = array<i64: 1000, 256>}]} {
    %get3A = arith.constant 0 : index
    %get3A_0 = arith.constant 0 : index
    %get3A_1 = vector.load %arg3[%get3A, %get3A_0] : memref<1000x1xf32, #tpu.memory_space<vmem>>, vector<1000x1xf32>
    %get3A_2 = arith.constant 0 : index
    %get3A_3 = arith.constant 0 : index
    %get3A_4 = vector.load %arg4[%get3A_2, %get3A_3] : memref<1000x1xf32, #tpu.memory_space<vmem>>, vector<1000x1xf32>
    %get3A_5 = arith.constant 0 : index
    %get3A_6 = arith.constant 0 : index
    %get3A_7 = arith.constant 0 : index
    %get3A_8 = vector.load %arg1[%get3A_5, %get3A_6, %get3A_7] : memref<2x1000x128xf32, #tpu.memory_space<vmem>>, vector<1x1000x128xf32>
    %get3A_9 = vector.shape_cast %get3A_8 : vector<1x1000x128xf32> to vector<1000x128xf32>
    %mul3A = vector.broadcast %get3A_1 : vector<1000x1xf32> to vector<1000x128xf32>
    %mul3A_10 = arith.mulf %get3A_9, %mul3A : vector<1000x128xf32>
    %get3A_11 = arith.constant 0 : index
    %get3A_12 = arith.constant 0 : index
    %get3A_13 = vector.load %arg5[%get3A_11, %get3A_12] : memref<256x256xf32, #tpu.memory_space<vmem>>, vector<128x256xf32>
    %dot_general3A = arith.constant dense<0.000000e+00> : vector<1000x256xf32>
    %dot_general3A_14 = tpu.matmul %mul3A_10, %get3A_13, %dot_general3A {dimension_numbers = #tpu.dot_dimension_numbers<[1], [0], [0], [1], [0, 0, 1, 1], [], []>, transpose_lhs_hint = false} : vector<1000x128xf32>, vector<128x256xf32>, vector<1000x256xf32> -> vector<1000x256xf32>
    %get3A_15 = arith.constant 1 : index
    %get3A_16 = arith.constant 0 : index
    %get3A_17 = arith.constant 0 : index
    %get3A_18 = vector.load %arg1[%get3A_15, %get3A_16, %get3A_17] : memref<2x1000x128xf32, #tpu.memory_space<vmem>>, vector<1x1000x128xf32>
    %get3A_19 = vector.shape_cast %get3A_18 : vector<1x1000x128xf32> to vector<1000x128xf32>
    %mul3A_20 = vector.broadcast %get3A_1 : vector<1000x1xf32> to vector<1000x128xf32>
    %mul3A_21 = arith.mulf %get3A_19, %mul3A_20 : vector<1000x128xf32>
    %get3A_22 = arith.constant 128 : index
    %get3A_23 = arith.constant 0 : index
    %get3A_24 = vector.load %arg5[%get3A_22, %get3A_23] : memref<256x256xf32, #tpu.memory_space<vmem>>, vector<128x256xf32>
    %dot_general3A_25 = arith.constant dense<0.000000e+00> : vector<1000x256xf32>
    %dot_general3A_26 = tpu.matmul %mul3A_21, %get3A_24, %dot_general3A_25 {dimension_numbers = #tpu.dot_dimension_numbers<[1], [0], [0], [1], [0, 0, 1, 1], [], []>, transpose_lhs_hint = false} : vector<1000x128xf32>, vector<128x256xf32>, vector<1000x256xf32> -> vector<1000x256xf32>
    %add3A = arith.addf %dot_general3A_14, %dot_general3A_26 : vector<1000x256xf32>
    %get3A_27 = arith.constant 0 : index
    %get3A_28 = arith.constant 0 : index
    %get3A_29 = vector.load %arg6[%get3A_27, %get3A_28] : memref<1x256xf32, #tpu.memory_space<vmem>>, vector<1x256xf32>
    %add3A_30 = vector.broadcast %get3A_29 : vector<1x256xf32> to vector<1000x256xf32>
    %add3A_31 = arith.addf %add3A, %add3A_30 : vector<1000x256xf32>
    %get3A_32 = arith.constant 0 : index
    %get3A_33 = arith.constant 0 : index
    %get3A_34 = arith.constant 0 : index
    %get3A_35 = vector.load %arg2[%get3A_32, %get3A_33, %get3A_34] : memref<2x1000x128xf32, #tpu.memory_space<vmem>>, vector<1x1000x128xf32>
    %get3A_36 = vector.shape_cast %get3A_35 : vector<1x1000x128xf32> to vector<1000x128xf32>
    %mul3A_37 = vector.broadcast %get3A_4 : vector<1000x1xf32> to vector<1000x128xf32>
    %mul3A_38 = arith.mulf %get3A_36, %mul3A_37 : vector<1000x128xf32>
    %get3A_39 = arith.constant 0 : index
    %get3A_40 = arith.constant 0 : index
    %get3A_41 = vector.load %arg7[%get3A_39, %get3A_40] : memref<256x256xf32, #tpu.memory_space<vmem>>, vector<128x256xf32>
    %dot_general3A_42 = arith.constant dense<0.000000e+00> : vector<1000x256xf32>
    %dot_general3A_43 = tpu.matmul %mul3A_38, %get3A_41, %dot_general3A_42 {dimension_numbers = #tpu.dot_dimension_numbers<[1], [0], [0], [1], [0, 0, 1, 1], [], []>, transpose_lhs_hint = false} : vector<1000x128xf32>, vector<128x256xf32>, vector<1000x256xf32> -> vector<1000x256xf32>
    %get3A_44 = arith.constant 1 : index
    %get3A_45 = arith.constant 0 : index
    %get3A_46 = arith.constant 0 : index
    %get3A_47 = vector.load %arg2[%get3A_44, %get3A_45, %get3A_46] : memref<2x1000x128xf32, #tpu.memory_space<vmem>>, vector<1x1000x128xf32>
    %get3A_48 = vector.shape_cast %get3A_47 : vector<1x1000x128xf32> to vector<1000x128xf32>
    %mul3A_49 = vector.broadcast %get3A_4 : vector<1000x1xf32> to vector<1000x128xf32>
    %mul3A_50 = arith.mulf %get3A_48, %mul3A_49 : vector<1000x128xf32>
    %get3A_51 = arith.constant 128 : index
    %get3A_52 = arith.constant 0 : index
    %get3A_53 = vector.load %arg7[%get3A_51, %get3A_52] : memref<256x256xf32, #tpu.memory_space<vmem>>, vector<128x256xf32>
    %dot_general3A_54 = arith.constant dense<0.000000e+00> : vector<1000x256xf32>
    %dot_general3A_55 = tpu.matmul %mul3A_50, %get3A_53, %dot_general3A_54 {dimension_numbers = #tpu.dot_dimension_numbers<[1], [0], [0], [1], [0, 0, 1, 1], [], []>, transpose_lhs_hint = false} : vector<1000x128xf32>, vector<128x256xf32>, vector<1000x256xf32> -> vector<1000x256xf32>
    %add3A_56 = arith.addf %dot_general3A_43, %dot_general3A_55 : vector<1000x256xf32>
    %get3A_57 = arith.constant 0 : index
    %get3A_58 = arith.constant 0 : index
    %get3A_59 = vector.load %arg8[%get3A_57, %get3A_58] : memref<1x256xf32, #tpu.memory_space<vmem>>, vector<1x256xf32>
    %add3A_60 = vector.broadcast %get3A_59 : vector<1x256xf32> to vector<1000x256xf32>
    %add3A_61 = arith.addf %add3A_56, %add3A_60 : vector<1000x256xf32>
    %max3A = arith.constant 0.000000e+00 : f32
    %max3A_62 = vector.broadcast %max3A : f32 to vector<1000x256xf32>
    %max3A_63 = arith.maximumf %add3A_31, %max3A_62 : vector<1000x256xf32>
    %max3A_64 = arith.constant 0.000000e+00 : f32
    %max3A_65 = vector.broadcast %max3A_64 : f32 to vector<1000x256xf32>
    %max3A_66 = arith.maximumf %add3A_61, %max3A_65 : vector<1000x256xf32>
    %max3A_67 = arith.maximumf %max3A_63, %max3A_66 : vector<1000x256xf32>
    %sub3A = arith.subf %max3A_63, %max3A_67 : vector<1000x256xf32>
    %exp3A = math.exp %sub3A : vector<1000x256xf32>
    %sub3A_68 = arith.subf %max3A_66, %max3A_67 : vector<1000x256xf32>
    %exp3A_69 = math.exp %sub3A_68 : vector<1000x256xf32>
    %add3A_70 = arith.addf %exp3A, %exp3A_69 : vector<1000x256xf32>
    %log3A = math.log %add3A_70 : vector<1000x256xf32>
    %add3A_71 = arith.addf %max3A_67, %log3A : vector<1000x256xf32>
    %reduce_sum3A = arith.constant dense<0.000000e+00> : vector<1000xf32>
    %reduce_sum3A_72 = vector.multi_reduction <add>, %add3A_71, %reduce_sum3A [1] : vector<1000x256xf32> to vector<1000xf32>
    %broadcast_in_dim3A = vector.shape_cast %reduce_sum3A_72 : vector<1000xf32> to vector<1000x1xf32>
    %div3A = arith.constant 2.560000e+02 : f32
    %div3A_73 = vector.broadcast %div3A : f32 to vector<1000x1xf32>
    %div3A_74 = arith.divf %broadcast_in_dim3A, %div3A_73 : vector<1000x1xf32>
    %sub3A_75 = vector.broadcast %div3A_74 : vector<1000x1xf32> to vector<1000x256xf32>
    %sub3A_76 = arith.subf %add3A_71, %sub3A_75 : vector<1000x256xf32>
    %mul3A_77 = arith.mulf %sub3A_76, %sub3A_76 : vector<1000x256xf32>
    %reduce_sum3A_78 = arith.constant dense<0.000000e+00> : vector<1000xf32>
    %reduce_sum3A_79 = vector.multi_reduction <add>, %mul3A_77, %reduce_sum3A_78 [1] : vector<1000x256xf32> to vector<1000xf32>
    %broadcast_in_dim3A_80 = vector.shape_cast %reduce_sum3A_79 : vector<1000xf32> to vector<1000x1xf32>
    %div3A_81 = arith.constant 2.560000e+02 : f32
    %div3A_82 = vector.broadcast %div3A_81 : f32 to vector<1000x1xf32>
    %div3A_83 = arith.divf %broadcast_in_dim3A_80, %div3A_82 : vector<1000x1xf32>
    %add3A_84 = arith.constant 9.99999997E-7 : f32
    %add3A_85 = vector.broadcast %add3A_84 : f32 to vector<1000x1xf32>
    %add3A_86 = arith.addf %div3A_83, %add3A_85 : vector<1000x1xf32>
    %rsqrt3A = math.rsqrt %add3A_86 : vector<1000x1xf32>
    %mul3A_87 = vector.broadcast %rsqrt3A : vector<1000x1xf32> to vector<1000x256xf32>
    %mul3A_88 = arith.mulf %sub3A_76, %mul3A_87 : vector<1000x256xf32>
    %get3A_89 = arith.constant 0 : index
    %get3A_90 = arith.constant 0 : index
    %get3A_91 = vector.load %arg9[%get3A_89, %get3A_90] : memref<1x256xf32, #tpu.memory_space<vmem>>, vector<1x256xf32>
    %mul3A_92 = vector.broadcast %get3A_91 : vector<1x256xf32> to vector<1000x256xf32>
    %mul3A_93 = arith.mulf %mul3A_88, %mul3A_92 : vector<1000x256xf32>
    %get3A_94 = arith.constant 0 : index
    %get3A_95 = arith.constant 0 : index
    %get3A_96 = vector.load %arg10[%get3A_94, %get3A_95] : memref<1x256xf32, #tpu.memory_space<vmem>>, vector<1x256xf32>
    %add3A_97 = vector.broadcast %get3A_96 : vector<1x256xf32> to vector<1000x256xf32>
    %add3A_98 = arith.addf %mul3A_93, %add3A_97 : vector<1000x256xf32>
    %swap3A = arith.constant 0 : index
    %swap3A_99 = arith.constant 0 : index
    %swap3A_100 = vector.load %arg11[%swap3A, %swap3A_99] : memref<1000x256xf32, #tpu.memory_space<vmem>>, vector<1000x256xf32>
    tpu.vector_store %arg11[%swap3A, %swap3A_99], %add3A_98 {strides = array<i32>} : memref<1000x256xf32, #tpu.memory_space<vmem>>, vector<1000x256xf32>,
    return
  }
  func.func @transform_0(%arg0: i32) -> (i32, i32, i32) {
    %c0_i32 = arith.constant 0 : i32
    %c0_i32_0 = arith.constant 0 : i32
    %c0_i32_1 = arith.constant 0 : i32
    return %c0_i32, %arg0, %c0_i32_0 : i32, i32, i32
  }
  func.func @transform_1(%arg0: i32) -> (i32, i32, i32) {
    %c0_i32 = arith.constant 0 : i32
    %c0_i32_0 = arith.constant 0 : i32
    %c0_i32_1 = arith.constant 0 : i32
    return %c0_i32, %arg0, %c0_i32_0 : i32, i32, i32
  }
  func.func @transform_2(%arg0: i32) -> (i32, i32) {
    %c0_i32 = arith.constant 0 : i32
    %c0_i32_0 = arith.constant 0 : i32
    return %arg0, %c0_i32 : i32, i32
  }
  func.func @transform_3(%arg0: i32) -> (i32, i32) {
    %c0_i32 = arith.constant 0 : i32
    %c0_i32_0 = arith.constant 0 : i32
    return %arg0, %c0_i32 : i32, i32
  }
  func.func @transform_4(%arg0: i32) -> (i32, i32) {
    %c0_i32 = arith.constant 0 : i32
    %c0_i32_0 = arith.constant 0 : i32
    %c0_i32_1 = arith.constant 0 : i32
    return %c0_i32, %c0_i32_0 : i32, i32
  }
  func.func @transform_5(%arg0: i32) -> (i32, i32) {
    %c0_i32 = arith.constant 0 : i32
    %c0_i32_0 = arith.constant 0 : i32
    %c0_i32_1 = arith.constant 0 : i32
    return %c0_i32, %c0_i32_0 : i32, i32
  }
  func.func @transform_6(%arg0: i32) -> (i32, i32) {
    %c0_i32 = arith.constant 0 : i32
    %c0_i32_0 = arith.constant 0 : i32
    %c0_i32_1 = arith.constant 0 : i32
    return %c0_i32, %c0_i32_0 : i32, i32
  }
  func.func @transform_7(%arg0: i32) -> (i32, i32) {
    %c0_i32 = arith.constant 0 : i32
    %c0_i32_0 = arith.constant 0 : i32
    %c0_i32_1 = arith.constant 0 : i32
    return %c0_i32, %c0_i32_0 : i32, i32
  }
  func.func @transform_8(%arg0: i32) -> (i32, i32) {
    %c0_i32 = arith.constant 0 : i32
    %c0_i32_0 = arith.constant 0 : i32
    %c0_i32_1 = arith.constant 0 : i32
    return %c0_i32, %c0_i32_0 : i32, i32
  }
  func.func @transform_9(%arg0: i32) -> (i32, i32) {
    %c0_i32 = arith.constant 0 : i32
    %c0_i32_0 = arith.constant 0 : i32
    %c0_i32_1 = arith.constant 0 : i32
    return %c0_i32, %c0_i32_0 : i32, i32
  }
  func.func @transform_10(%arg0: i32) -> (i32, i32) {
    %c0_i32 = arith.constant 0 : i32
    %c0_i32_0 = arith.constant 0 : i32
    return %arg0, %c0_i32 : i32, i32
  }
}

</mosaic_0001>

<sc_bundles>
// kernel: kernel.6.cloned.1.call-start
scs
__scs_entry_jumppad:
0x0: {  	(pc) =	sbr.rel $0x88, $3  }
0x1: {  	(tag) =	ssettag $0x0;
	lr =	simm.s32 $0x1  }
0x2: {  	[smem:$0x3F97] =	sst lr;
	_ =	strace $0xD0000000  }
0x3: {  	_ = 	snop  }
0x4: {  	_ = 	snop  }
0x5: {  	_ = 	snop  }
0x6: {  	_ = 	snop  }
0x7: {  	_ = 	snop  }
__scs_overlays_trampoline_lowered:
0x8: {  	[smem:$0x3FA6] =	sst s0  }
0x9: {  	[smem:$0x3FA7] =	sst s1  }
0xa: {  	[smem:$0x3FA8] =	sst s2  }
0xb: {  	[smem:$0x3FA9] =	sst s3  }
0xc: {  	[smem:$0x3FAA] =	sst s4  }
0xd: {  	[smem:$0x3FAB] =	sst s5  }
0xe: {  	[smem:$0x3FAC] =	sst s6  }
0xf: {  	[smem:$0x3FAD] =	sst s7  }
0x10: {  	[smem:$0x3FAE] =	sst s8  }
0x11: {  	[smem:$0x3FAF] =	sst s9;
	s0 =	simm.s32 @!p0 $0x0  }
0x12: {  	s1 =	sld [smem:$0x3F95];
	s0 =	simm.s32 @p0 $0x1  }
0x13: {  	[smem:$0x3FB0] =	sst s0;
	s0 =	simm.s32 @!p1 $0x0  }
0x14: {  	s2 =	sld [smem:$0x3F94];
	s0 =	simm.s32 @p1 $0x1  }
0x15: {  	[smem:$0x3FB1] =	sst s0;
	s0 =	simm.s32 @!p2 $0x0  }
0x16: {  	s3 =	sld [smem:$0x3FDB];
	s0 =	simm.s32 @p2 $0x1  }
0x17: {  	s4 =	simm.s32 $0x1BF5;
	[smem:$0x3FB3] =	sst s0  }
0x18: {  	s0 =	sld [smem:$0x3F96];
	_ =	swait.ge [sflag:s4], $0x0  }
0x19: {  	s7 =	sld [smem:$0x3F97]  }
0x1a: {  	s8 =	sadd.s32 $0xFFFFE003, lr  }
0x1b: {  	s9 =	sadd.s32 $0xFFFFFEF7, lr;
	s5 =	simm.s32 $0xFFFFFFFF;
	p2 =	slt.u32 s8, $0xFFFFF086  }
0x1c: {  	p1 =	slt.u32 s9, $0xF7A;
	s5 =	simm.s32 @!p2 $0x0  }
0x1d: {  	s5 =	simm.s32 @p1 $0x1;
	p0 =	seq.s32 s7, s2  }
0x1e: {  	s7 =	smul.u32 @!p0 $0xF7A, s2;
	p2 =	seq.s32 @!p0 s5, $0x0  }
0x1f: {  	s9 =	smul.u32 $0xF7A, s1;
	s8 =	simm.s32 @!p0 $0x1BF5;
	p2 =	por !p2, p0  }
0x20: {  	[sflag:s8] =	ssyncset.s32 @!p0 $0xFFFFF086;
	s6 =	sadd.s32 @!p0 s3, s7;
	s7 =	simm.s32 @!p0 $0x108  }
0x21: {  	s3 =	sadd.s32 s3, s9;
	s6 =	sadd.s32 @!p0 $0x88, s6;
	s7 =	simm.s32 @p2 $0x1082  }
0x22: {  	[simem:s7], [sflag:s8] =	dma.local @!p0 [hbm:s6], $0xF7A  }
0x23: {  	s9 =	sor.u32 $0xD0000000, s2;
	s6 =	simm.s32 $0x108;
	_ =	swait.ge @!p0 [sflag:s8], $0x0  }
0x24: {  	s3 =	sadd.s32 $0x88, s3;
	s6 =	simm.s32 @!p1 $0x1082;
	[sflag:s4] =	ssyncset.s32 $0xFFFFF086  }
0x25: {  	[simem:s6], [sflag:s4] =	dma.local [hbm:s3], $0xF7A  }
0x26: {  	[smem:$0x3F97] =	sst s1;
	(tag) =	ssettag s2;
	_ =	strace s9  }
0x27: {  	s1 =	sld [smem:$0x3FA7]  }
0x28: {  	s2 =	sld [smem:$0x3FA8]  }
0x29: {  	s4 =	sld [smem:$0x3FAA]  }
0x2a: {  	p0 =	seq.s32 s5, $0x0;
	s5 =	sld [smem:$0x3FAB]  }
0x2b: {  	s6 =	sld [smem:$0x3FAC]  }
0x2c: {  	s7 =	sld [smem:$0x3FAD]  }
0x2d: {  	s3 =	simm.s32 $0x108;
	s8 =	sld [smem:$0x3FAE]  }
0x2e: {  	s3 =	simm.s32 @!p0 $0x1082;
	s9 =	sld [smem:$0x3FAF]  }
0x2f: {  	lr =	sadd.s32 s0, s3;
	s0 =	sld [smem:$0x3FA6]  }
0x30: {  	s3 =	sld [smem:$0x3FA9]  }
0x31: {  	[smem:$0x3FB2] =	sst s10  }
0x32: {  	s10 =	sld [smem:$0x3FB0];
	_ =	sdelay $0x3  }
0x33: {  	p0 =	seq.s32 s10, $0x1;
	s10 =	sld [smem:$0x3FB2];
	_ =	sdelay $0x3  }
0x34: {  	[smem:$0x3FB2] =	sst s10  }
0x35: {  	s10 =	sld [smem:$0x3FB1];
	_ =	sdelay $0x3  }
0x36: {  	p1 =	seq.s32 s10, $0x1;
	s10 =	sld [smem:$0x3FB2];
	_ =	sdelay $0x3  }
0x37: {  	[smem:$0x3FB2] =	sst s10  }
0x38: {  	s10 =	sld [smem:$0x3FB3]  }
0x39: {  	_ = 	snop;
	(pc) =	sbr.ind lr, $3  }
0x3a: {  	_ = 	snop  }
0x3b: {  	_ = 	snop  }
0x3c: {  	p2 =	seq.s32 s10, $0x1;
	s10 =	sld [smem:$0x3FB2]  }
0x3d: {  	_ =	shalt  }
0x3e: {  	_ =	shalt  }
0x3f: {  	_ =	shalt  }
0x40: {  	_ =	shalt  }
0x41: {  	_ =	shalt  }
0x42: {  	_ =	shalt  }
0x43: {  	_ =	shalt  }
0x44: {  	_ =	shalt  }
0x45: {  	_ =	shalt  }
0x46: {  	_ =	shalt  }
0x47: {  	_ =	shalt  }
0x48: {  	_ =	shalt  }
0x49: {  	_ =	shalt  }
0x4a: {  	_ =	shalt  }
0x4b: {  	_ =	shalt  }
0x4c: {  	_ =	shalt  }
0x4d: {  	_ =	shalt  }
0x4e: {  	_ =	shalt  }
0x4f: {  	_ =	shalt  }
0x50: {  	_ =	shalt  }
0x51: {  	_ =	shalt  }
0x52: {  	_ =	shalt  }
0x53: {  	_ =	shalt  }
0x54: {  	_ =	shalt  }
0x55: {  	_ =	shalt  }
0x56: {  	_ =	shalt  }
0x57: {  	_ =	shalt  }
0x58: {  	_ =	shalt  }
0x59: {  	_ =	shalt  }
0x5a: {  	_ =	shalt  }
0x5b: {  	_ =	shalt  }
0x5c: {  	_ =	shalt  }
0x5d: {  	_ =	shalt  }
0x5e: {  	_ =	shalt  }
0x5f: {  	_ =	shalt  }
0x60: {  	_ =	shalt  }
0x61: {  	_ =	shalt  }
0x62: {  	_ =	shalt  }
0x63: {  	_ =	shalt  }
0x64: {  	_ =	shalt  }
0x65: {  	_ =	shalt  }
0x66: {  	_ =	shalt  }
0x67: {  	_ =	shalt  }
0x68: {  	_ =	shalt  }
0x69: {  	_ =	shalt  }
0x6a: {  	_ =	shalt  }
0x6b: {  	_ =	shalt  }
0x6c: {  	_ =	shalt  }
0x6d: {  	_ =	shalt  }
0x6e: {  	_ =	shalt  }
0x6f: {  	_ =	shalt  }
0x70: {  	_ =	shalt  }
0x71: {  	_ =	shalt  }
0x72: {  	_ =	shalt  }
0x73: {  	_ =	shalt  }
0x74: {  	_ =	shalt  }
0x75: {  	_ =	shalt  }
0x76: {  	_ =	shalt  }
0x77: {  	_ =	shalt  }
0x78: {  	_ =	shalt  }
0x79: {  	_ =	shalt  }
0x7a: {  	_ =	shalt  }
0x7b: {  	_ =	shalt  }
0x7c: {  	_ =	shalt  }
0x7d: {  	_ =	shalt  }
0x7e: {  	_ =	shalt  }
0x7f: {  	_ =	shalt  }
0x80: {  	_ =	shalt  }
0x81: {  	_ =	shalt  }
0x82: {  	_ =	shalt  }
0x83: {  	_ =	shalt  }
0x84: {  	_ =	shalt  }
0x85: {  	_ =	shalt  }
0x86: {  	_ =	shalt  }
0x87: {  	_ =	shalt  }
.Lfunc_end0:
.L_simem_size_0:
called_computation_lowered:
.L_overlay_start_0:
0x88: {  	s2 =	sld [smem:$0x3FD9]  }
0x89: {  	s3 =	sld [smem:$0x3FFE];
	_ =	sdelay $0x1  }
0x8a: {  	s1 =	srdreg.scid  }
0x8b: {  	s0 =	sand.u32 $0x1, s1  }
0x8c: {  	s17 =	sshll.u32 s0, $0xA;
	s2 =	sadd.s32 s3, s2  }
0x8d: {  	s2 =	sadd.s32 s2, s17  }
0x8e: {  	[smem:$0x3FBE] =	sst s2  }
0x8f: {  	_ = 	snop  }
0x90: {  	s2 =	sld [smem:$0x3FD0];
	(tm) =	ssettm $0x1  }
0x91: {  	s18 =	sld [smem:$0x3FFB];
	_ =	sdelay $0x3  }
0x92: {  	_ =	strace s18  }
0x93: {  	s3 =	sld [smem:$0x3FFC];
	_ =	sdelay $0x3  }
0x94: {  	_ =	strace s3  }
0x95: {  	s3 =	sld [smem:$0x3FFD];
	_ =	sdelay $0x3  }
0x96: {  	_ =	strace s3  }
0x97: {  	_ =	strace $0x8FFFFFFF  }
0x98: {  	s19 =	sld [smem:$0x3FDB];
	_ =	sdelay $0x1  }
0x99: {  	s4 =	simm.s32 $_scs_section_size  }
0x9a: {  	s5 =	simm.s32 $_size__tile_overlayer_lowered;
	s6 =	simm.s32 $_tile_overlayer_lowered  }
0x9b: {  	s22 =	simm.s32 $0x1BFF;
	s21 =	sshll.u32 s6, $0x1;
	s3 =	sadd.s32 s4, s19  }
0x9c: {  	s7 =	simm.s32 $0x0;
	s20 =	sshll.u32 s5, $0x1;
	s5 =	sadd.s32 s21, s3  }
0x9d: {  	[timem:s7], [sflag:s22] =	dma.local [hbm:s5], s20  }
0x9e: {  	_ =	swait.ge [sflag:s22], s20  }
0x9f: {  	s4 =	ssub.s32 $0x0, s20;
	[sflag:s22] =	ssyncset.done $0x0  }
0xa0: {  	[sflag:s22] =	ssyncadd.s32 s4;
	_ =	sdelay $0x1  }
0xa1: {  	s23 =	simm.s32 $0x1B8B  }
0xa2: {  	_ =	swait.ge [sflag:s23], $0x1  }
0xa3: {  	[sflag:s23] =	ssyncset.done $0x0  }
0xa4: {  	s25 =	simm.s32 $0x1B8E;
	s24 =	sld [smem:$0x3FFE];
	[sflag:s23] =	ssyncadd.s32 $0xFFFFFFFF  }
0xa5: {  	s26 =	simm.s32 $execute0_lowered;
	[smem:$0x3FD2] =	sst s25  }
0xa6: {  	s5 =	sshll.u32 s26, $0x1;
	_ =	strace $0x80000046;
	[dreg:$0x1] =	wrdreg $0xFFFFFFFF  }
0xa7: {  	s28 =	simm.s32 $_size_execute0_lowered;
	s3 =	sadd.s32 s3, s5;
	[dreg:$0x0] =	wrdreg $0x0  }
0xa8: {  	s5 =	sshll.u32 s28, $0x1;
	[dreg:$0x2] =	wrdreg s3  }
0xa9: {  	[dreg:$0x3] =	wrdreg s5  }
0xaa: {  	[dreg:$0x4] =	wrdreg $0xC0  }
0xab: {  	_ =	task [dreg:s7], $0x5FFFF  }
0xac: {  	[dreg:$0x1] =	wrdreg $0xFFFFFFFF  }
0xad: {  	[dreg:$0x0] =	wrdreg $0x60  }
0xae: {  	[dreg:$0x2] =	wrdreg s2  }
0xaf: {  	[dreg:$0x3] =	wrdreg s24  }
0xb0: {  	[dreg:$0x4] =	wrdreg $0x80800  }
0xb1: {  	[dreg:$0x5] =	wrdreg $0x83000  }
0xb2: {  	[dreg:$0x6] =	wrdreg $0x9  }
0xb3: {  	_ =	task.clear_ibuf [dreg:s7], $0x7FFFF;
	_ =	strace $0x90000046  }
0xb4: {  	s29 =	simm.s32 $0x9;
	_ =	strace $0x80000048  }
0xb5: {  	_ =	swait.ge [sflag:s29], $0x1  }
0xb6: {  	[sflag:s29] =	ssyncadd.s32 $0xFFFFFFFF  }
0xb7: {  	_ =	strace $0x90000048  }
0xb8: {  	_ =	sfence  }
0xb9: {  	s30 =	sld [smem:$0x0];
	_ =	sdelay $0x2  }
0xba: {  	s31 =	sshll.u32 s1, $0xD;
	s1 =	sshrl.u32 s1, $0x2  }
0xbb: {  	s3 =	sand.u32 $0x4000, s31;
	s1 =	sadd.s32 s1, s30  }
0xbc: {  	s0 =	sor.u32 s3, s0;
	s1 =	sshll.u32 s1, $0x11  }
0xbd: {  	s0 =	sor.u32 s1, s0  }
0xbe: {  	s0 =	sadd.s32 $0x8F2B, s0  }
0xbf: {  	[sflag:s0] =	ssyncadd.remote.s32 $0x1  }
0xc0: {  	_ =	sfence.sel $0xFFFF  }
0xc1: {  	[dreg:$0x0] =	wrdreg $0xFFFFFFFF;
	(pc) =	sbr.abs _section_cstart, $3  }
0xc2: {  	[dreg:$0x1] =	wrdreg $0xFFFFFFFF  }
0xc3: {  	_ =	task.clear_ibuf [dreg:s7], $0x2FFFF;
	_ =	strace $0x9FFFFFFF  }
0xc4: {  	(tm) =	ssettm $0x7FFFFFFF  }
0xc5: {  	_ =	shalt  }
tec
execute0_lowered:
.L_overlay_start_1:
0x0: {  	(tag) =	ssettag $0x1  }
0x1: {  	s7 =	rddreg [dreg:$0x0]  }
0x2: {  	s4 =	rddreg [dreg:$0x1]  }
0x3: {  	s1 =	rddreg [dreg:$0x2]  }
0x4: {  	s2 =	rddreg [dreg:$0x3];
	s3 =	srdreg.scid  }
0x5: {  	s0 =	rddreg [dreg:$0x4];
	s17 =	stileid.u32  }
0x6: {  	s14 =	simm.s32 $0x50;
	s15 =	simm.s32 $0x8000;
	s16 =	simm.s32 $0x1  }
0x7: {  	s19 =	simm.s32 $0x0;
	s6 =	sand.u32 $0x1, s3;
	s3 =	simm.s32 $0x0  }
0x8: {  	s9 =	smul.u32 $0x280, s17;
	s10 =	sadd.s32 $0x1200, s4;
	s12 =	sshll.u32 s17, $0xE  }
0x9: {  	p0 =	sne.s32 s17, $0x0;
	s5 =	ssub.s32 $0x2, s6;
	[smem:$0x7FF] =	sst s3  }
0xa: {  	s25 =	sshllo.u32 s6, $0x1;
	s26 =	sshll.u32 s6, $0x13;
	s28 =	smul.u32 $0xA00, s6  }
0xb: {  	s17 =	sshrl.u32 @!p0 s1, $0x3;
	s18 =	sshrl.u32 @!p0 s2, $0x3;
	s8 =	sshrl.u32 s5, $0x1  }
0xc: {  	_ =	strace $0x80000047;
	s4 =	sadd.s32 s9, s1;
	s13 =	sshll.u32 s25, $0x12  }
0xd: {  	s31 =	smul.u32 $0x500, s25;
	s11 =	ssub.s32 s5, s8;
	s5 =	sadd.s32 s9, s2  }
0xe: {  	s9 =	sor.u32 s12, s26;
	s12 =	sor.u32 s12, s13;
	s8 =	sadd.s32 s10, s28  }
0xf: {  	s13 =	simm.s32 $0x4000;
	s29 =	sshrl.u32 s9, $0x3;
	s30 =	sshrl.u32 s12, $0x3  }
0x10: {  	s9 =	sadd.s32 s10, s31;
	s10 =	smax.u32 s11, $0x1;
	s11 =	simm.s32 $0x8580  }
0x11: {  	v0 =	vimm.f32 $0.0e+00;
	v1 =	vimm.f32 $1.000000000e+00;
	s12 =	simm.s32 $0x2;
	s6 =	sadd.s32 s7, s29;
	s7 =	sadd.s32 s7, s30  }
.LBB2_1:
0x12: {  	[tilespmem:$0x8580] =	vst v0  }
0x13: {  	[tilespmem:$0x8590] =	vst v0  }
0x14: {  	[tilespmem:$0x85A0] =	vst v0  }
0x15: {  	[tilespmem:$0x85B0] =	vst v0  }
0x16: {  	[tilespmem:$0x85C0] =	vst v0  }
0x17: {  	[tilespmem:$0x85D0] =	vst v0  }
0x18: {  	[tilespmem:$0x85E0] =	vst v0  }
0x19: {  	[tilespmem:$0x85F0] =	vst v0  }
0x1a: {  	[tilespmem:$0x8600] =	vst v0  }
0x1b: {  	[tilespmem:$0x8610] =	vst v0  }
0x1c: {  	[tilespmem:$0x8620] =	vst v0  }
0x1d: {  	[tilespmem:$0x8630] =	vst v0  }
0x1e: {  	[tilespmem:$0x8640] =	vst v0  }
0x1f: {  	[tilespmem:$0x8650] =	vst v0  }
0x20: {  	[tilespmem:$0x8660] =	vst v0  }
0x21: {  	[tilespmem:$0x8670] =	vst v0  }
0x22: {  	[tilespmem:$0x8680] =	vst v0  }
0x23: {  	[tilespmem:$0x8690] =	vst v0  }
0x24: {  	[tilespmem:$0x86A0] =	vst v0  }
0x25: {  	[tilespmem:$0x86B0] =	vst v0  }
0x26: {  	[tilespmem:$0x86C0] =	vst v0  }
0x27: {  	[tilespmem:$0x86D0] =	vst v0  }
0x28: {  	[tilespmem:$0x86E0] =	vst v0  }
0x29: {  	[tilespmem:$0x86F0] =	vst v0  }
0x2a: {  	[tilespmem:$0x8700] =	vst v0  }
0x2b: {  	[tilespmem:$0x8710] =	vst v0  }
0x2c: {  	[tilespmem:$0x8720] =	vst v0  }
0x2d: {  	[tilespmem:$0x8730] =	vst v0  }
0x2e: {  	[tilespmem:$0x8740] =	vst v0  }
0x2f: {  	[tilespmem:$0x8750] =	vst v0  }
0x30: {  	[tilespmem:$0x8760] =	vst v0  }
0x31: {  	[tilespmem:$0x8770] =	vst v0  }
0x32: {  	[tilespmem:$0x8780] =	vst v0  }
0x33: {  	[tilespmem:$0x8790] =	vst v0  }
0x34: {  	[tilespmem:$0x87A0] =	vst v0  }
0x35: {  	[tilespmem:$0x87B0] =	vst v0  }
0x36: {  	[tilespmem:$0x87C0] =	vst v0  }
0x37: {  	[tilespmem:$0x87D0] =	vst v0  }
0x38: {  	[tilespmem:$0x87E0] =	vst v0  }
0x39: {  	[tilespmem:$0x87F0] =	vst v0  }
0x3a: {  	[tilespmem:$0x8000] =	vst v1  }
0x3b: {  	[tilespmem:$0x8010] =	vst v1  }
0x3c: {  	[tilespmem:$0x8020] =	vst v1  }
0x3d: {  	[tilespmem:$0x8030] =	vst v1  }
0x3e: {  	[tilespmem:$0x8040] =	vst v1  }
0x3f: {  	[spmem:s4] =	stream.linear.scatter [tilespmem:s11], [sflag:$0x2], $0x280, $0x38;
	[tilespmem:$0x8800] =	vst v63  }
0x40: {  	_ =	swait.ge [sflag:s12], $0x280  }
0x41: {  	[sflag:s12] =	ssyncset.done $0x0  }
0x42: {  	[sflag:s12] =	ssyncadd.s32 $0xFFFFFD80  }
0x43: {  	[spmem:s5] =	stream.linear.scatter [tilespmem:s11], [sflag:$0x2], $0x280, $0x38;
	[tilespmem:$0x8800] =	vst v63  }
0x44: {  	_ =	swait.ge [sflag:s12], $0x280  }
0x45: {  	[sflag:s12] =	ssyncset.done $0x0  }
0x46: {  	[sflag:s12] =	ssyncadd.s32 $0xFFFFFD80  }
0x47: {  	[tilespmem:s3], [sflag:$0x2] =	stream.linear.gather [hbm4b:s6+s3], $0x3E80, $0x38;
	[tilespmem:$0x8800] =	vst v63  }
0x48: {  	_ =	swait.ge [sflag:s12], $0x3E80  }
0x49: {  	[sflag:s12] =	ssyncset.done $0x0  }
0x4a: {  	[sflag:s12] =	ssyncadd.s32 $0xFFFFC180  }
0x4b: {  	[tilespmem:s13], [sflag:$0x2] =	stream.linear.gather [hbm4b:s7+s3], $0x3E80, $0x38;
	[tilespmem:$0x8800] =	vst v63  }
0x4c: {  	_ =	swait.ge [sflag:s12], $0x3E80  }
0x4d: {  	[sflag:s12] =	ssyncset.done $0x0  }
0x4e: {  	[sflag:s12] =	ssyncadd.s32 $0xFFFFC180  }
0x4f: {  	s20 =	simm.s32 $0x0;
	[bflag:$0x0] =	sbarrier.arrive $0xFFFF  }
0x50: {  	[spmem:s1] =	stream.indirect.scatter.add.f32 [tilespmem:s15], [sflag:$0x1], $0x1, s20, s14, $0xb8;
	[tilespmem:$0x8800] =	vst v63  }
0x51: {  	s21 =	simm.s32 $0x4000;
	s20 =	simm.s32 $0x200  }
.LBB2_2:
0x52: {  	[spmem:s2] =	stream.indirect.scatter.add.f32 [tilespmem:s15], [sflag:$0x1], $0x1, s21, s14, $0xb8;
	[tilespmem:$0x8800] =	vst v63  }
0x53: {  	s21 =	smov.u32 s20;
	p1 =	sne.s32 s20, $0xF800  }
.Ltmp0:
0x54: {  	s20 =	sadd.s32 $0x200, s20;
	(pc) =	sbr.rel @p1 .LBB2_2-.Ltmp0, $4  }
0x55: {  	_ = 	snop  }
0x56: {  	s21 =	sshra.s32 s21, $0x2  }
0x57: {  	[spmem:s1] =	stream.indirect.scatter.add.f32 [tilespmem:s15], [sflag:$0x1], $0x1, s21, s14, $0xb8;
	[tilespmem:$0x8800] =	vst v63  }
0x58: {  	s21 =	sadd.s32 $0x4000, s21  }
0x59: {  	[spmem:s2] =	stream.indirect.scatter.add.f32 [tilespmem:s15], [sflag:$0x1], $0x1, s21, s14, $0xb8;
	[tilespmem:$0x8800] =	vst v63  }
0x5a: {  	_ =	swait.ge [sflag:s16], $0x50  }
0x5b: {  	[sflag:s16] =	ssyncset.done $0x0  }
0x5c: {  	[sflag:s16] =	ssyncadd.s32 $0xFFFFFFB0  }
0x5d: {  	_ =	swait.ge [sflag:s16], $0x50  }
0x5e: {  	s20 =	simm.s32 $0x7C;
	[sflag:s16] =	ssyncset.done $0x0  }
.LBB2_4:
0x5f: {  	p1 =	sne.s32 s20, $0x1;
	s20 =	sadd.s32 $0xFFFFFFFF, s20;
	[sflag:s16] =	ssyncadd.s32 $0xFFFFFFB0  }
.Ltmp1:
0x60: {  	_ =	swait.ge [sflag:s16], $0x50;
	(pc) =	sbr.rel @p1 .LBB2_4-.Ltmp1, $4  }
0x61: {  	[sflag:s16] =	ssyncset.done $0x0  }
0x62: {  	[sflag:s16] =	ssyncadd.s32 $0xFFFFFFB0  }
0x63: {  	_ =	swait.ge [sflag:s16], $0x50  }
0x64: {  	[sflag:s16] =	ssyncset.done $0x0  }
0x65: {  	[sflag:s16] =	ssyncadd.s32 $0xFFFFFFB0  }
0x66: {  	s20 =	simm.s32 @!p0 $0x1C02;
	s21 =	simm.s32 @!p0 $0x2;
	[bflag:$0x0] =	sbarrier.arrive $0xFFFF  }
0x67: {  	[hbm:s8], [sflag:s20] =	dma.local @!p0 [spmem:s17], $0x500  }
0x68: {  	s19 =	sadd.s32 $0x1, s19;
	_ =	swait.ge @!p0 [sflag:s21], $0x500  }
0x69: {  	p1 =	sne.s32 s19, s10;
	[sflag:s21] =	ssyncset.done @!p0 $0x0  }
.Ltmp2:
0x6a: {  	[sflag:s21] =	ssyncadd.s32 @!p0 $0xFFFFFB00;
	(pc) =	sbr.rel @p1 .LBB2_1-.Ltmp2, $4  }
0x6b: {  	[hbm:s9], [sflag:s20] =	dma.local @!p0 [spmem:s18], $0x500  }
0x6c: {  	_ =	swait.ge @!p0 [sflag:s21], $0x500  }
0x6d: {  	[sflag:s21] =	ssyncset.done @!p0 $0x0  }
0x6e: {  	[sflag:s21] =	ssyncadd.s32 @!p0 $0xFFFFFB00  }
0x6f: {  	_ =	sfence.sel $0x180000  }
0x70: {  	[bflag:$0x0] =	sbarrier.arrive $0xFFFF  }
0x71: {  	_ =	strace $0x90000047  }
0x72: {  	s0 =	sadd.s32 @!p0 $0x100000, s0;
	[bflag:$0x2] =	sbarrier.arrive $0xFFFF  }
0x73: {  	[sflag:s0] =	ssyncadd.tile.s32 @!p0 $0x1;
	_ =	shalt  }
.Lfunc_end2:
_tile_overlayer_lowered:
.L_overlay_start_2:
0x74: {  	(tag) =	ssettag $0x2  }
0x75: {  	s0 =	rddreg [dreg:$0x0];
	s2 =	stileid.u32  }
0x76: {  	s1 =	rddreg [dreg:$0x1];
	p0 =	sne.s32 s2, $0x0  }
0x77: {  	s3 =	rddreg [dreg:$0x2];
	[bflag:$0x3] =	sbarrier.arrive $0xFFFF;
	s2 =	simm.s32 @!p0 $0x1C02  }
0x78: {  	[timem:s3], [sflag:s2] =	dma.local @!p0 [hbm:s0], s1  }
0x79: {  	s0 =	simm.s32 @!p0 $0x2  }
0x7a: {  	_ =	swait.ge @!p0 [sflag:s0], s1  }
0x7b: {  	s1 =	ssub.s32 @!p0 $0x0, s1;
	[sflag:s0] =	ssyncset.done @!p0 $0x0  }
0x7c: {  	[sflag:s0] =	ssyncadd.s32 @!p0 s1  }
0x7d: {  	[bflag:$0x3] =	sbarrier.arrive $0xFFFF  }
0x7e: {  	_ =	shalt  }

// kernel: kernel.9.cloned.1.call-start
scs
__scs_entry_jumppad:
0x0: {  	(pc) =	sbr.rel $0x88, $3  }
0x1: {  	(tag) =	ssettag $0x0;
	lr =	simm.s32 $0x1  }
0x2: {  	[smem:$0x3F97] =	sst lr;
	_ =	strace $0xD0000000  }
0x3: {  	_ = 	snop  }
0x4: {  	_ = 	snop  }
0x5: {  	_ = 	snop  }
0x6: {  	_ = 	snop  }
0x7: {  	_ = 	snop  }
__scs_overlays_trampoline_lowered:
0x8: {  	[smem:$0x3FA6] =	sst s0  }
0x9: {  	[smem:$0x3FA7] =	sst s1  }
0xa: {  	[smem:$0x3FA8] =	sst s2  }
0xb: {  	[smem:$0x3FA9] =	sst s3  }
0xc: {  	[smem:$0x3FAA] =	sst s4  }
0xd: {  	[smem:$0x3FAB] =	sst s5  }
0xe: {  	[smem:$0x3FAC] =	sst s6  }
0xf: {  	[smem:$0x3FAD] =	sst s7  }
0x10: {  	[smem:$0x3FAE] =	sst s8  }
0x11: {  	[smem:$0x3FAF] =	sst s9;
	s0 =	simm.s32 @!p0 $0x0  }
0x12: {  	s1 =	sld [smem:$0x3F95];
	s0 =	simm.s32 @p0 $0x1  }
0x13: {  	[smem:$0x3FB0] =	sst s0;
	s0 =	simm.s32 @!p1 $0x0  }
0x14: {  	s2 =	sld [smem:$0x3F94];
	s0 =	simm.s32 @p1 $0x1  }
0x15: {  	[smem:$0x3FB1] =	sst s0;
	s0 =	simm.s32 @!p2 $0x0  }
0x16: {  	s3 =	sld [smem:$0x3FDB];
	s0 =	simm.s32 @p2 $0x1  }
0x17: {  	s4 =	simm.s32 $0x1BF5;
	[smem:$0x3FB3] =	sst s0  }
0x18: {  	s0 =	sld [smem:$0x3F96];
	_ =	swait.ge [sflag:s4], $0x0  }
0x19: {  	s7 =	sld [smem:$0x3F97]  }
0x1a: {  	s8 =	sadd.s32 $0xFFFFE003, lr  }
0x1b: {  	s9 =	sadd.s32 $0xFFFFFEF7, lr;
	s5 =	simm.s32 $0xFFFFFFFF;
	p2 =	slt.u32 s8, $0xFFFFF086  }
0x1c: {  	p1 =	slt.u32 s9, $0xF7A;
	s5 =	simm.s32 @!p2 $0x0  }
0x1d: {  	s5 =	simm.s32 @p1 $0x1;
	p0 =	seq.s32 s7, s2  }
0x1e: {  	s7 =	smul.u32 @!p0 $0xF7A, s2;
	p2 =	seq.s32 @!p0 s5, $0x0  }
0x1f: {  	s9 =	smul.u32 $0xF7A, s1;
	s8 =	simm.s32 @!p0 $0x1BF5;
	p2 =	por !p2, p0  }
0x20: {  	[sflag:s8] =	ssyncset.s32 @!p0 $0xFFFFF086;
	s6 =	sadd.s32 @!p0 s3, s7;
	s7 =	simm.s32 @!p0 $0x108  }
0x21: {  	s3 =	sadd.s32 s3, s9;
	s6 =	sadd.s32 @!p0 $0x88, s6;
	s7 =	simm.s32 @p2 $0x1082  }
0x22: {  	[simem:s7], [sflag:s8] =	dma.local @!p0 [hbm:s6], $0xF7A  }
0x23: {  	s9 =	sor.u32 $0xD0000000, s2;
	s6 =	simm.s32 $0x108;
	_ =	swait.ge @!p0 [sflag:s8], $0x0  }
0x24: {  	s3 =	sadd.s32 $0x88, s3;
	s6 =	simm.s32 @!p1 $0x1082;
	[sflag:s4] =	ssyncset.s32 $0xFFFFF086  }
0x25: {  	[simem:s6], [sflag:s4] =	dma.local [hbm:s3], $0xF7A  }
0x26: {  	[smem:$0x3F97] =	sst s1;
	(tag) =	ssettag s2;
	_ =	strace s9  }
0x27: {  	s1 =	sld [smem:$0x3FA7]  }
0x28: {  	s2 =	sld [smem:$0x3FA8]  }
0x29: {  	s4 =	sld [smem:$0x3FAA]  }
0x2a: {  	p0 =	seq.s32 s5, $0x0;
	s5 =	sld [smem:$0x3FAB]  }
0x2b: {  	s6 =	sld [smem:$0x3FAC]  }
0x2c: {  	s7 =	sld [smem:$0x3FAD]  }
0x2d: {  	s3 =	simm.s32 $0x108;
	s8 =	sld [smem:$0x3FAE]  }
0x2e: {  	s3 =	simm.s32 @!p0 $0x1082;
	s9 =	sld [smem:$0x3FAF]  }
0x2f: {  	lr =	sadd.s32 s0, s3;
	s0 =	sld [smem:$0x3FA6]  }
0x30: {  	s3 =	sld [smem:$0x3FA9]  }
0x31: {  	[smem:$0x3FB2] =	sst s10  }
0x32: {  	s10 =	sld [smem:$0x3FB0];
	_ =	sdelay $0x3  }
0x33: {  	p0 =	seq.s32 s10, $0x1;
	s10 =	sld [smem:$0x3FB2];
	_ =	sdelay $0x3  }
0x34: {  	[smem:$0x3FB2] =	sst s10  }
0x35: {  	s10 =	sld [smem:$0x3FB1];
	_ =	sdelay $0x3  }
0x36: {  	p1 =	seq.s32 s10, $0x1;
	s10 =	sld [smem:$0x3FB2];
	_ =	sdelay $0x3  }
0x37: {  	[smem:$0x3FB2] =	sst s10  }
0x38: {  	s10 =	sld [smem:$0x3FB3]  }
0x39: {  	_ = 	snop;
	(pc) =	sbr.ind lr, $3  }
0x3a: {  	_ = 	snop  }
0x3b: {  	_ = 	snop  }
0x3c: {  	p2 =	seq.s32 s10, $0x1;
	s10 =	sld [smem:$0x3FB2]  }
0x3d: {  	_ =	shalt  }
0x3e: {  	_ =	shalt  }
0x3f: {  	_ =	shalt  }
0x40: {  	_ =	shalt  }
0x41: {  	_ =	shalt  }
0x42: {  	_ =	shalt  }
0x43: {  	_ =	shalt  }
0x44: {  	_ =	shalt  }
0x45: {  	_ =	shalt  }
0x46: {  	_ =	shalt  }
0x47: {  	_ =	shalt  }
0x48: {  	_ =	shalt  }
0x49: {  	_ =	shalt  }
0x4a: {  	_ =	shalt  }
0x4b: {  	_ =	shalt  }
0x4c: {  	_ =	shalt  }
0x4d: {  	_ =	shalt  }
0x4e: {  	_ =	shalt  }
0x4f: {  	_ =	shalt  }
0x50: {  	_ =	shalt  }
0x51: {  	_ =	shalt  }
0x52: {  	_ =	shalt  }
0x53: {  	_ =	shalt  }
0x54: {  	_ =	shalt  }
0x55: {  	_ =	shalt  }
0x56: {  	_ =	shalt  }
0x57: {  	_ =	shalt  }
0x58: {  	_ =	shalt  }
0x59: {  	_ =	shalt  }
0x5a: {  	_ =	shalt  }
0x5b: {  	_ =	shalt  }
0x5c: {  	_ =	shalt  }
0x5d: {  	_ =	shalt  }
0x5e: {  	_ =	shalt  }
0x5f: {  	_ =	shalt  }
0x60: {  	_ =	shalt  }
0x61: {  	_ =	shalt  }
0x62: {  	_ =	shalt  }
0x63: {  	_ =	shalt  }
0x64: {  	_ =	shalt  }
0x65: {  	_ =	shalt  }
0x66: {  	_ =	shalt  }
0x67: {  	_ =	shalt  }
0x68: {  	_ =	shalt  }
0x69: {  	_ =	shalt  }
0x6a: {  	_ =	shalt  }
0x6b: {  	_ =	shalt  }
0x6c: {  	_ =	shalt  }
0x6d: {  	_ =	shalt  }
0x6e: {  	_ =	shalt  }
0x6f: {  	_ =	shalt  }
0x70: {  	_ =	shalt  }
0x71: {  	_ =	shalt  }
0x72: {  	_ =	shalt  }
0x73: {  	_ =	shalt  }
0x74: {  	_ =	shalt  }
0x75: {  	_ =	shalt  }
0x76: {  	_ =	shalt  }
0x77: {  	_ =	shalt  }
0x78: {  	_ =	shalt  }
0x79: {  	_ =	shalt  }
0x7a: {  	_ =	shalt  }
0x7b: {  	_ =	shalt  }
0x7c: {  	_ =	shalt  }
0x7d: {  	_ =	shalt  }
0x7e: {  	_ =	shalt  }
0x7f: {  	_ =	shalt  }
0x80: {  	_ =	shalt  }
0x81: {  	_ =	shalt  }
0x82: {  	_ =	shalt  }
0x83: {  	_ =	shalt  }
0x84: {  	_ =	shalt  }
0x85: {  	_ =	shalt  }
0x86: {  	_ =	shalt  }
0x87: {  	_ =	shalt  }
.Lfunc_end0:
.L_simem_size_0:
called_computation.1_lowered:
.L_overlay_start_0:
0x88: {  	s2 =	sld [smem:$0x3FD9]  }
0x89: {  	s3 =	sld [smem:$0x3FFE];
	_ =	sdelay $0x1  }
0x8a: {  	s1 =	srdreg.scid  }
0x8b: {  	s0 =	sand.u32 $0x1, s1  }
0x8c: {  	s17 =	sshll.u32 s0, $0xA;
	s2 =	sadd.s32 s3, s2  }
0x8d: {  	s2 =	sadd.s32 s2, s17  }
0x8e: {  	[smem:$0x3FBE] =	sst s2  }
0x8f: {  	_ = 	snop  }
0x90: {  	s2 =	sld [smem:$0x3FD0];
	(tm) =	ssettm $0x1  }
0x91: {  	s18 =	sld [smem:$0x3FFB];
	_ =	sdelay $0x3  }
0x92: {  	_ =	strace s18  }
0x93: {  	s3 =	sld [smem:$0x3FFC];
	_ =	sdelay $0x3  }
0x94: {  	_ =	strace s3  }
0x95: {  	s3 =	sld [smem:$0x3FFD];
	_ =	sdelay $0x3  }
0x96: {  	_ =	strace s3  }
0x97: {  	_ =	strace $0x8FFFFFFF  }
0x98: {  	s19 =	sld [smem:$0x3FDB];
	_ =	sdelay $0x1  }
0x99: {  	s4 =	simm.s32 $_scs_section_size  }
0x9a: {  	s5 =	simm.s32 $_size__tile_overlayer_lowered;
	s6 =	simm.s32 $_tile_overlayer_lowered  }
0x9b: {  	s22 =	simm.s32 $0x1BFF;
	s21 =	sshll.u32 s6, $0x1;
	s3 =	sadd.s32 s4, s19  }
0x9c: {  	s7 =	simm.s32 $0x0;
	s20 =	sshll.u32 s5, $0x1;
	s5 =	sadd.s32 s21, s3  }
0x9d: {  	[timem:s7], [sflag:s22] =	dma.local [hbm:s5], s20  }
0x9e: {  	_ =	swait.ge [sflag:s22], s20  }
0x9f: {  	s4 =	ssub.s32 $0x0, s20;
	[sflag:s22] =	ssyncset.done $0x0  }
0xa0: {  	[sflag:s22] =	ssyncadd.s32 s4;
	_ =	sdelay $0x1  }
0xa1: {  	s23 =	simm.s32 $0x1B8B  }
0xa2: {  	_ =	swait.ge [sflag:s23], $0x1  }
0xa3: {  	[sflag:s23] =	ssyncset.done $0x0  }
0xa4: {  	s25 =	simm.s32 $0x1B8E;
	s24 =	sld [smem:$0x3FFE];
	[sflag:s23] =	ssyncadd.s32 $0xFFFFFFFF  }
0xa5: {  	s26 =	simm.s32 $execute0_lowered;
	[smem:$0x3FD2] =	sst s25  }
0xa6: {  	s5 =	sshll.u32 s26, $0x1;
	_ =	strace $0x80000049;
	[dreg:$0x1] =	wrdreg $0xFFFFFFFF  }
0xa7: {  	s28 =	simm.s32 $_size_execute0_lowered;
	s3 =	sadd.s32 s3, s5;
	[dreg:$0x0] =	wrdreg $0x0  }
0xa8: {  	s5 =	sshll.u32 s28, $0x1;
	[dreg:$0x2] =	wrdreg s3  }
0xa9: {  	[dreg:$0x3] =	wrdreg s5  }
0xaa: {  	[dreg:$0x4] =	wrdreg $0xC0  }
0xab: {  	_ =	task [dreg:s7], $0x5FFFF  }
0xac: {  	[dreg:$0x1] =	wrdreg $0xFFFFFFFF  }
0xad: {  	[dreg:$0x0] =	wrdreg $0x60  }
0xae: {  	[dreg:$0x2] =	wrdreg s2  }
0xaf: {  	[dreg:$0x3] =	wrdreg s24  }
0xb0: {  	[dreg:$0x4] =	wrdreg $0xB9800  }
0xb1: {  	[dreg:$0x5] =	wrdreg $0x9  }
0xb2: {  	_ =	task.clear_ibuf [dreg:s7], $0x6FFFF;
	_ =	strace $0x90000049  }
0xb3: {  	s29 =	simm.s32 $0x9;
	_ =	strace $0x8000004B  }
0xb4: {  	_ =	swait.ge [sflag:s29], $0x1  }
0xb5: {  	[sflag:s29] =	ssyncadd.s32 $0xFFFFFFFF  }
0xb6: {  	_ =	strace $0x9000004B  }
0xb7: {  	_ =	sfence  }
0xb8: {  	s30 =	sld [smem:$0x0];
	_ =	sdelay $0x2  }
0xb9: {  	s31 =	sshll.u32 s1, $0xD;
	s1 =	sshrl.u32 s1, $0x2  }
0xba: {  	s3 =	sand.u32 $0x4000, s31;
	s1 =	sadd.s32 s1, s30  }
0xbb: {  	s0 =	sor.u32 s3, s0;
	s1 =	sshll.u32 s1, $0x11  }
0xbc: {  	s0 =	sor.u32 s1, s0  }
0xbd: {  	s0 =	sadd.s32 $0x8F2B, s0  }
0xbe: {  	[sflag:s0] =	ssyncadd.remote.s32 $0x1  }
0xbf: {  	_ =	sfence.sel $0xFFFF  }
0xc0: {  	[dreg:$0x0] =	wrdreg $0xFFFFFFFF;
	(pc) =	sbr.abs _section_cstart, $3  }
0xc1: {  	[dreg:$0x1] =	wrdreg $0xFFFFFFFF  }
0xc2: {  	_ =	task.clear_ibuf [dreg:s7], $0x2FFFF;
	_ =	strace $0x9FFFFFFF  }
0xc3: {  	(tm) =	ssettm $0x7FFFFFFF  }
tec
execute0_lowered:
.L_overlay_start_1:
0x0: {  	(tag) =	ssettag $0x1  }
0x1: {  	s1 =	rddreg [dreg:$0x0]  }
0x2: {  	s0 =	rddreg [dreg:$0x1];
	s3 =	srdreg.scid  }
0x3: {  	s2 =	rddreg [dreg:$0x2];
	s4 =	simm.s32 $0x0;
	s21 =	stileid.u32  }
0x4: {  	s28 =	simm.s32 $0x5;
	s29 =	simm.s32 $0x7;
	s7 =	smul.u32 $0x2710, s21  }
0x5: {  	s30 =	simm.s32 $0x6;
	s3 =	sand.u32 $0x1, s3;
	s9 =	smul.u32 $0x14000, s21  }
0x6: {  	s31 =	simm.s32 $0x8;
	[smem:$0x7FF] =	sst s4;
	s5 =	smul.u32 $0x140000, s3  }
0x7: {  	s8 =	sadd.s32 $0x12600, s0;
	s6 =	smul.u32 $0x27100, s3;
	s3 =	ssub.s32 $0x2, s3  }
0x8: {  	s10 =	sadd.s32 $0x1C400, s0;
	_ =	strace $0x8000004A;
	s25 =	sshrl.u32 s3, $0x1  }
0x9: {  	s6 =	sadd.s32 s7, s6;
	s5 =	sadd.s32 s9, s5;
	s3 =	ssub.s32 s3, s25  }
0xa: {  	s7 =	smul.u32 $0x50000, s21;
	s26 =	sshrl.u32 s6, $0x3;
	s25 =	sadd.s32 $0x1E0, s6  }
0xb: {  	s5 =	sshrl.u32 s5, $0x3;
	s3 =	smax.u32 s3, $0x1;
	s11 =	sadd.s32 $0xA, s26  }
0xc: {  	s12 =	sadd.s32 s8, s26;
	s17 =	sadd.s32 $0x14, s26;
	[dreg:$0x13] =	wrdreg s3  }
0xd: {  	s18 =	sadd.s32 $0x1E, s26;
	s9 =	sadd.s32 s10, s26;
	[dreg:$0x4] =	wrdreg s12  }
0xe: {  	s14 =	sadd.s32 $0x4D8, s26;
	s16 =	sadd.s32 s8, s11;
	[dreg:$0x9] =	wrdreg s9  }
0xf: {  	s26 =	sadd.s32 $0x190, s6;
	s13 =	sadd.s32 s8, s17;
	[dreg:$0x5] =	wrdreg s16  }
0x10: {  	s6 =	sadd.s32 $0x140, s6;
	s15 =	sadd.s32 s8, s18;
	[dreg:$0x6] =	wrdreg s13  }
0x11: {  	s5 =	sadd.s32 s5, s0;
	s19 =	sadd.s32 s8, s14;
	[dreg:$0x7] =	wrdreg s15  }
0x12: {  	s7 =	sshrl.u32 s7, $0x2;
	s20 =	sadd.s32 s10, s11;
	[dreg:$0x8] =	wrdreg s19  }
0x13: {  	s3 =	simm.s32 $0x0;
	s22 =	sadd.s32 s10, s17;
	[dreg:$0xa] =	wrdreg s20  }
0x14: {  	s23 =	sadd.s32 s10, s18;
	s24 =	sadd.s32 s10, s14;
	[dreg:$0xb] =	wrdreg s22  }
0x15: {  	s9 =	sshrl.u32 s25, $0x3;
	s11 =	sshrl.u32 s26, $0x3;
	[dreg:$0xc] =	wrdreg s23  }
0x16: {  	s6 =	sshrl.u32 s6, $0x3;
	[dreg:$0xd] =	wrdreg s24;
	s15 =	sadd.s32 s9, s8  }
0x17: {  	s16 =	sadd.s32 s11, s8;
	s17 =	sadd.s32 s6, s8;
	s18 =	sadd.s32 s9, s10  }
0x18: {  	s19 =	sadd.s32 s11, s10;
	s20 =	sadd.s32 s6, s10;
	s13 =	sadd.s32 $0xC2800, s5  }
0x19: {  	s10 =	sshll.u32 s21, $0xB;
	s5 =	sadd.s32 $0x112800, s5;
	[dreg:$0x11] =	wrdreg s13  }
0x1a: {  	s21 =	sadd.s32 $0x74600, s0;
	s11 =	sadd.s32 s7, s2;
	[dreg:$0x12] =	wrdreg s5  }
0x1b: {  	s8 =	simm.s32 $0xA;
	s14 =	sadd.s32 $0x2800, s11;
	[dreg:$0xe] =	wrdreg s11  }
0x1c: {  	s9 =	simm.s32 $0x4180;
	s22 =	sadd.s32 $0x5000, s11;
	[dreg:$0x14] =	wrdreg s14  }
0x1d: {  	s7 =	simm.s32 $0x9;
	s23 =	sadd.s32 $0x7800, s11;
	[dreg:$0x15] =	wrdreg s22  }
0x1e: {  	s6 =	sadd.s32 s10, s0;
	s24 =	sadd.s32 $0xA000, s11;
	[dreg:$0x16] =	wrdreg s23  }
0x1f: {  	s25 =	sadd.s32 $0xC800, s11;
	s26 =	sadd.s32 $0xF000, s11;
	[dreg:$0x17] =	wrdreg s24  }
0x20: {  	s0 =	sadd.s32 $0x11800, s11;
	s10 =	simm.s32 $0x80;
	[dreg:$0x18] =	wrdreg s25  }
0x21: {  	s11 =	simm.s32 $0x100;
	s13 =	simm.s32 $0x50;
	[dreg:$0x19] =	wrdreg s26  }
0x22: {  	s12 =	sadd.s32 $0x2600, s6;
	s6 =	sadd.s32 $0xA600, s6;
	[dreg:$0x1a] =	wrdreg s0  }
0x23: {  	s14 =	simm.s32 $0x2;
	s23 =	simm.s32 $0x6980;
	s24 =	simm.s32 $0x4  }
0x24: {  	s25 =	simm.s32 $0x3;
	s26 =	simm.s32 $0x9180;
	[dreg:$0xf] =	wrdreg s12  }
0x25: {  	v0 =	vimm.f32 $0.0e+00;
	[dreg:$0x10] =	wrdreg s6;
	s6 =	simm.s32 $0x180;
	s12 =	simm.s32 $0x1  }
.LBB2_1:
0x26: {  	[dreg:$0x1b] =	wrdreg s3  }
0x27: {  	s0 =	rddreg [dreg:$0xf]  }
0x28: {  	[tilespmem:s6], [sflag:$0xA] =	stream.linear.gather [hbm4b:s0+s4], $0x3E80, $0x38;
	[tilespmem:$0x1F980] =	vst v63  }
0x29: {  	_ =	swait.ge [sflag:s8], $0x3E80  }
0x2a: {  	[sflag:s8] =	ssyncset.done $0x0  }
0x2b: {  	s3 =	simm.s32 $0x40;
	s5 =	simm.s32 $0x0;
	[sflag:s8] =	ssyncadd.s32 $0xFFFFC180  }
.LBB2_2:
0x2c: {  	p0 =	sne.s32 s3, $0x9FC0;
	[tilespmem:s5+$0x4180] =	vst v0;
	s5 =	smov.u32 s3;
	s3 =	sadd.s32 $0x40, s3  }
.Ltmp0:
0x2d: {  	(pc) =	sbr.rel @p0 .LBB2_2-.Ltmp0, $2  }
0x2e: {  	_ =	sdelay $0x2  }
0x2f: {  	s5 =	sshra.s32 s5, $0x2  }
0x30: {  	[tilespmem:s5+$0x4180] =	vst v0;
	s0 =	rddreg [dreg:$0xe]  }
0x31: {  	[spmem:s0] =	stream.linear.scatter [tilespmem:s9], [sflag:$0xA], $0x2800, $0x38;
	[tilespmem:$0x1F980] =	vst v63  }
0x32: {  	_ =	swait.ge [sflag:s8], $0x2800  }
0x33: {  	[sflag:s8] =	ssyncset.done $0x0  }
0x34: {  	s5 =	rddreg [dreg:$0x14];
	[sflag:s8] =	ssyncadd.s32 $0xFFFFD800  }
0x35: {  	[spmem:s5] =	stream.linear.scatter [tilespmem:s9], [sflag:$0xA], $0x2800, $0x38;
	[tilespmem:$0x1F980] =	vst v63  }
0x36: {  	_ =	swait.ge [sflag:s8], $0x2800  }
0x37: {  	[sflag:s8] =	ssyncset.done $0x0  }
0x38: {  	s22 =	rddreg [dreg:$0x15];
	[sflag:s8] =	ssyncadd.s32 $0xFFFFD800  }
0x39: {  	[spmem:s22] =	stream.linear.scatter [tilespmem:s9], [sflag:$0xA], $0x2800, $0x38;
	[tilespmem:$0x1F980] =	vst v63  }
0x3a: {  	_ =	swait.ge [sflag:s8], $0x2800  }
0x3b: {  	[sflag:s8] =	ssyncset.done $0x0  }
0x3c: {  	s3 =	rddreg [dreg:$0x16];
	[sflag:s8] =	ssyncadd.s32 $0xFFFFD800  }
0x3d: {  	[spmem:s3] =	stream.linear.scatter [tilespmem:s9], [sflag:$0xA], $0x2800, $0x38;
	[tilespmem:$0x1F980] =	vst v63  }
0x3e: {  	_ =	swait.ge [sflag:s8], $0x2800  }
0x3f: {  	[sflag:s8] =	ssyncset.done $0x0  }
0x40: {  	s5 =	rddreg [dreg:$0x17];
	[sflag:s8] =	ssyncadd.s32 $0xFFFFD800  }
0x41: {  	[spmem:s5] =	stream.linear.scatter [tilespmem:s9], [sflag:$0xA], $0x2800, $0x38;
	[tilespmem:$0x1F980] =	vst v63  }
0x42: {  	_ =	swait.ge [sflag:s8], $0x2800  }
0x43: {  	[sflag:s8] =	ssyncset.done $0x0  }
0x44: {  	s22 =	rddreg [dreg:$0x18];
	[sflag:s8] =	ssyncadd.s32 $0xFFFFD800  }
0x45: {  	[spmem:s22] =	stream.linear.scatter [tilespmem:s9], [sflag:$0xA], $0x2800, $0x38;
	[tilespmem:$0x1F980] =	vst v63  }
0x46: {  	_ =	swait.ge [sflag:s8], $0x2800  }
0x47: {  	[sflag:s8] =	ssyncset.done $0x0  }
0x48: {  	s3 =	rddreg [dreg:$0x19];
	[sflag:s8] =	ssyncadd.s32 $0xFFFFD800  }
0x49: {  	[spmem:s3] =	stream.linear.scatter [tilespmem:s9], [sflag:$0xA], $0x2800, $0x38;
	[tilespmem:$0x1F980] =	vst v63  }
0x4a: {  	_ =	swait.ge [sflag:s8], $0x2800  }
0x4b: {  	[sflag:s8] =	ssyncset.done $0x0  }
0x4c: {  	s5 =	rddreg [dreg:$0x1a];
	[sflag:s8] =	ssyncadd.s32 $0xFFFFD800  }
0x4d: {  	[spmem:s5] =	stream.linear.scatter [tilespmem:s9], [sflag:$0xA], $0x2800, $0x38;
	[tilespmem:$0x1F980] =	vst v63  }
0x4e: {  	_ =	swait.ge [sflag:s8], $0x2800  }
0x4f: {  	[sflag:s8] =	ssyncset.done $0x0  }
0x50: {  	[sflag:s8] =	ssyncadd.s32 $0xFFFFD800  }
0x51: {  	[bflag:$0x0] =	sbarrier.arrive $0xFFFF  }
0x52: {  	s3 =	simm.s32 $0x0;
	s22 =	rddreg [dreg:$0x4]  }
0x53: {  	[tilespmem:s3], [sflag:$0x1] =	stream.linear.gather [hbm4b:s22+s3], $0x50, $0x38;
	[tilespmem:$0x1F980] =	vst v63  }
0x54: {  	s5 =	rddreg [dreg:$0x5]  }
0x55: {  	[tilespmem:s10], [sflag:$0x2] =	stream.linear.gather [hbm4b:s5+s3], $0x50, $0x38;
	[tilespmem:$0x1F980] =	vst v63  }
0x56: {  	s22 =	rddreg [dreg:$0x6]  }
0x57: {  	[tilespmem:s11], [sflag:$0x3] =	stream.linear.gather [hbm4b:s22+s3], $0x50, $0x38;
	[tilespmem:$0x1F980] =	vst v63  }
0x58: {  	_ =	swait.ge [sflag:s12], $0x50  }
0x59: {  	[sflag:s12] =	ssyncset.done $0x0  }
0x5a: {  	[sflag:s12] =	ssyncadd.s32 $0xFFFFFFB0  }
0x5b: {  	[tilespmem:s9], [sflag:$0x4] =	stream.indirect.gather [hbm4b:s1+s13], $0x80, s3, s13, $0xb8;
	[tilespmem:$0x1F980] =	vst v63  }
0x5c: {  	_ =	swait.ge [sflag:s14], $0x50  }
0x5d: {  	[sflag:s14] =	ssyncset.done $0x0  }
0x5e: {  	[sflag:s14] =	ssyncadd.s32 $0xFFFFFFB0  }
0x5f: {  	[tilespmem:s23], [sflag:$0x5] =	stream.indirect.gather [hbm4b:s1+s13], $0x80, s10, s13, $0xb8;
	[tilespmem:$0x1F980] =	vst v63  }
0x60: {  	_ =	swait.ge [sflag:s24], $0x2800  }
0x61: {  	[sflag:s24] =	ssyncset.done $0x0  }
0x62: {  	[sflag:s24] =	ssyncadd.s32 $0xFFFFD800  }
0x63: {  	[spmem:s2] =	stream.indirect.scatter.add.f32 [tilespmem:s9], [sflag:$0x7], $0x80, s6, s13, $0xb8;
	[tilespmem:$0x1F980] =	vst v63  }
0x64: {  	s5 =	rddreg [dreg:$0x7]  }
0x65: {  	[tilespmem:s3], [sflag:$0x1] =	stream.linear.gather [hbm4b:s5+s3], $0x50, $0x38;
	[tilespmem:$0x1F980] =	vst v63  }
0x66: {  	_ =	swait.ge [sflag:s25], $0x50  }
0x67: {  	[sflag:s25] =	ssyncset.done $0x0  }
0x68: {  	[sflag:s25] =	ssyncadd.s32 $0xFFFFFFB0  }
0x69: {  	[tilespmem:s26], [sflag:$0x6] =	stream.indirect.gather [hbm4b:s1+s13], $0x80, s11, s13, $0xb8;
	[tilespmem:$0x1F980] =	vst v63  }
0x6a: {  	_ =	swait.ge [sflag:s28], $0x2800  }
0x6b: {  	[sflag:s28] =	ssyncset.done $0x0  }
0x6c: {  	s6 =	simm.s32 $0x200;
	[sflag:s28] =	ssyncadd.s32 $0xFFFFD800  }
0x6d: {  	[spmem:s2] =	stream.indirect.scatter.add.f32 [tilespmem:s23], [sflag:$0x8], $0x80, s6, s13, $0xb8;
	[tilespmem:$0x1F980] =	vst v63  }
0x6e: {  	s22 =	sadd.s32 $0x0, s17  }
0x6f: {  	[tilespmem:s10], [sflag:$0x2] =	stream.linear.gather [hbm4b:s22+s4], $0x50, $0x38;
	[tilespmem:$0x1F980] =	vst v63  }
0x70: {  	_ =	swait.ge [sflag:s29], $0x2800  }
0x71: {  	[sflag:s29] =	ssyncset.done $0x0  }
0x72: {  	[sflag:s29] =	ssyncadd.s32 $0xFFFFD800  }
0x73: {  	_ =	swait.ge [sflag:s12], $0x50  }
0x74: {  	[sflag:s12] =	ssyncset.done $0x0  }
0x75: {  	[sflag:s12] =	ssyncadd.s32 $0xFFFFFFB0  }
0x76: {  	[tilespmem:s9], [sflag:$0x4] =	stream.indirect.gather [hbm4b:s1+s13], $0x80, s4, s13, $0xb8;
	[tilespmem:$0x1F980] =	vst v63  }
0x77: {  	_ =	swait.ge [sflag:s30], $0x2800  }
0x78: {  	[sflag:s30] =	ssyncset.done $0x0  }
0x79: {  	s0 =	simm.s32 $0x280;
	[sflag:s30] =	ssyncadd.s32 $0xFFFFD800  }
0x7a: {  	[spmem:s2] =	stream.indirect.scatter.add.f32 [tilespmem:s26], [sflag:$0x9], $0x80, s0, s13, $0xb8;
	[tilespmem:$0x1F980] =	vst v63  }
0x7b: {  	s5 =	sadd.s32 $0x0, s16  }
0x7c: {  	[tilespmem:s11], [sflag:$0x3] =	stream.linear.gather [hbm4b:s5+s4], $0x50, $0x38;
	[tilespmem:$0x1F980] =	vst v63  }
0x7d: {  	_ =	swait.ge [sflag:s31], $0x2800  }
0x7e: {  	[sflag:s31] =	ssyncset.done $0x0  }
0x7f: {  	[sflag:s31] =	ssyncadd.s32 $0xFFFFD800  }
0x80: {  	_ =	swait.ge [sflag:s14], $0x50  }
0x81: {  	[sflag:s14] =	ssyncset.done $0x0  }
0x82: {  	[sflag:s14] =	ssyncadd.s32 $0xFFFFFFB0  }
0x83: {  	[tilespmem:s23], [sflag:$0x5] =	stream.indirect.gather [hbm4b:s1+s13], $0x80, s10, s13, $0xb8;
	[tilespmem:$0x1F980] =	vst v63  }
0x84: {  	_ =	swait.ge [sflag:s24], $0x2800  }
0x85: {  	[sflag:s24] =	ssyncset.done $0x0  }
0x86: {  	s6 =	simm.s32 $0x300;
	[sflag:s24] =	ssyncadd.s32 $0xFFFFD800  }
0x87: {  	[spmem:s2] =	stream.indirect.scatter.add.f32 [tilespmem:s9], [sflag:$0x7], $0x80, s6, s13, $0xb8;
	[tilespmem:$0x1F980] =	vst v63  }
0x88: {  	s22 =	sadd.s32 $0x0, s15  }
0x89: {  	[tilespmem:s4], [sflag:$0x1] =	stream.linear.gather [hbm4b:s22+s4], $0x50, $0x38;
	[tilespmem:$0x1F980] =	vst v63  }
0x8a: {  	_ =	swait.ge [sflag:s7], $0x2800  }
0x8b: {  	[sflag:s7] =	ssyncset.done $0x0  }
0x8c: {  	[sflag:s7] =	ssyncadd.s32 $0xFFFFD800  }
0x8d: {  	_ =	swait.ge [sflag:s25], $0x50  }
0x8e: {  	[sflag:s25] =	ssyncset.done $0x0  }
0x8f: {  	[sflag:s25] =	ssyncadd.s32 $0xFFFFFFB0  }
0x90: {  	[tilespmem:s26], [sflag:$0x6] =	stream.indirect.gather [hbm4b:s1+s13], $0x80, s11, s13, $0xb8;
	[tilespmem:$0x1F980] =	vst v63  }
0x91: {  	_ =	swait.ge [sflag:s28], $0x2800  }
0x92: {  	s3 =	simm.s32 $0x380;
	[sflag:s28] =	ssyncset.done $0x0  }
0x93: {  	s5 =	simm.s32 $0x1E;
	s6 =	simm.s32 $0x500;
	[sflag:s28] =	ssyncadd.s32 $0xFFFFD800  }
.LBB2_4:
0x94: {  	[spmem:s2] =	stream.indirect.scatter.add.f32 [tilespmem:s23], [sflag:$0x8], $0x80, s3, s13, $0xb8;
	[tilespmem:$0x1F980] =	vst v63  }
0x95: {  	s22 =	smov.u32 s5;
	s3 =	smov.u32 s6  }
0x96: {  	p0 =	sne.s32 s5, $0x492;
	s5 =	sadd.s32 $0x1E, s5;
	s0 =	sadd.s32 s22, s17  }
0x97: {  	[tilespmem:s10], [sflag:$0x2] =	stream.linear.gather [hbm4b:s0+s4], $0x50, $0x38;
	[tilespmem:$0x1F980] =	vst v63  }
0x98: {  	_ =	swait.ge [sflag:s29], $0x2800  }
0x99: {  	[sflag:s29] =	ssyncset.done $0x0  }
0x9a: {  	[sflag:s29] =	ssyncadd.s32 $0xFFFFD800  }
0x9b: {  	_ =	swait.ge [sflag:s12], $0x50  }
0x9c: {  	[sflag:s12] =	ssyncset.done $0x0  }
0x9d: {  	[sflag:s12] =	ssyncadd.s32 $0xFFFFFFB0  }
0x9e: {  	[tilespmem:s9], [sflag:$0x4] =	stream.indirect.gather [hbm4b:s1+s13], $0x80, s4, s13, $0xb8;
	[tilespmem:$0x1F980] =	vst v63  }
0x9f: {  	_ =	swait.ge [sflag:s30], $0x2800  }
0xa0: {  	[sflag:s30] =	ssyncset.done $0x0  }
0xa1: {  	s0 =	sadd.s32 $0xFFFFFF00, s6;
	[sflag:s30] =	ssyncadd.s32 $0xFFFFD800  }
0xa2: {  	[spmem:s2] =	stream.indirect.scatter.add.f32 [tilespmem:s26], [sflag:$0x9], $0x80, s0, s13, $0xb8;
	[tilespmem:$0x1F980] =	vst v63  }
0xa3: {  	s0 =	sadd.s32 s22, s16  }
0xa4: {  	[tilespmem:s11], [sflag:$0x3] =	stream.linear.gather [hbm4b:s0+s4], $0x50, $0x38;
	[tilespmem:$0x1F980] =	vst v63  }
0xa5: {  	_ =	swait.ge [sflag:s31], $0x2800  }
0xa6: {  	[sflag:s31] =	ssyncset.done $0x0  }
0xa7: {  	[sflag:s31] =	ssyncadd.s32 $0xFFFFD800  }
0xa8: {  	_ =	swait.ge [sflag:s14], $0x50  }
0xa9: {  	[sflag:s14] =	ssyncset.done $0x0  }
0xaa: {  	[sflag:s14] =	ssyncadd.s32 $0xFFFFFFB0  }
0xab: {  	[tilespmem:s23], [sflag:$0x5] =	stream.indirect.gather [hbm4b:s1+s13], $0x80, s10, s13, $0xb8;
	[tilespmem:$0x1F980] =	vst v63  }
0xac: {  	_ =	swait.ge [sflag:s24], $0x2800  }
0xad: {  	[sflag:s24] =	ssyncset.done $0x0  }
0xae: {  	s0 =	sadd.s32 $0xFFFFFF80, s6;
	[sflag:s24] =	ssyncadd.s32 $0xFFFFD800  }
0xaf: {  	[spmem:s2] =	stream.indirect.scatter.add.f32 [tilespmem:s9], [sflag:$0x7], $0x80, s0, s13, $0xb8;
	[tilespmem:$0x1F980] =	vst v63  }
0xb0: {  	s0 =	sadd.s32 s22, s15  }
0xb1: {  	[tilespmem:s4], [sflag:$0x1] =	stream.linear.gather [hbm4b:s0+s4], $0x50, $0x38;
	[tilespmem:$0x1F980] =	vst v63  }
0xb2: {  	_ =	swait.ge [sflag:s7], $0x2800  }
0xb3: {  	[sflag:s7] =	ssyncset.done $0x0  }
0xb4: {  	[sflag:s7] =	ssyncadd.s32 $0xFFFFD800  }
0xb5: {  	_ =	swait.ge [sflag:s25], $0x50  }
0xb6: {  	[sflag:s25] =	ssyncset.done $0x0  }
.Ltmp1:
0xb7: {  	[sflag:s25] =	ssyncadd.s32 $0xFFFFFFB0;
	(pc) =	sbr.rel @p0 .LBB2_4-.Ltmp1, $4  }
0xb8: {  	[tilespmem:s26], [sflag:$0x6] =	stream.indirect.gather [hbm4b:s1+s13], $0x80, s11, s13, $0xb8;
	[tilespmem:$0x1F980] =	vst v63  }
0xb9: {  	_ =	swait.ge [sflag:s28], $0x2800  }
0xba: {  	[sflag:s28] =	ssyncset.done $0x0  }
0xbb: {  	s6 =	sadd.s32 $0x180, s6;
	[sflag:s28] =	ssyncadd.s32 $0xFFFFD800  }
0xbc: {  	[spmem:s2] =	stream.indirect.scatter.add.f32 [tilespmem:s23], [sflag:$0x8], $0x80, s3, s13, $0xb8;
	[tilespmem:$0x1F980] =	vst v63  }
0xbd: {  	s0 =	simm.s32 $0x0;
	s22 =	rddreg [dreg:$0x8]  }
0xbe: {  	[tilespmem:s10], [sflag:$0x2] =	stream.linear.gather [hbm4b:s22+s0], $0x50, $0x38;
	[tilespmem:$0x1F980] =	vst v63  }
0xbf: {  	_ =	swait.ge [sflag:s29], $0x2800  }
0xc0: {  	[sflag:s29] =	ssyncset.done $0x0  }
0xc1: {  	[sflag:s29] =	ssyncadd.s32 $0xFFFFD800  }
0xc2: {  	_ =	swait.ge [sflag:s12], $0x50  }
0xc3: {  	[sflag:s12] =	ssyncset.done $0x0  }
0xc4: {  	[sflag:s12] =	ssyncadd.s32 $0xFFFFFFB0  }
0xc5: {  	[tilespmem:s9], [sflag:$0x4] =	stream.indirect.gather [hbm4b:s1+s13], $0x80, s0, s13, $0xb8;
	[tilespmem:$0x1F980] =	vst v63  }
0xc6: {  	_ =	swait.ge [sflag:s30], $0x2800  }
0xc7: {  	[sflag:s30] =	ssyncset.done $0x0  }
0xc8: {  	s5 =	simm.s32 $0x3E80;
	[sflag:s30] =	ssyncadd.s32 $0xFFFFD800  }
0xc9: {  	[spmem:s2] =	stream.indirect.scatter.add.f32 [tilespmem:s26], [sflag:$0x9], $0x80, s5, s13, $0xb8;
	[tilespmem:$0x1F980] =	vst v63  }
0xca: {  	_ =	swait.ge [sflag:s31], $0x2800  }
0xcb: {  	[sflag:s31] =	ssyncset.done $0x0  }
0xcc: {  	[sflag:s31] =	ssyncadd.s32 $0xFFFFD800  }
0xcd: {  	_ =	swait.ge [sflag:s14], $0x50  }
0xce: {  	[sflag:s14] =	ssyncset.done $0x0  }
0xcf: {  	[sflag:s14] =	ssyncadd.s32 $0xFFFFFFB0  }
0xd0: {  	[tilespmem:s23], [sflag:$0x5] =	stream.indirect.gather [hbm4b:s1+s13], $0x80, s10, s13, $0xb8;
	[tilespmem:$0x1F980] =	vst v63  }
0xd1: {  	_ =	swait.ge [sflag:s24], $0x2800  }
0xd2: {  	[sflag:s24] =	ssyncset.done $0x0  }
0xd3: {  	s6 =	simm.s32 $0x3F00;
	[sflag:s24] =	ssyncadd.s32 $0xFFFFD800  }
0xd4: {  	[spmem:s2] =	stream.indirect.scatter.add.f32 [tilespmem:s9], [sflag:$0x7], $0x80, s6, s13, $0xb8;
	[tilespmem:$0x1F980] =	vst v63  }
0xd5: {  	_ =	swait.ge [sflag:s28], $0x2800  }
0xd6: {  	[sflag:s28] =	ssyncset.done $0x0  }
0xd7: {  	s22 =	simm.s32 $0x3F80;
	[sflag:s28] =	ssyncadd.s32 $0xFFFFD800  }
0xd8: {  	[spmem:s2] =	stream.indirect.scatter.add.f32 [tilespmem:s23], [sflag:$0x8], $0x80, s22, s13, $0xb8;
	[tilespmem:$0x1F980] =	vst v63  }
0xd9: {  	_ =	swait.ge [sflag:s7], $0x2800  }
0xda: {  	[sflag:s7] =	ssyncset.done $0x0  }
0xdb: {  	[sflag:s7] =	ssyncadd.s32 $0xFFFFD800  }
0xdc: {  	_ =	swait.ge [sflag:s29], $0x2800  }
0xdd: {  	[sflag:s29] =	ssyncset.done $0x0  }
0xde: {  	[sflag:s29] =	ssyncadd.s32 $0xFFFFD800  }
0xdf: {  	_ =	swait.ge [sflag:s31], $0x2800  }
0xe0: {  	[sflag:s31] =	ssyncset.done $0x0  }
0xe1: {  	[sflag:s31] =	ssyncadd.s32 $0xFFFFD800  }
0xe2: {  	s5 =	stileid.u32;
	[bflag:$0x0] =	sbarrier.arrive $0xFFFF  }
0xe3: {  	s3 =	sshll.u32 s5, $0x6;
	s6 =	rddreg [dreg:$0xe]  }
0xe4: {  	s5 =	sor.u32 $0x1C0A, s3;
	s22 =	rddreg [dreg:$0x11]  }
0xe5: {  	[dreg:$0x1c] =	wrdreg s5;
	s6 =	sshrl.u32 s6, $0x3  }
0xe6: {  	[dreg:$0x1d] =	wrdreg s6  }
0xe7: {  	[hbm:s22], [sflag:s5] =	dma.local [spmem:s6], $0x2800  }
0xe8: {  	_ =	swait.ge [sflag:s8], $0x2800  }
0xe9: {  	[sflag:s8] =	ssyncset.done $0x0  }
0xea: {  	[sflag:s8] =	ssyncadd.s32 $0xFFFFD800  }
0xeb: {  	[bflag:$0x0] =	sbarrier.arrive $0xFFFF  }
0xec: {  	s5 =	simm.s32 $0x180;
	s22 =	rddreg [dreg:$0x10]  }
0xed: {  	[tilespmem:s5], [sflag:$0xA] =	stream.linear.gather [hbm4b:s22+s0], $0x3E80, $0x38;
	[tilespmem:$0x1F980] =	vst v63  }
0xee: {  	_ =	swait.ge [sflag:s8], $0x3E80  }
0xef: {  	[sflag:s8] =	ssyncset.done $0x0  }
0xf0: {  	s3 =	simm.s32 $0x40;
	s6 =	simm.s32 $0x0;
	[sflag:s8] =	ssyncadd.s32 $0xFFFFC180  }
.LBB2_6:
0xf1: {  	p0 =	sne.s32 s3, $0x9FC0;
	[tilespmem:s6+$0x4180] =	vst v0;
	s0 =	smov.u32 s3;
	s3 =	sadd.s32 $0x40, s3  }
.Ltmp2:
0xf2: {  	(pc) =	sbr.rel @p0 .LBB2_6-.Ltmp2, $2  }
0xf3: {  	_ =	sdelay $0x2  }
0xf4: {  	s6 =	sshra.s32 s0, $0x2  }
0xf5: {  	[tilespmem:s6+$0x4180] =	vst v0;
	s0 =	rddreg [dreg:$0xe]  }
0xf6: {  	[spmem:s0] =	stream.linear.scatter [tilespmem:s9], [sflag:$0xA], $0x2800, $0x38;
	[tilespmem:$0x1F980] =	vst v63  }
0xf7: {  	_ =	swait.ge [sflag:s8], $0x2800  }
0xf8: {  	[sflag:s8] =	ssyncset.done $0x0  }
0xf9: {  	s3 =	rddreg [dreg:$0x14];
	[sflag:s8] =	ssyncadd.s32 $0xFFFFD800  }
0xfa: {  	[spmem:s3] =	stream.linear.scatter [tilespmem:s9], [sflag:$0xA], $0x2800, $0x38;
	[tilespmem:$0x1F980] =	vst v63  }
0xfb: {  	_ =	swait.ge [sflag:s8], $0x2800  }
0xfc: {  	[sflag:s8] =	ssyncset.done $0x0  }
0xfd: {  	s6 =	rddreg [dreg:$0x15];
	[sflag:s8] =	ssyncadd.s32 $0xFFFFD800  }
0xfe: {  	[spmem:s6] =	stream.linear.scatter [tilespmem:s9], [sflag:$0xA], $0x2800, $0x38;
	[tilespmem:$0x1F980] =	vst v63  }
0xff: {  	_ =	swait.ge [sflag:s8], $0x2800  }
0x100: {  	[sflag:s8] =	ssyncset.done $0x0  }
0x101: {  	s22 =	rddreg [dreg:$0x16];
	[sflag:s8] =	ssyncadd.s32 $0xFFFFD800  }
0x102: {  	[spmem:s22] =	stream.linear.scatter [tilespmem:s9], [sflag:$0xA], $0x2800, $0x38;
	[tilespmem:$0x1F980] =	vst v63  }
0x103: {  	_ =	swait.ge [sflag:s8], $0x2800  }
0x104: {  	[sflag:s8] =	ssyncset.done $0x0  }
0x105: {  	s3 =	rddreg [dreg:$0x17];
	[sflag:s8] =	ssyncadd.s32 $0xFFFFD800  }
0x106: {  	[spmem:s3] =	stream.linear.scatter [tilespmem:s9], [sflag:$0xA], $0x2800, $0x38;
	[tilespmem:$0x1F980] =	vst v63  }
0x107: {  	_ =	swait.ge [sflag:s8], $0x2800  }
0x108: {  	[sflag:s8] =	ssyncset.done $0x0  }
0x109: {  	s6 =	rddreg [dreg:$0x18];
	[sflag:s8] =	ssyncadd.s32 $0xFFFFD800  }
0x10a: {  	[spmem:s6] =	stream.linear.scatter [tilespmem:s9], [sflag:$0xA], $0x2800, $0x38;
	[tilespmem:$0x1F980] =	vst v63  }
0x10b: {  	_ =	swait.ge [sflag:s8], $0x2800  }
0x10c: {  	[sflag:s8] =	ssyncset.done $0x0  }
0x10d: {  	s22 =	rddreg [dreg:$0x19];
	[sflag:s8] =	ssyncadd.s32 $0xFFFFD800  }
0x10e: {  	[spmem:s22] =	stream.linear.scatter [tilespmem:s9], [sflag:$0xA], $0x2800, $0x38;
	[tilespmem:$0x1F980] =	vst v63  }
0x10f: {  	_ =	swait.ge [sflag:s8], $0x2800  }
0x110: {  	[sflag:s8] =	ssyncset.done $0x0  }
0x111: {  	s3 =	rddreg [dreg:$0x1a];
	[sflag:s8] =	ssyncadd.s32 $0xFFFFD800  }
0x112: {  	[spmem:s3] =	stream.linear.scatter [tilespmem:s9], [sflag:$0xA], $0x2800, $0x38;
	[tilespmem:$0x1F980] =	vst v63  }
0x113: {  	_ =	swait.ge [sflag:s8], $0x2800  }
0x114: {  	[sflag:s8] =	ssyncset.done $0x0  }
0x115: {  	[sflag:s8] =	ssyncadd.s32 $0xFFFFD800  }
0x116: {  	[bflag:$0x0] =	sbarrier.arrive $0xFFFF  }
0x117: {  	s0 =	simm.s32 $0x0;
	s3 =	rddreg [dreg:$0x9]  }
0x118: {  	[tilespmem:s0], [sflag:$0x1] =	stream.linear.gather [hbm4b:s3+s0], $0x50, $0x38;
	[tilespmem:$0x1F980] =	vst v63  }
0x119: {  	s6 =	rddreg [dreg:$0xa]  }
0x11a: {  	[tilespmem:s10], [sflag:$0x2] =	stream.linear.gather [hbm4b:s6+s0], $0x50, $0x38;
	[tilespmem:$0x1F980] =	vst v63  }
0x11b: {  	s22 =	rddreg [dreg:$0xb]  }
0x11c: {  	[tilespmem:s11], [sflag:$0x3] =	stream.linear.gather [hbm4b:s22+s0], $0x50, $0x38;
	[tilespmem:$0x1F980] =	vst v63  }
0x11d: {  	_ =	swait.ge [sflag:s12], $0x50  }
0x11e: {  	[sflag:s12] =	ssyncset.done $0x0  }
0x11f: {  	[sflag:s12] =	ssyncadd.s32 $0xFFFFFFB0  }
0x120: {  	[tilespmem:s9], [sflag:$0x4] =	stream.indirect.gather [hbm4b:s21+s13], $0x80, s0, s13, $0xb8;
	[tilespmem:$0x1F980] =	vst v63  }
0x121: {  	_ =	swait.ge [sflag:s14], $0x50  }
0x122: {  	[sflag:s14] =	ssyncset.done $0x0  }
0x123: {  	[sflag:s14] =	ssyncadd.s32 $0xFFFFFFB0  }
0x124: {  	[tilespmem:s23], [sflag:$0x5] =	stream.indirect.gather [hbm4b:s21+s13], $0x80, s10, s13, $0xb8;
	[tilespmem:$0x1F980] =	vst v63  }
0x125: {  	_ =	swait.ge [sflag:s24], $0x2800  }
0x126: {  	[sflag:s24] =	ssyncset.done $0x0  }
0x127: {  	[sflag:s24] =	ssyncadd.s32 $0xFFFFD800  }
0x128: {  	[spmem:s2] =	stream.indirect.scatter.add.f32 [tilespmem:s9], [sflag:$0x7], $0x80, s5, s13, $0xb8;
	[tilespmem:$0x1F980] =	vst v63  }
0x129: {  	s5 =	rddreg [dreg:$0xc]  }
0x12a: {  	[tilespmem:s0], [sflag:$0x1] =	stream.linear.gather [hbm4b:s5+s0], $0x50, $0x38;
	[tilespmem:$0x1F980] =	vst v63  }
0x12b: {  	_ =	swait.ge [sflag:s25], $0x50  }
0x12c: {  	[sflag:s25] =	ssyncset.done $0x0  }
0x12d: {  	[sflag:s25] =	ssyncadd.s32 $0xFFFFFFB0  }
0x12e: {  	[tilespmem:s26], [sflag:$0x6] =	stream.indirect.gather [hbm4b:s21+s13], $0x80, s11, s13, $0xb8;
	[tilespmem:$0x1F980] =	vst v63  }
0x12f: {  	_ =	swait.ge [sflag:s28], $0x2800  }
0x130: {  	[sflag:s28] =	ssyncset.done $0x0  }
0x131: {  	s6 =	simm.s32 $0x200;
	[sflag:s28] =	ssyncadd.s32 $0xFFFFD800  }
0x132: {  	[spmem:s2] =	stream.indirect.scatter.add.f32 [tilespmem:s23], [sflag:$0x8], $0x80, s6, s13, $0xb8;
	[tilespmem:$0x1F980] =	vst v63  }
0x133: {  	s22 =	sadd.s32 $0x0, s20  }
0x134: {  	[tilespmem:s10], [sflag:$0x2] =	stream.linear.gather [hbm4b:s22+s4], $0x50, $0x38;
	[tilespmem:$0x1F980] =	vst v63  }
0x135: {  	_ =	swait.ge [sflag:s29], $0x2800  }
0x136: {  	[sflag:s29] =	ssyncset.done $0x0  }
0x137: {  	[sflag:s29] =	ssyncadd.s32 $0xFFFFD800  }
0x138: {  	_ =	swait.ge [sflag:s12], $0x50  }
0x139: {  	[sflag:s12] =	ssyncset.done $0x0  }
0x13a: {  	[sflag:s12] =	ssyncadd.s32 $0xFFFFFFB0  }
0x13b: {  	[tilespmem:s9], [sflag:$0x4] =	stream.indirect.gather [hbm4b:s21+s13], $0x80, s4, s13, $0xb8;
	[tilespmem:$0x1F980] =	vst v63  }
0x13c: {  	_ =	swait.ge [sflag:s30], $0x2800  }
0x13d: {  	[sflag:s30] =	ssyncset.done $0x0  }
0x13e: {  	s3 =	simm.s32 $0x280;
	[sflag:s30] =	ssyncadd.s32 $0xFFFFD800  }
0x13f: {  	[spmem:s2] =	stream.indirect.scatter.add.f32 [tilespmem:s26], [sflag:$0x9], $0x80, s3, s13, $0xb8;
	[tilespmem:$0x1F980] =	vst v63  }
0x140: {  	s5 =	sadd.s32 $0x0, s19  }
0x141: {  	[tilespmem:s11], [sflag:$0x3] =	stream.linear.gather [hbm4b:s5+s4], $0x50, $0x38;
	[tilespmem:$0x1F980] =	vst v63  }
0x142: {  	_ =	swait.ge [sflag:s31], $0x2800  }
0x143: {  	[sflag:s31] =	ssyncset.done $0x0  }
0x144: {  	[sflag:s31] =	ssyncadd.s32 $0xFFFFD800  }
0x145: {  	_ =	swait.ge [sflag:s14], $0x50  }
0x146: {  	[sflag:s14] =	ssyncset.done $0x0  }
0x147: {  	[sflag:s14] =	ssyncadd.s32 $0xFFFFFFB0  }
0x148: {  	[tilespmem:s23], [sflag:$0x5] =	stream.indirect.gather [hbm4b:s21+s13], $0x80, s10, s13, $0xb8;
	[tilespmem:$0x1F980] =	vst v63  }
0x149: {  	_ =	swait.ge [sflag:s24], $0x2800  }
0x14a: {  	[sflag:s24] =	ssyncset.done $0x0  }
0x14b: {  	s6 =	simm.s32 $0x300;
	[sflag:s24] =	ssyncadd.s32 $0xFFFFD800  }
0x14c: {  	[spmem:s2] =	stream.indirect.scatter.add.f32 [tilespmem:s9], [sflag:$0x7], $0x80, s6, s13, $0xb8;
	[tilespmem:$0x1F980] =	vst v63  }
0x14d: {  	s22 =	sadd.s32 $0x0, s18  }
0x14e: {  	[tilespmem:s4], [sflag:$0x1] =	stream.linear.gather [hbm4b:s22+s4], $0x50, $0x38;
	[tilespmem:$0x1F980] =	vst v63  }
0x14f: {  	_ =	swait.ge [sflag:s7], $0x2800  }
0x150: {  	[sflag:s7] =	ssyncset.done $0x0  }
0x151: {  	[sflag:s7] =	ssyncadd.s32 $0xFFFFD800  }
0x152: {  	_ =	swait.ge [sflag:s25], $0x50  }
0x153: {  	[sflag:s25] =	ssyncset.done $0x0  }
0x154: {  	[sflag:s25] =	ssyncadd.s32 $0xFFFFFFB0  }
0x155: {  	[tilespmem:s26], [sflag:$0x6] =	stream.indirect.gather [hbm4b:s21+s13], $0x80, s11, s13, $0xb8;
	[tilespmem:$0x1F980] =	vst v63  }
0x156: {  	_ =	swait.ge [sflag:s28], $0x2800  }
0x157: {  	s3 =	simm.s32 $0x500;
	[sflag:s28] =	ssyncset.done $0x0  }
0x158: {  	s6 =	simm.s32 $0x380;
	s22 =	simm.s32 $0x1E;
	[sflag:s28] =	ssyncadd.s32 $0xFFFFD800  }
.LBB2_8:
0x159: {  	[spmem:s2] =	stream.indirect.scatter.add.f32 [tilespmem:s23], [sflag:$0x8], $0x80, s6, s13, $0xb8;
	[tilespmem:$0x1F980] =	vst v63  }
0x15a: {  	s0 =	smov.u32 s22;
	s6 =	smov.u32 s3  }
0x15b: {  	p0 =	sne.s32 s22, $0x492;
	s22 =	sadd.s32 $0x1E, s22;
	s5 =	sadd.s32 s0, s20  }
0x15c: {  	[tilespmem:s10], [sflag:$0x2] =	stream.linear.gather [hbm4b:s5+s4], $0x50, $0x38;
	[tilespmem:$0x1F980] =	vst v63  }
0x15d: {  	_ =	swait.ge [sflag:s29], $0x2800  }
0x15e: {  	[sflag:s29] =	ssyncset.done $0x0  }
0x15f: {  	[sflag:s29] =	ssyncadd.s32 $0xFFFFD800  }
0x160: {  	_ =	swait.ge [sflag:s12], $0x50  }
0x161: {  	[sflag:s12] =	ssyncset.done $0x0  }
0x162: {  	[sflag:s12] =	ssyncadd.s32 $0xFFFFFFB0  }
0x163: {  	[tilespmem:s9], [sflag:$0x4] =	stream.indirect.gather [hbm4b:s21+s13], $0x80, s4, s13, $0xb8;
	[tilespmem:$0x1F980] =	vst v63  }
0x164: {  	_ =	swait.ge [sflag:s30], $0x2800  }
0x165: {  	[sflag:s30] =	ssyncset.done $0x0  }
0x166: {  	s5 =	sadd.s32 $0xFFFFFF00, s3;
	[sflag:s30] =	ssyncadd.s32 $0xFFFFD800  }
0x167: {  	[spmem:s2] =	stream.indirect.scatter.add.f32 [tilespmem:s26], [sflag:$0x9], $0x80, s5, s13, $0xb8;
	[tilespmem:$0x1F980] =	vst v63  }
0x168: {  	s5 =	sadd.s32 s0, s19  }
0x169: {  	[tilespmem:s11], [sflag:$0x3] =	stream.linear.gather [hbm4b:s5+s4], $0x50, $0x38;
	[tilespmem:$0x1F980] =	vst v63  }
0x16a: {  	_ =	swait.ge [sflag:s31], $0x2800  }
0x16b: {  	[sflag:s31] =	ssyncset.done $0x0  }
0x16c: {  	[sflag:s31] =	ssyncadd.s32 $0xFFFFD800  }
0x16d: {  	_ =	swait.ge [sflag:s14], $0x50  }
0x16e: {  	[sflag:s14] =	ssyncset.done $0x0  }
0x16f: {  	[sflag:s14] =	ssyncadd.s32 $0xFFFFFFB0  }
0x170: {  	[tilespmem:s23], [sflag:$0x5] =	stream.indirect.gather [hbm4b:s21+s13], $0x80, s10, s13, $0xb8;
	[tilespmem:$0x1F980] =	vst v63  }
0x171: {  	_ =	swait.ge [sflag:s24], $0x2800  }
0x172: {  	[sflag:s24] =	ssyncset.done $0x0  }
0x173: {  	s5 =	sadd.s32 $0xFFFFFF80, s3;
	[sflag:s24] =	ssyncadd.s32 $0xFFFFD800  }
0x174: {  	[spmem:s2] =	stream.indirect.scatter.add.f32 [tilespmem:s9], [sflag:$0x7], $0x80, s5, s13, $0xb8;
	[tilespmem:$0x1F980] =	vst v63  }
0x175: {  	s0 =	sadd.s32 s0, s18  }
0x176: {  	[tilespmem:s4], [sflag:$0x1] =	stream.linear.gather [hbm4b:s0+s4], $0x50, $0x38;
	[tilespmem:$0x1F980] =	vst v63  }
0x177: {  	_ =	swait.ge [sflag:s7], $0x2800  }
0x178: {  	[sflag:s7] =	ssyncset.done $0x0  }
0x179: {  	[sflag:s7] =	ssyncadd.s32 $0xFFFFD800  }
0x17a: {  	_ =	swait.ge [sflag:s25], $0x50  }
0x17b: {  	[sflag:s25] =	ssyncset.done $0x0  }
.Ltmp3:
0x17c: {  	[sflag:s25] =	ssyncadd.s32 $0xFFFFFFB0;
	(pc) =	sbr.rel @p0 .LBB2_8-.Ltmp3, $4  }
0x17d: {  	[tilespmem:s26], [sflag:$0x6] =	stream.indirect.gather [hbm4b:s21+s13], $0x80, s11, s13, $0xb8;
	[tilespmem:$0x1F980] =	vst v63  }
0x17e: {  	_ =	swait.ge [sflag:s28], $0x2800  }
0x17f: {  	[sflag:s28] =	ssyncset.done $0x0  }
0x180: {  	s3 =	sadd.s32 $0x180, s3;
	[sflag:s28] =	ssyncadd.s32 $0xFFFFD800  }
0x181: {  	[spmem:s2] =	stream.indirect.scatter.add.f32 [tilespmem:s23], [sflag:$0x8], $0x80, s6, s13, $0xb8;
	[tilespmem:$0x1F980] =	vst v63  }
0x182: {  	s0 =	rddreg [dreg:$0xd]  }
0x183: {  	[tilespmem:s10], [sflag:$0x2] =	stream.linear.gather [hbm4b:s0+s4], $0x50, $0x38;
	[tilespmem:$0x1F980] =	vst v63  }
0x184: {  	_ =	swait.ge [sflag:s29], $0x2800  }
0x185: {  	[sflag:s29] =	ssyncset.done $0x0  }
0x186: {  	[sflag:s29] =	ssyncadd.s32 $0xFFFFD800  }
0x187: {  	_ =	swait.ge [sflag:s12], $0x50  }
0x188: {  	[sflag:s12] =	ssyncset.done $0x0  }
0x189: {  	[sflag:s12] =	ssyncadd.s32 $0xFFFFFFB0  }
0x18a: {  	[tilespmem:s9], [sflag:$0x4] =	stream.indirect.gather [hbm4b:s21+s13], $0x80, s4, s13, $0xb8;
	[tilespmem:$0x1F980] =	vst v63  }
0x18b: {  	_ =	swait.ge [sflag:s30], $0x2800  }
0x18c: {  	[sflag:s30] =	ssyncset.done $0x0  }
0x18d: {  	s3 =	simm.s32 $0x3E80;
	[sflag:s30] =	ssyncadd.s32 $0xFFFFD800  }
0x18e: {  	[spmem:s2] =	stream.indirect.scatter.add.f32 [tilespmem:s26], [sflag:$0x9], $0x80, s3, s13, $0xb8;
	[tilespmem:$0x1F980] =	vst v63  }
0x18f: {  	_ =	swait.ge [sflag:s31], $0x2800  }
0x190: {  	[sflag:s31] =	ssyncset.done $0x0  }
0x191: {  	[sflag:s31] =	ssyncadd.s32 $0xFFFFD800  }
0x192: {  	_ =	swait.ge [sflag:s14], $0x50  }
0x193: {  	[sflag:s14] =	ssyncset.done $0x0  }
0x194: {  	[sflag:s14] =	ssyncadd.s32 $0xFFFFFFB0  }
0x195: {  	[tilespmem:s23], [sflag:$0x5] =	stream.indirect.gather [hbm4b:s21+s13], $0x80, s10, s13, $0xb8;
	[tilespmem:$0x1F980] =	vst v63  }
0x196: {  	_ =	swait.ge [sflag:s24], $0x2800  }
0x197: {  	[sflag:s24] =	ssyncset.done $0x0  }
0x198: {  	s5 =	simm.s32 $0x3F00;
	[sflag:s24] =	ssyncadd.s32 $0xFFFFD800  }
0x199: {  	[spmem:s2] =	stream.indirect.scatter.add.f32 [tilespmem:s9], [sflag:$0x7], $0x80, s5, s13, $0xb8;
	[tilespmem:$0x1F980] =	vst v63  }
0x19a: {  	_ =	swait.ge [sflag:s28], $0x2800  }
0x19b: {  	[sflag:s28] =	ssyncset.done $0x0  }
0x19c: {  	s6 =	simm.s32 $0x3F80;
	[sflag:s28] =	ssyncadd.s32 $0xFFFFD800  }
0x19d: {  	[spmem:s2] =	stream.indirect.scatter.add.f32 [tilespmem:s23], [sflag:$0x8], $0x80, s6, s13, $0xb8;
	[tilespmem:$0x1F980] =	vst v63  }
0x19e: {  	_ =	swait.ge [sflag:s7], $0x2800  }
0x19f: {  	[sflag:s7] =	ssyncset.done $0x0  }
0x1a0: {  	[sflag:s7] =	ssyncadd.s32 $0xFFFFD800  }
0x1a1: {  	_ =	swait.ge [sflag:s29], $0x2800  }
0x1a2: {  	[sflag:s29] =	ssyncset.done $0x0  }
0x1a3: {  	[sflag:s29] =	ssyncadd.s32 $0xFFFFD800  }
0x1a4: {  	_ =	swait.ge [sflag:s31], $0x2800  }
0x1a5: {  	[sflag:s31] =	ssyncset.done $0x0  }
0x1a6: {  	[sflag:s31] =	ssyncadd.s32 $0xFFFFD800  }
0x1a7: {  	[bflag:$0x0] =	sbarrier.arrive $0xFFFF  }
0x1a8: {  	s22 =	rddreg [dreg:$0x12]  }
0x1a9: {  	s3 =	rddreg [dreg:$0x1c]  }
0x1aa: {  	s5 =	rddreg [dreg:$0x1d]  }
0x1ab: {  	[hbm:s22], [sflag:s3] =	dma.local [spmem:s5], $0x2800  }
0x1ac: {  	_ =	swait.ge [sflag:s8], $0x2800  }
0x1ad: {  	s6 =	rddreg [dreg:$0x1b]  }
0x1ae: {  	s22 =	rddreg [dreg:$0x13];
	s3 =	sadd.s32 $0x1, s6  }
0x1af: {  	p0 =	sne.s32 s3, s22  }
.Ltmp4:
0x1b0: {  	_ = 	snop;
	(pc) =	sbr.rel @p0 .LBB2_1-.Ltmp4, $4  }
0x1b1: {  	[sflag:s8] =	ssyncset.done $0x0  }
0x1b2: {  	[sflag:s8] =	ssyncadd.s32 $0xFFFFD800  }
0x1b3: {  	[bflag:$0x0] =	sbarrier.arrive $0xFFFF  }
0x1b4: {  	s6 =	simm.s32 $0x180  }
0x1b5: {  	_ =	sfence.sel $0x180000  }
0x1b6: {  	[bflag:$0x0] =	sbarrier.arrive $0xFFFF  }
0x1b7: {  	_ =	strace $0x9000004A  }
0x1b8: {  	s0 =	stileid.u32;
	[bflag:$0x2] =	sbarrier.arrive $0xFFFF  }
0x1b9: {  	p0 =	sne.s32 s0, $0x0;
	s0 =	rddreg [dreg:$0x3]  }
0x1ba: {  	s0 =	sadd.s32 @!p0 $0x100000, s0  }
0x1bb: {  	[sflag:s0] =	ssyncadd.tile.s32 @!p0 $0x1;
	_ =	shalt  }
.Lfunc_end2:
_tile_overlayer_lowered:
.L_overlay_start_2:
0x1bc: {  	(tag) =	ssettag $0x2  }
0x1bd: {  	s0 =	rddreg [dreg:$0x0];
	s2 =	stileid.u32  }
0x1be: {  	s1 =	rddreg [dreg:$0x1];
	p0 =	sne.s32 s2, $0x0  }
0x1bf: {  	s3 =	rddreg [dreg:$0x2];
	[bflag:$0x3] =	sbarrier.arrive $0xFFFF;
	s2 =	simm.s32 @!p0 $0x1C0A  }
0x1c0: {  	[timem:s3], [sflag:s2] =	dma.local @!p0 [hbm:s0], s1  }
0x1c1: {  	s0 =	simm.s32 @!p0 $0xA  }
0x1c2: {  	_ =	swait.ge @!p0 [sflag:s0], s1  }
0x1c3: {  	s1 =	ssub.s32 @!p0 $0x0, s1;
	[sflag:s0] =	ssyncset.done @!p0 $0x0  }
0x1c4: {  	[sflag:s0] =	ssyncadd.s32 @!p0 s1  }
0x1c5: {  	[bflag:$0x3] =	sbarrier.arrive $0xFFFF  }
0x1c6: {  	_ =	shalt  }

</sc_bundles>
